<compile_context>
chip_gen: v7x
topology: tpu7x:2x2x1
jax: 0.10.2.dev20260603
libtpu: 0.0.44.dev20260713+nightly
codegen_flags: <defaults>
</compile_context>

<pallas_src>
import functools

import jax
import jax.numpy as jnp
from jax import lax
from jax.experimental import pallas as pl
from jax.experimental.pallas import tpu as pltpu
from jax.experimental.pallas import tpu_sc as plsc

_N = 10000
_E = 320000
_D = 128
_NC = 2
_NS = 16
_NW = _NC * _NS
_CHUNK = 128
_HC = 64
_SC4 = 4
_ESC = _E // (_CHUNK * _SC4)
_SPW = _ESC // _NW
_XS = _ESC - _SPW * _NW
_RA = 632
_RB = _N - (_NS - 1) * _RA


def _worker_chunks(c, s):
    wid = s * _NC + c
    base = wid * _SPW + jnp.minimum(wid, _XS)
    nj = (_SPW + jnp.where(wid < _XS, 1, 0)) * _SC4
    return wid, base, nj


def _stage_idx(e_hbm, plane, wid, base, idx_v):
    @pl.when(wid < _XS)
    def _():
        pltpu.sync_copy(e_hbm.at[plane, pl.ds(base, _SPW + 1)], idx_v)

    @pl.when(wid >= _XS)
    def _():
        pltpu.sync_copy(e_hbm.at[plane, pl.ds(base, _SPW)],
                        idx_v.at[pl.ds(0, _SPW)])


def _copy_acc(src_fn, dst_fn, s):
    @pl.when(s < _NS - 1)
    def _():
        pltpu.sync_copy(src_fn(_RA, s * _RA), dst_fn(_RA, s * _RA))

    @pl.when(s == _NS - 1)
    def _():
        pltpu.sync_copy(src_fn(_RB, s * _RA), dst_fn(_RB, s * _RA))


@functools.lru_cache(maxsize=None)
def _build_deg_kernel():
    mesh = plsc.VectorSubcoreMesh(core_axis_name="c", subcore_axis_name="s")

    @functools.partial(
        pl.kernel,
        mesh=mesh,
        out_type=jax.ShapeDtypeStruct((_NC, _N, _D), jnp.float32),
        scratch_types=[
            pltpu.VMEM((_SPW + 1, _SC4, _CHUNK), jnp.int32),
            pltpu.VMEM((_CHUNK, _D), jnp.float32),
            pltpu.VMEM_SHARED((_N, _D), jnp.float32),
        ],
    )
    def deg_kernel(e_hbm, zeros_hbm, ones_hbm, out_hbm, dst_v, ones_v,
                   acc_sh):
        c = lax.axis_index("c")
        s = lax.axis_index("s")
        wid, base, nj = _worker_chunks(c, s)
        _copy_acc(lambda n, r: zeros_hbm.at[pl.ds(0, n)],
                  lambda n, r: acc_sh.at[pl.ds(r, n)], s)
        _stage_idx(e_hbm, 1, wid, base, dst_v)
        pltpu.sync_copy(ones_hbm, ones_v)
        plsc.subcore_barrier()

        def body(j, carry):
            q = j // _SC4
            r = j - q * _SC4
            pltpu.sync_copy(ones_v, acc_sh.at[dst_v.at[q, r]], add=True)
            return carry

        lax.fori_loop(0, nj, body, 0)
        plsc.subcore_barrier()
        _copy_acc(lambda n, r: acc_sh.at[pl.ds(r, n)],
                  lambda n, r: out_hbm.at[c, pl.ds(r, n)], s)

    return deg_kernel


@functools.lru_cache(maxsize=None)
def _build_agg_kernel():
    mesh = plsc.VectorSubcoreMesh(core_axis_name="c", subcore_axis_name="s")

    @functools.partial(
        pl.kernel,
        mesh=mesh,
        out_type=jax.ShapeDtypeStruct((_NC, _N, _D), jnp.float32),
        scratch_types=[
            pltpu.VMEM((_SPW + 1, _SC4, _CHUNK), jnp.int32),
            pltpu.VMEM((_SPW + 1, _SC4, _CHUNK), jnp.int32),
            pltpu.VMEM((_HC, _D), jnp.float32),
            pltpu.VMEM((_HC, _D), jnp.float32),
            pltpu.VMEM_SHARED((_N, _D), jnp.float32),
            pltpu.SemaphoreType.DMA,
            pltpu.SemaphoreType.DMA,
        ],
    )
    def agg_kernel(h_hbm, e_hbm, zeros_hbm, out_hbm,
                   src_v, dst_v, rows_a, rows_b, acc_sh, sem_a, sem_b):
        c = lax.axis_index("c")
        s = lax.axis_index("s")
        wid, base, nj = _worker_chunks(c, s)
        _stage_idx(e_hbm, 0, wid, base, src_v)
        pltpu.async_copy(h_hbm.at[src_v.at[0, 0, pl.ds(0, _HC)]],
                         rows_a, sem_a)
        pltpu.async_copy(h_hbm.at[src_v.at[0, 0, pl.ds(_HC, _HC)]],
                         rows_b, sem_b)
        _copy_acc(lambda n, r: zeros_hbm.at[pl.ds(0, n)],
                  lambda n, r: acc_sh.at[pl.ds(r, n)], s)
        _stage_idx(e_hbm, 1, wid, base, dst_v)
        plsc.subcore_barrier()

        def body(i, carry):
            q = i // _SC4
            r = i - q * _SC4
            pltpu.make_async_copy(h_hbm.at[src_v.at[q, r, pl.ds(0, _HC)]],
                                  rows_a, sem_a).wait()
            pltpu.sync_copy(rows_a, acc_sh.at[dst_v.at[q, r, pl.ds(0, _HC)]],
                            add=True)

            @pl.when(i < nj - 1)
            def _():
                q1 = (i + 1) // _SC4
                r1 = (i + 1) - q1 * _SC4
                pltpu.async_copy(h_hbm.at[src_v.at[q1, r1, pl.ds(0, _HC)]],
                                 rows_a, sem_a)

            pltpu.make_async_copy(h_hbm.at[src_v.at[q, r, pl.ds(_HC, _HC)]],
                                  rows_b, sem_b).wait()
            pltpu.sync_copy(rows_b, acc_sh.at[dst_v.at[q, r, pl.ds(_HC, _HC)]],
                            add=True)

            @pl.when(i < nj - 1)
            def _():
                q1 = (i + 1) // _SC4
                r1 = (i + 1) - q1 * _SC4
                pltpu.async_copy(h_hbm.at[src_v.at[q1, r1, pl.ds(_HC, _HC)]],
                                 rows_b, sem_b)

            return carry

        lax.fori_loop(0, nj, body, 0)
        plsc.subcore_barrier()
        _copy_acc(lambda n, r: acc_sh.at[pl.ds(r, n)],
                  lambda n, r: out_hbm.at[c, pl.ds(r, n)], s)

    return agg_kernel


def _deg_call(e_r, zeros_rows, ones_deg):
    return _build_deg_kernel()(e_r, zeros_rows, ones_deg)


def _agg_call(hp, e_r, zeros_rows):
    return _build_agg_kernel()(hp, e_r, zeros_rows)


def _dinv_col(deg_ref):
    d = deg_ref[0, :, 0:1] + deg_ref[1, :, 0:1] + 1.0
    return 1.0 / jnp.sqrt(d)


def _matmul_t(a, w_ref):
    return lax.dot_general(a, w_ref[...], (((1,), (1,)), ((), ())),
                           preferred_element_type=jnp.float32)


def _ln_gelu(t, g_ref, be_ref):
    m = jnp.mean(t, axis=-1, keepdims=True)
    tc = t - m
    v = jnp.mean(tc * tc, axis=-1, keepdims=True)
    ln = tc / jnp.sqrt(v + 1e-5) * g_ref[...] + be_ref[...]
    return ln * 0.5 * (1.0 + lax.erf(ln * (2.0 ** -0.5)))


def _tc_xw_body(x_ref, w_ref, o_ref):
    o_ref[...] = _matmul_t(x_ref[...], w_ref)


def _tc_scale_body(xw_ref, deg_ref, o_ref):
    o_ref[...] = _dinv_col(deg_ref) * xw_ref[...]


def _tc_mid_body(agg_ref, hp_ref, deg_ref, b_ref, g_ref, be_ref, w_ref, o_ref):
    dinv = _dinv_col(deg_ref)
    t = dinv * (agg_ref[0] + agg_ref[1] + hp_ref[...]) + b_ref[...]
    act = _ln_gelu(t, g_ref, be_ref)
    o_ref[...] = dinv * _matmul_t(act, w_ref)


def _tc_out_body(agg_ref, hp_ref, deg_ref, b_ref, g_ref, be_ref,
                 wh_ref, bh_ref, o_ref):
    dinv = _dinv_col(deg_ref)
    t = dinv * (agg_ref[0] + agg_ref[1] + hp_ref[...]) + b_ref[...]
    act = _ln_gelu(t, g_ref, be_ref)
    o_ref[...] = jnp.sum(act * wh_ref[...], axis=-1, keepdims=True) + bh_ref[...]


def _tc_in(x, W1, deg):
    xw = pl.pallas_call(
        _tc_xw_body,
        out_shape=jax.ShapeDtypeStruct((_N, _D), jnp.float32),
    )(x, W1)
    return pl.pallas_call(
        _tc_scale_body,
        out_shape=jax.ShapeDtypeStruct((_N, _D), jnp.float32),
    )(xw, deg)


def _tc_mid(agg, hp, deg, b, g, be, Wn):
    return pl.pallas_call(
        _tc_mid_body,
        out_shape=jax.ShapeDtypeStruct((_N, _D), jnp.float32),
    )(agg, hp, deg, b.reshape(1, _D), g.reshape(1, _D), be.reshape(1, _D), Wn)


def _tc_out(agg, hp, deg, b, g, be, Wh, bh):
    return pl.pallas_call(
        _tc_out_body,
        out_shape=jax.ShapeDtypeStruct((_N, 1), jnp.float32),
    )(agg, hp, deg, b.reshape(1, _D), g.reshape(1, _D), be.reshape(1, _D),
      Wh, bh.reshape(1, 1))


def kernel(x, edge_index, W1, b1, g1, be1, W2, b2, g2, be2, W3, b3, g3, be3,
           Wh, bh):
    e_r = edge_index.reshape(2, _ESC, _SC4, _CHUNK)
    zeros_rows = jnp.zeros((_RA, _D), jnp.float32)
    ones_deg = jnp.zeros((_CHUNK, _D), jnp.float32).at[:, 0].set(1.0)

    deg = _deg_call(e_r, zeros_rows, ones_deg)
    hp1 = _tc_in(x, W1, deg)
    agg1 = _agg_call(hp1, e_r, zeros_rows)
    hp2 = _tc_mid(agg1, hp1, deg, b1, g1, be1, W2)
    agg2 = _agg_call(hp2, e_r, zeros_rows)
    hp3 = _tc_mid(agg2, hp2, deg, b2, g2, be2, W3)
    agg3 = _agg_call(hp3, e_r, zeros_rows)
    y = _tc_out(agg3, hp3, deg, b3, g3, be3, Wh, bh)
    return y[:, 0]

# --- scband reference (transcript-rebuilt; emitter-appended) ---
"""Pipeline reference for scband-h100-gcn-11665131176367 (READ-ONLY COPY).

The authoritative reference and input builder live on the scoring server;
editing this copy changes nothing except your own understanding.
"""

import jax, jax.numpy as jnp
import numpy as np

N = 10000
E = 320000
D_IN = 128
H = 128

def setup_inputs(seed: int = 0) -> dict:
    key = jax.random.key(seed)
    ks = jax.random.split(key, 18)
    x = jax.random.normal(ks[0], (N, D_IN), dtype=jnp.float32)
    edge_index = jax.random.randint(ks[1], (2, E), 0, N, dtype=jnp.int32)
    s = 0.05
    W1 = jax.random.normal(ks[2], (H, D_IN), dtype=jnp.float32) * s
    b1 = jnp.zeros((H,), jnp.float32)
    g1 = jnp.ones((H,), jnp.float32)
    be1 = jnp.zeros((H,), jnp.float32)
    W2 = jax.random.normal(ks[3], (H, H), dtype=jnp.float32) * s
    b2 = jnp.zeros((H,), jnp.float32)
    g2 = jnp.ones((H,), jnp.float32)
    be2 = jnp.zeros((H,), jnp.float32)
    W3 = jax.random.normal(ks[4], (H, H), dtype=jnp.float32) * s
    b3 = jnp.zeros((H,), jnp.float32)
    g3 = jnp.ones((H,), jnp.float32)
    be3 = jnp.zeros((H,), jnp.float32)
    Wh = jax.random.normal(ks[5], (1, H), dtype=jnp.float32) * s
    bh = jnp.zeros((1,), jnp.float32)
    return {"x": x, "edge_index": edge_index, "W1": W1, "b1": b1, "g1": g1, "be1": be1,
            "W2": W2, "b2": b2, "g2": g2, "be2": be2, "W3": W3, "b3": b3, "g3": g3, "be3": be3,
            "Wh": Wh, "bh": bh}

def _layer_norm(h, g, b):
    m = jnp.mean(h, axis=-1, keepdims=True)
    v = jnp.var(h, axis=-1, keepdims=True)
    return (h - m) / jnp.sqrt(v + 1e-5) * g + b

def _gcn_conv(x, edge_index, W, b):
    n = x.shape[0]
    h = x @ W.T
    loop = jnp.arange(n, dtype=edge_index.dtype)
    src = jnp.concatenate([edge_index[0], loop])
    dst = jnp.concatenate([edge_index[1], loop])
    deg = jnp.zeros((n,), h.dtype).at[dst].add(1.0)
    dinv = jnp.where(deg > 0, 1.0 / jnp.sqrt(deg), 0.0)
    norm = dinv[src] * dinv[dst]
    msg = h[src] * norm[:, None]
    out = jnp.zeros_like(h).at[dst].add(msg)
    return out + b

def reference(x, edge_index, W1, b1, g1, be1, W2, b2, g2, be2, W3, b3, g3, be3, Wh, bh):
    # H100GCN.forward in eval mode (dropout = identity)
    h = _gcn_conv(x, edge_index, W1, b1)
    h = _layer_norm(h, g1, be1)
    h = jax.nn.gelu(h, approximate=False)
    h = _gcn_conv(h, edge_index, W2, b2)
    h = _layer_norm(h, g2, be2)
    h = jax.nn.gelu(h, approximate=False)
    h = _gcn_conv(h, edge_index, W3, b3)
    h = _layer_norm(h, g3, be3)
    h = jax.nn.gelu(h, approximate=False)
    return (h @ Wh.T + bh).squeeze(-1)

if __name__ == "__main__":
    import jax
    _d = setup_inputs()
    print(jax.jit(kernel)(*tuple(_d.values())))

</pallas_src>

<mosaic_0001>
#map = affine_map<(d0, d1) -> (0, 0)>
#map1 = affine_map<(d0, d1) -> (0, 0, 0, 0)>
#map2 = affine_map<(d0, d1) -> (0, 0, 0)>
module attributes {stable_mosaic.version = 14 : i64} {
  func.func @agg_kernel(%arg0: i32, %arg1: i32, %arg2: memref<10000x128xf32, #tpu.memory_space<hbm>>, %arg3: memref<2x625x4x128xi32, #tpu.memory_space<hbm>>, %arg4: memref<632x128xf32, #tpu.memory_space<hbm>>, %arg5: memref<2x10000x128xf32, #tpu.memory_space<hbm>>, %arg6: memref<20x4x128xi32, #tpu.memory_space<vmem>>, %arg7: memref<20x4x128xi32, #tpu.memory_space<vmem>>, %arg8: memref<64x128xf32, #tpu.memory_space<vmem>>, %arg9: memref<64x128xf32, #tpu.memory_space<vmem>>, %arg10: memref<10000x128xf32, #tpu.memory_space<vmem_shared>>, %arg11: memref<!tpu.dma_semaphore, #tpu.memory_space<semaphore_mem>>, %arg12: memref<!tpu.dma_semaphore, #tpu.memory_space<semaphore_mem>>) attributes {dimension_semantics = [#tpu.dimension_semantics<core_parallel>, #tpu.dimension_semantics<subcore_parallel>], iteration_bounds = array<i64: 2, 16>, scalar_prefetch = 0 : i64, scratch_operands = 7 : i64, tpu.core_type = #tpu.core_type<sc_vector_subcore>, window_params = [{transform_indices = #map}, {transform_indices = #map1}, {transform_indices = #map}, {transform_indices = #map2}]} {
    %mul3A = arith.constant 2 : i32
    %mul3A_0 = arith.muli %arg1, %mul3A : i32
    %add3A = arith.addi %mul3A_0, %arg0 : i32
    %mul3A_1 = arith.constant 19 : i32
    %mul3A_2 = arith.muli %add3A, %mul3A_1 : i32
    %min3A = arith.constant 17 : i32
    %min3A_3 = arith.minsi %add3A, %min3A : i32
    %add3A_4 = arith.addi %mul3A_2, %min3A_3 : i32
    %lt3A = arith.constant 17 : i32
    %lt3A_5 = arith.cmpi slt, %add3A, %lt3A : i32
    %jit3A = arith.constant 1 : i32
    %jit3A_6 = arith.constant 0 : i32
    %select_n3A = arith.select %lt3A_5, %jit3A, %jit3A_6 : i32
    %add3A_7 = arith.constant 19 : i32
    %add3A_8 = arith.addi %add3A_7, %select_n3A : i32
    %mul3A_9 = arith.constant 4 : i32
    %mul3A_10 = arith.muli %add3A_8, %mul3A_9 : i32
    %lt3A_11 = arith.constant 17 : i32
    %lt3A_12 = arith.cmpi slt, %add3A, %lt3A_11 : i32
    %convert_element_type3A = arith.extui %lt3A_12 : i1 to i32
    %cond3A = arith.constant 0 : i32
    %cond3A_13 = arith.cmpi ne, %convert_element_type3A, %cond3A : i32
    scf.if %cond3A_13 {
      %run_scoped3A = arith.constant 0 : i32
      "tpu.region"() ({
        %run_scoped3A_72 = tpu.sem_alloc : memref<!tpu.dma_semaphore, #tpu.memory_space<semaphore_mem>>
        %dma_start3A_73 = arith.constant 0 : i32
        %dma_start3A_74 = arith.constant 0 : i32
        %dma_start3A_75 = tpu.memref_slice %arg3[%run_scoped3A, %add3A_4, %dma_start3A_73, %dma_start3A_74] : memref<2x625x4x128xi32, #tpu.memory_space<hbm>> -> memref<1x20x4x128xi32, #tpu.memory_space<hbm>>
        %dma_start3A_76 = tpu.memref_squeeze %dma_start3A_75 : memref<1x20x4x128xi32, #tpu.memory_space<hbm>> -> memref<20x4x128xi32, #tpu.memory_space<hbm>>
        %dma_start3A_77 = arith.constant 0 : i32
        %dma_start3A_78 = arith.constant 0 : i32
        %dma_start3A_79 = tpu.memref_slice %arg3[%run_scoped3A, %add3A_4, %dma_start3A_77, %dma_start3A_78] : memref<2x625x4x128xi32, #tpu.memory_space<hbm>> -> memref<1x20x4x128xi32, #tpu.memory_space<hbm>>
        %dma_start3A_80 = tpu.memref_squeeze %dma_start3A_79 : memref<1x20x4x128xi32, #tpu.memory_space<hbm>> -> memref<20x4x128xi32, #tpu.memory_space<hbm>>
        tpu.enqueue_dma source(%dma_start3A_80 : memref<20x4x128xi32, #tpu.memory_space<hbm>>) target(%arg6 : memref<20x4x128xi32, #tpu.memory_space<vmem>>) target_semaphore(%run_scoped3A_72 : memref<!tpu.dma_semaphore, #tpu.memory_space<semaphore_mem>>)
        %dma_wait3A = arith.constant 0 : i32
        %dma_wait3A_81 = arith.constant 0 : i32
        %dma_wait3A_82 = tpu.memref_slice %arg3[%run_scoped3A, %add3A_4, %dma_wait3A, %dma_wait3A_81] : memref<2x625x4x128xi32, #tpu.memory_space<hbm>> -> memref<1x20x4x128xi32, #tpu.memory_space<hbm>>
        %dma_wait3A_83 = tpu.memref_squeeze %dma_wait3A_82 : memref<1x20x4x128xi32, #tpu.memory_space<hbm>> -> memref<20x4x128xi32, #tpu.memory_space<hbm>>
        %dma_wait3A_84 = arith.constant 0 : i32
        %dma_wait3A_85 = arith.constant 0 : i32
        %dma_wait3A_86 = tpu.memref_slice %arg3[%run_scoped3A, %add3A_4, %dma_wait3A_84, %dma_wait3A_85] : memref<2x625x4x128xi32, #tpu.memory_space<hbm>> -> memref<1x20x4x128xi32, #tpu.memory_space<hbm>>
        %dma_wait3A_87 = tpu.memref_squeeze %dma_wait3A_86 : memref<1x20x4x128xi32, #tpu.memory_space<hbm>> -> memref<20x4x128xi32, #tpu.memory_space<hbm>>
        tpu.wait_dma2 semaphore(%run_scoped3A_72 : memref<!tpu.dma_semaphore, #tpu.memory_space<semaphore_mem>>) src(%dma_wait3A_87 : memref<20x4x128xi32, #tpu.memory_space<hbm>>) dst(%arg6 : memref<20x4x128xi32, #tpu.memory_space<vmem>>)
        tpu.yield
      }) : () -> ()
    } else {
    }
    %ge3A = arith.constant 17 : i32
    %ge3A_14 = arith.cmpi sge, %add3A, %ge3A : i32
    %convert_element_type3A_15 = arith.extui %ge3A_14 : i1 to i32
    %cond3A_16 = arith.constant 0 : i32
    %cond3A_17 = arith.cmpi ne, %convert_element_type3A_15, %cond3A_16 : i32
    scf.if %cond3A_17 {
      %run_scoped3A = arith.constant 0 : i32
      "tpu.region"() ({
        %run_scoped3A_72 = tpu.sem_alloc : memref<!tpu.dma_semaphore, #tpu.memory_space<semaphore_mem>>
        %dma_start3A_73 = arith.constant 0 : i32
        %dma_start3A_74 = arith.constant 0 : i32
        %dma_start3A_75 = arith.constant 0 : i32
        %dma_start3A_76 = tpu.memref_slice %arg6[%dma_start3A_73, %dma_start3A_74, %dma_start3A_75] : memref<20x4x128xi32, #tpu.memory_space<vmem>> -> memref<19x4x128xi32, #tpu.memory_space<vmem>>
        %dma_start3A_77 = arith.constant 0 : i32
        %dma_start3A_78 = arith.constant 0 : i32
        %dma_start3A_79 = tpu.memref_slice %arg3[%run_scoped3A, %add3A_4, %dma_start3A_77, %dma_start3A_78] : memref<2x625x4x128xi32, #tpu.memory_space<hbm>> -> memref<1x19x4x128xi32, #tpu.memory_space<hbm>>
        %dma_start3A_80 = tpu.memref_squeeze %dma_start3A_79 : memref<1x19x4x128xi32, #tpu.memory_space<hbm>> -> memref<19x4x128xi32, #tpu.memory_space<hbm>>
        %dma_start3A_81 = arith.constant 0 : i32
        %dma_start3A_82 = arith.constant 0 : i32
        %dma_start3A_83 = arith.constant 0 : i32
        %dma_start3A_84 = tpu.memref_slice %arg6[%dma_start3A_81, %dma_start3A_82, %dma_start3A_83] : memref<20x4x128xi32, #tpu.memory_space<vmem>> -> memref<19x4x128xi32, #tpu.memory_space<vmem>>
        %dma_start3A_85 = arith.constant 0 : i32
        %dma_start3A_86 = arith.constant 0 : i32
        %dma_start3A_87 = tpu.memref_slice %arg3[%run_scoped3A, %add3A_4, %dma_start3A_85, %dma_start3A_86] : memref<2x625x4x128xi32, #tpu.memory_space<hbm>> -> memref<1x19x4x128xi32, #tpu.memory_space<hbm>>
        %dma_start3A_88 = tpu.memref_squeeze %dma_start3A_87 : memref<1x19x4x128xi32, #tpu.memory_space<hbm>> -> memref<19x4x128xi32, #tpu.memory_space<hbm>>
        tpu.enqueue_dma source(%dma_start3A_88 : memref<19x4x128xi32, #tpu.memory_space<hbm>>) target(%dma_start3A_84 : memref<19x4x128xi32, #tpu.memory_space<vmem>>) target_semaphore(%run_scoped3A_72 : memref<!tpu.dma_semaphore, #tpu.memory_space<semaphore_mem>>)
        %dma_wait3A = arith.constant 0 : i32
        %dma_wait3A_89 = arith.constant 0 : i32
        %dma_wait3A_90 = arith.constant 0 : i32
        %dma_wait3A_91 = tpu.memref_slice %arg6[%dma_wait3A, %dma_wait3A_89, %dma_wait3A_90] : memref<20x4x128xi32, #tpu.memory_space<vmem>> -> memref<19x4x128xi32, #tpu.memory_space<vmem>>
        %dma_wait3A_92 = arith.constant 0 : i32
        %dma_wait3A_93 = arith.constant 0 : i32
        %dma_wait3A_94 = tpu.memref_slice %arg3[%run_scoped3A, %add3A_4, %dma_wait3A_92, %dma_wait3A_93] : memref<2x625x4x128xi32, #tpu.memory_space<hbm>> -> memref<1x19x4x128xi32, #tpu.memory_space<hbm>>
        %dma_wait3A_95 = tpu.memref_squeeze %dma_wait3A_94 : memref<1x19x4x128xi32, #tpu.memory_space<hbm>> -> memref<19x4x128xi32, #tpu.memory_space<hbm>>
        %dma_wait3A_96 = arith.constant 0 : i32
        %dma_wait3A_97 = arith.constant 0 : i32
        %dma_wait3A_98 = arith.constant 0 : i32
        %dma_wait3A_99 = tpu.memref_slice %arg6[%dma_wait3A_96, %dma_wait3A_97, %dma_wait3A_98] : memref<20x4x128xi32, #tpu.memory_space<vmem>> -> memref<19x4x128xi32, #tpu.memory_space<vmem>>
        %dma_wait3A_100 = arith.constant 0 : i32
        %dma_wait3A_101 = arith.constant 0 : i32
        %dma_wait3A_102 = tpu.memref_slice %arg3[%run_scoped3A, %add3A_4, %dma_wait3A_100, %dma_wait3A_101] : memref<2x625x4x128xi32, #tpu.memory_space<hbm>> -> memref<1x19x4x128xi32, #tpu.memory_space<hbm>>
        %dma_wait3A_103 = tpu.memref_squeeze %dma_wait3A_102 : memref<1x19x4x128xi32, #tpu.memory_space<hbm>> -> memref<19x4x128xi32, #tpu.memory_space<hbm>>
        tpu.wait_dma2 semaphore(%run_scoped3A_72 : memref<!tpu.dma_semaphore, #tpu.memory_space<semaphore_mem>>) src(%dma_wait3A_103 : memref<19x4x128xi32, #tpu.memory_space<hbm>>) dst(%dma_wait3A_99 : memref<19x4x128xi32, #tpu.memory_space<vmem>>)
        tpu.yield
      }) : () -> ()
    } else {
    }
    %dma_start3A = arith.constant 0 : i32
    %dma_start3A_18 = arith.constant 0 : i32
    %dma_start3A_19 = arith.constant 0 : i32
    %dma_start3A_20 = tpu.memref_slice %arg6[%dma_start3A, %dma_start3A_18, %dma_start3A_19] : memref<20x4x128xi32, #tpu.memory_space<vmem>> -> memref<1x1x64xi32, #tpu.memory_space<vmem>>
    %dma_start3A_21 = tpu.memref_squeeze %dma_start3A_20 : memref<1x1x64xi32, #tpu.memory_space<vmem>> -> memref<64xi32, #tpu.memory_space<vmem>>
    %dma_start3A_22 = arith.constant 0 : i32
    %dma_start3A_23 = arith.constant 0 : i32
    %dma_start3A_24 = tpu.memref_slice %arg2[%dma_start3A_22, %dma_start3A_23] : memref<10000x128xf32, #tpu.memory_space<hbm>> -> memref<10000x128xf32, #tpu.memory_space<hbm>>
    tpu.enqueue_indirect_dma source(%dma_start3A_24 : memref<10000x128xf32, #tpu.memory_space<hbm>>) target(%arg8 : memref<64x128xf32, #tpu.memory_space<vmem>>) offsets(%dma_start3A_21 : memref<64xi32, #tpu.memory_space<vmem>>) semaphore(%arg11 : memref<!tpu.dma_semaphore, #tpu.memory_space<semaphore_mem>>)
    %dma_start3A_25 = arith.constant 0 : i32
    %dma_start3A_26 = arith.constant 0 : i32
    %dma_start3A_27 = arith.constant 64 : i32
    %dma_start3A_28 = tpu.memref_slice %arg6[%dma_start3A_25, %dma_start3A_26, %dma_start3A_27] : memref<20x4x128xi32, #tpu.memory_space<vmem>> -> memref<1x1x64xi32, #tpu.memory_space<vmem>>
    %dma_start3A_29 = tpu.memref_squeeze %dma_start3A_28 : memref<1x1x64xi32, #tpu.memory_space<vmem>> -> memref<64xi32, #tpu.memory_space<vmem>>
    %dma_start3A_30 = arith.constant 0 : i32
    %dma_start3A_31 = arith.constant 0 : i32
    %dma_start3A_32 = tpu.memref_slice %arg2[%dma_start3A_30, %dma_start3A_31] : memref<10000x128xf32, #tpu.memory_space<hbm>> -> memref<10000x128xf32, #tpu.memory_space<hbm>>
    tpu.enqueue_indirect_dma source(%dma_start3A_32 : memref<10000x128xf32, #tpu.memory_space<hbm>>) target(%arg9 : memref<64x128xf32, #tpu.memory_space<vmem>>) offsets(%dma_start3A_29 : memref<64xi32, #tpu.memory_space<vmem>>) semaphore(%arg12 : memref<!tpu.dma_semaphore, #tpu.memory_space<semaphore_mem>>)
    %lt3A_33 = arith.constant 15 : i32
    %lt3A_34 = arith.cmpi slt, %arg1, %lt3A_33 : i32
    %convert_element_type3A_35 = arith.extui %lt3A_34 : i1 to i32
    %cond3A_36 = arith.constant 0 : i32
    %cond3A_37 = arith.cmpi ne, %convert_element_type3A_35, %cond3A_36 : i32
    scf.if %cond3A_37 {
      %mul3A_72 = arith.constant 632 : i32
      %mul3A_73 = arith.muli %arg1, %mul3A_72 : i32
      %mul3A_74 = arith.constant 632 : i32
      %mul3A_75 = arith.muli %arg1, %mul3A_74 : i32
      "tpu.region"() ({
        %run_scoped3A = tpu.sem_alloc : memref<!tpu.dma_semaphore, #tpu.memory_space<semaphore_mem>>
        %dma_start3A_76 = arith.constant 0 : i32
        %dma_start3A_77 = tpu.memref_slice %arg10[%mul3A_75, %dma_start3A_76] : memref<10000x128xf32, #tpu.memory_space<vmem_shared>> -> memref<632x128xf32, #tpu.memory_space<vmem_shared>>
        %dma_start3A_78 = arith.constant 0 : i32
        %dma_start3A_79 = arith.constant 0 : i32
        %dma_start3A_80 = tpu.memref_slice %arg4[%dma_start3A_78, %dma_start3A_79] : memref<632x128xf32, #tpu.memory_space<hbm>> -> memref<632x128xf32, #tpu.memory_space<hbm>>
        tpu.enqueue_dma source(%dma_start3A_80 : memref<632x128xf32, #tpu.memory_space<hbm>>) target(%dma_start3A_77 : memref<632x128xf32, #tpu.memory_space<vmem_shared>>) target_semaphore(%run_scoped3A : memref<!tpu.dma_semaphore, #tpu.memory_space<semaphore_mem>>)
        %dma_wait3A = arith.constant 0 : i32
        %dma_wait3A_81 = tpu.memref_slice %arg10[%mul3A_75, %dma_wait3A] : memref<10000x128xf32, #tpu.memory_space<vmem_shared>> -> memref<632x128xf32, #tpu.memory_space<vmem_shared>>
        %dma_wait3A_82 = arith.constant 0 : i32
        %dma_wait3A_83 = arith.constant 0 : i32
        %dma_wait3A_84 = tpu.memref_slice %arg4[%dma_wait3A_82, %dma_wait3A_83] : memref<632x128xf32, #tpu.memory_space<hbm>> -> memref<632x128xf32, #tpu.memory_space<hbm>>
        tpu.wait_dma2 semaphore(%run_scoped3A : memref<!tpu.dma_semaphore, #tpu.memory_space<semaphore_mem>>) src(%dma_wait3A_84 : memref<632x128xf32, #tpu.memory_space<hbm>>) dst(%dma_wait3A_81 : memref<632x128xf32, #tpu.memory_space<vmem_shared>>)
        tpu.yield
      }) : () -> ()
    } else {
    }
    %eq3A = arith.constant 15 : i32
    %eq3A_38 = arith.cmpi eq, %arg1, %eq3A : i32
    %convert_element_type3A_39 = arith.extui %eq3A_38 : i1 to i32
    %cond3A_40 = arith.constant 0 : i32
    %cond3A_41 = arith.cmpi ne, %convert_element_type3A_39, %cond3A_40 : i32
    scf.if %cond3A_41 {
      %mul3A_72 = arith.constant 632 : i32
      %mul3A_73 = arith.muli %arg1, %mul3A_72 : i32
      %mul3A_74 = arith.constant 632 : i32
      %mul3A_75 = arith.muli %arg1, %mul3A_74 : i32
      "tpu.region"() ({
        %run_scoped3A = tpu.sem_alloc : memref<!tpu.dma_semaphore, #tpu.memory_space<semaphore_mem>>
        %dma_start3A_76 = arith.constant 0 : i32
        %dma_start3A_77 = tpu.memref_slice %arg10[%mul3A_75, %dma_start3A_76] : memref<10000x128xf32, #tpu.memory_space<vmem_shared>> -> memref<520x128xf32, #tpu.memory_space<vmem_shared>>
        %dma_start3A_78 = arith.constant 0 : i32
        %dma_start3A_79 = arith.constant 0 : i32
        %dma_start3A_80 = tpu.memref_slice %arg4[%dma_start3A_78, %dma_start3A_79] : memref<632x128xf32, #tpu.memory_space<hbm>> -> memref<520x128xf32, #tpu.memory_space<hbm>>
        tpu.enqueue_dma source(%dma_start3A_80 : memref<520x128xf32, #tpu.memory_space<hbm>>) target(%dma_start3A_77 : memref<520x128xf32, #tpu.memory_space<vmem_shared>>) target_semaphore(%run_scoped3A : memref<!tpu.dma_semaphore, #tpu.memory_space<semaphore_mem>>)
        %dma_wait3A = arith.constant 0 : i32
        %dma_wait3A_81 = tpu.memref_slice %arg10[%mul3A_75, %dma_wait3A] : memref<10000x128xf32, #tpu.memory_space<vmem_shared>> -> memref<520x128xf32, #tpu.memory_space<vmem_shared>>
        %dma_wait3A_82 = arith.constant 0 : i32
        %dma_wait3A_83 = arith.constant 0 : i32
        %dma_wait3A_84 = tpu.memref_slice %arg4[%dma_wait3A_82, %dma_wait3A_83] : memref<632x128xf32, #tpu.memory_space<hbm>> -> memref<520x128xf32, #tpu.memory_space<hbm>>
        tpu.wait_dma2 semaphore(%run_scoped3A : memref<!tpu.dma_semaphore, #tpu.memory_space<semaphore_mem>>) src(%dma_wait3A_84 : memref<520x128xf32, #tpu.memory_space<hbm>>) dst(%dma_wait3A_81 : memref<520x128xf32, #tpu.memory_space<vmem_shared>>)
        tpu.yield
      }) : () -> ()
    } else {
    }
    %lt3A_42 = arith.constant 17 : i32
    %lt3A_43 = arith.cmpi slt, %add3A, %lt3A_42 : i32
    %convert_element_type3A_44 = arith.extui %lt3A_43 : i1 to i32
    %cond3A_45 = arith.constant 0 : i32
    %cond3A_46 = arith.cmpi ne, %convert_element_type3A_44, %cond3A_45 : i32
    scf.if %cond3A_46 {
      %run_scoped3A = arith.constant 1 : i32
      "tpu.region"() ({
        %run_scoped3A_72 = tpu.sem_alloc : memref<!tpu.dma_semaphore, #tpu.memory_space<semaphore_mem>>
        %dma_start3A_73 = arith.constant 0 : i32
        %dma_start3A_74 = arith.constant 0 : i32
        %dma_start3A_75 = tpu.memref_slice %arg3[%run_scoped3A, %add3A_4, %dma_start3A_73, %dma_start3A_74] : memref<2x625x4x128xi32, #tpu.memory_space<hbm>> -> memref<1x20x4x128xi32, #tpu.memory_space<hbm>>
        %dma_start3A_76 = tpu.memref_squeeze %dma_start3A_75 : memref<1x20x4x128xi32, #tpu.memory_space<hbm>> -> memref<20x4x128xi32, #tpu.memory_space<hbm>>
        %dma_start3A_77 = arith.constant 0 : i32
        %dma_start3A_78 = arith.constant 0 : i32
        %dma_start3A_79 = tpu.memref_slice %arg3[%run_scoped3A, %add3A_4, %dma_start3A_77, %dma_start3A_78] : memref<2x625x4x128xi32, #tpu.memory_space<hbm>> -> memref<1x20x4x128xi32, #tpu.memory_space<hbm>>
        %dma_start3A_80 = tpu.memref_squeeze %dma_start3A_79 : memref<1x20x4x128xi32, #tpu.memory_space<hbm>> -> memref<20x4x128xi32, #tpu.memory_space<hbm>>
        tpu.enqueue_dma source(%dma_start3A_80 : memref<20x4x128xi32, #tpu.memory_space<hbm>>) target(%arg7 : memref<20x4x128xi32, #tpu.memory_space<vmem>>) target_semaphore(%run_scoped3A_72 : memref<!tpu.dma_semaphore, #tpu.memory_space<semaphore_mem>>)
        %dma_wait3A = arith.constant 0 : i32
        %dma_wait3A_81 = arith.constant 0 : i32
        %dma_wait3A_82 = tpu.memref_slice %arg3[%run_scoped3A, %add3A_4, %dma_wait3A, %dma_wait3A_81] : memref<2x625x4x128xi32, #tpu.memory_space<hbm>> -> memref<1x20x4x128xi32, #tpu.memory_space<hbm>>
        %dma_wait3A_83 = tpu.memref_squeeze %dma_wait3A_82 : memref<1x20x4x128xi32, #tpu.memory_space<hbm>> -> memref<20x4x128xi32, #tpu.memory_space<hbm>>
        %dma_wait3A_84 = arith.constant 0 : i32
        %dma_wait3A_85 = arith.constant 0 : i32
        %dma_wait3A_86 = tpu.memref_slice %arg3[%run_scoped3A, %add3A_4, %dma_wait3A_84, %dma_wait3A_85] : memref<2x625x4x128xi32, #tpu.memory_space<hbm>> -> memref<1x20x4x128xi32, #tpu.memory_space<hbm>>
        %dma_wait3A_87 = tpu.memref_squeeze %dma_wait3A_86 : memref<1x20x4x128xi32, #tpu.memory_space<hbm>> -> memref<20x4x128xi32, #tpu.memory_space<hbm>>
        tpu.wait_dma2 semaphore(%run_scoped3A_72 : memref<!tpu.dma_semaphore, #tpu.memory_space<semaphore_mem>>) src(%dma_wait3A_87 : memref<20x4x128xi32, #tpu.memory_space<hbm>>) dst(%arg7 : memref<20x4x128xi32, #tpu.memory_space<vmem>>)
        tpu.yield
      }) : () -> ()
    } else {
    }
    %ge3A_47 = arith.constant 17 : i32
    %ge3A_48 = arith.cmpi sge, %add3A, %ge3A_47 : i32
    %convert_element_type3A_49 = arith.extui %ge3A_48 : i1 to i32
    %cond3A_50 = arith.constant 0 : i32
    %cond3A_51 = arith.cmpi ne, %convert_element_type3A_49, %cond3A_50 : i32
    scf.if %cond3A_51 {
      %run_scoped3A = arith.constant 1 : i32
      "tpu.region"() ({
        %run_scoped3A_72 = tpu.sem_alloc : memref<!tpu.dma_semaphore, #tpu.memory_space<semaphore_mem>>
        %dma_start3A_73 = arith.constant 0 : i32
        %dma_start3A_74 = arith.constant 0 : i32
        %dma_start3A_75 = arith.constant 0 : i32
        %dma_start3A_76 = tpu.memref_slice %arg7[%dma_start3A_73, %dma_start3A_74, %dma_start3A_75] : memref<20x4x128xi32, #tpu.memory_space<vmem>> -> memref<19x4x128xi32, #tpu.memory_space<vmem>>
        %dma_start3A_77 = arith.constant 0 : i32
        %dma_start3A_78 = arith.constant 0 : i32
        %dma_start3A_79 = tpu.memref_slice %arg3[%run_scoped3A, %add3A_4, %dma_start3A_77, %dma_start3A_78] : memref<2x625x4x128xi32, #tpu.memory_space<hbm>> -> memref<1x19x4x128xi32, #tpu.memory_space<hbm>>
        %dma_start3A_80 = tpu.memref_squeeze %dma_start3A_79 : memref<1x19x4x128xi32, #tpu.memory_space<hbm>> -> memref<19x4x128xi32, #tpu.memory_space<hbm>>
        %dma_start3A_81 = arith.constant 0 : i32
        %dma_start3A_82 = arith.constant 0 : i32
        %dma_start3A_83 = arith.constant 0 : i32
        %dma_start3A_84 = tpu.memref_slice %arg7[%dma_start3A_81, %dma_start3A_82, %dma_start3A_83] : memref<20x4x128xi32, #tpu.memory_space<vmem>> -> memref<19x4x128xi32, #tpu.memory_space<vmem>>
        %dma_start3A_85 = arith.constant 0 : i32
        %dma_start3A_86 = arith.constant 0 : i32
        %dma_start3A_87 = tpu.memref_slice %arg3[%run_scoped3A, %add3A_4, %dma_start3A_85, %dma_start3A_86] : memref<2x625x4x128xi32, #tpu.memory_space<hbm>> -> memref<1x19x4x128xi32, #tpu.memory_space<hbm>>
        %dma_start3A_88 = tpu.memref_squeeze %dma_start3A_87 : memref<1x19x4x128xi32, #tpu.memory_space<hbm>> -> memref<19x4x128xi32, #tpu.memory_space<hbm>>
        tpu.enqueue_dma source(%dma_start3A_88 : memref<19x4x128xi32, #tpu.memory_space<hbm>>) target(%dma_start3A_84 : memref<19x4x128xi32, #tpu.memory_space<vmem>>) target_semaphore(%run_scoped3A_72 : memref<!tpu.dma_semaphore, #tpu.memory_space<semaphore_mem>>)
        %dma_wait3A = arith.constant 0 : i32
        %dma_wait3A_89 = arith.constant 0 : i32
        %dma_wait3A_90 = arith.constant 0 : i32
        %dma_wait3A_91 = tpu.memref_slice %arg7[%dma_wait3A, %dma_wait3A_89, %dma_wait3A_90] : memref<20x4x128xi32, #tpu.memory_space<vmem>> -> memref<19x4x128xi32, #tpu.memory_space<vmem>>
        %dma_wait3A_92 = arith.constant 0 : i32
        %dma_wait3A_93 = arith.constant 0 : i32
        %dma_wait3A_94 = tpu.memref_slice %arg3[%run_scoped3A, %add3A_4, %dma_wait3A_92, %dma_wait3A_93] : memref<2x625x4x128xi32, #tpu.memory_space<hbm>> -> memref<1x19x4x128xi32, #tpu.memory_space<hbm>>
        %dma_wait3A_95 = tpu.memref_squeeze %dma_wait3A_94 : memref<1x19x4x128xi32, #tpu.memory_space<hbm>> -> memref<19x4x128xi32, #tpu.memory_space<hbm>>
        %dma_wait3A_96 = arith.constant 0 : i32
        %dma_wait3A_97 = arith.constant 0 : i32
        %dma_wait3A_98 = arith.constant 0 : i32
        %dma_wait3A_99 = tpu.memref_slice %arg7[%dma_wait3A_96, %dma_wait3A_97, %dma_wait3A_98] : memref<20x4x128xi32, #tpu.memory_space<vmem>> -> memref<19x4x128xi32, #tpu.memory_space<vmem>>
        %dma_wait3A_100 = arith.constant 0 : i32
        %dma_wait3A_101 = arith.constant 0 : i32
        %dma_wait3A_102 = tpu.memref_slice %arg3[%run_scoped3A, %add3A_4, %dma_wait3A_100, %dma_wait3A_101] : memref<2x625x4x128xi32, #tpu.memory_space<hbm>> -> memref<1x19x4x128xi32, #tpu.memory_space<hbm>>
        %dma_wait3A_103 = tpu.memref_squeeze %dma_wait3A_102 : memref<1x19x4x128xi32, #tpu.memory_space<hbm>> -> memref<19x4x128xi32, #tpu.memory_space<hbm>>
        tpu.wait_dma2 semaphore(%run_scoped3A_72 : memref<!tpu.dma_semaphore, #tpu.memory_space<semaphore_mem>>) src(%dma_wait3A_103 : memref<19x4x128xi32, #tpu.memory_space<hbm>>) dst(%dma_wait3A_99 : memref<19x4x128xi32, #tpu.memory_space<vmem>>)
        tpu.yield
      }) : () -> ()
    } else {
    }
    %barrier3A = arith.constant 0 : index
    tpu.barrier barrier_id(%barrier3A)
    %while3A = arith.constant 0 : i32
    %while3A_52 = arith.constant 0 : i32
    %while3A_53 = arith.subi %mul3A_10, %while3A_52 : i32
    %while3A_54 = arith.addi %while3A_52, %while3A_53 : i32
    %while3A_55 = arith.constant 1 : i32
    %while3A_56 = arith.divsi %while3A_53, %while3A_55 : i32
    %while3A_57 = arith.muli %while3A_56, %while3A_55 : i32
    %while3A_58 = arith.addi %while3A_52, %while3A_57 : i32
    %while3A_59 = arith.constant 1 : i32
    scf.for %while3A_72 = %while3A_52 to %while3A_58 step %while3A_59  : i32 {
      %jit3A_73 = arith.constant 4 : i32
      %div3A = arith.divsi %while3A_72, %jit3A_73 : i32
      %sign3A = arith.constant 0 : i32
      %sign3A_74 = arith.cmpi sgt, %while3A_72, %sign3A : i32
      %sign3A_75 = arith.extui %sign3A_74 : i1 to i32
      %sign3A_76 = arith.constant 0 : i32
      %sign3A_77 = arith.cmpi slt, %while3A_72, %sign3A_76 : i32
      %sign3A_78 = arith.extui %sign3A_77 : i1 to i32
      %sign3A_79 = arith.subi %sign3A_75, %sign3A_78 : i32
      %sign3A_80 = arith.constant 0 : i32
      %sign3A_81 = arith.cmpi sgt, %jit3A_73, %sign3A_80 : i32
      %sign3A_82 = arith.extui %sign3A_81 : i1 to i32
      %sign3A_83 = arith.constant 0 : i32
      %sign3A_84 = arith.cmpi slt, %jit3A_73, %sign3A_83 : i32
      %sign3A_85 = arith.extui %sign3A_84 : i1 to i32
      %sign3A_86 = arith.subi %sign3A_82, %sign3A_85 : i32
      %ne3A = arith.cmpi ne, %sign3A_79, %sign3A_86 : i32
      %rem3A = arith.remsi %while3A_72, %jit3A_73 : i32
      %ne3A_87 = arith.constant 0 : i32
      %ne3A_88 = arith.cmpi ne, %rem3A, %ne3A_87 : i32
      %and3A = arith.andi %ne3A, %ne3A_88 : i1
      %sub3A = arith.constant 1 : i32
      %sub3A_89 = arith.subi %div3A, %sub3A : i32
      %select_n3A_90 = arith.select %and3A, %sub3A_89, %div3A : i32
      %mul3A_91 = arith.constant 4 : i32
      %mul3A_92 = arith.muli %select_n3A_90, %mul3A_91 : i32
      %sub3A_93 = arith.subi %while3A_72, %mul3A_92 : i32
      %dma_wait3A = arith.constant 0 : i32
      %dma_wait3A_94 = tpu.memref_slice %arg6[%select_n3A_90, %sub3A_93, %dma_wait3A] : memref<20x4x128xi32, #tpu.memory_space<vmem>> -> memref<1x1x64xi32, #tpu.memory_space<vmem>>
      %dma_wait3A_95 = tpu.memref_squeeze %dma_wait3A_94 : memref<1x1x64xi32, #tpu.memory_space<vmem>> -> memref<64xi32, #tpu.memory_space<vmem>>
      %dma_wait3A_96 = arith.constant 0 : i32
      %dma_wait3A_97 = arith.constant 0 : i32
      %dma_wait3A_98 = tpu.memref_slice %arg2[%dma_wait3A_96, %dma_wait3A_97] : memref<10000x128xf32, #tpu.memory_space<hbm>> -> memref<10000x128xf32, #tpu.memory_space<hbm>>
      tpu.wait_indirect_dma semaphore(%arg11 : memref<!tpu.dma_semaphore, #tpu.memory_space<semaphore_mem>>) src(%dma_wait3A_98 : memref<10000x128xf32, #tpu.memory_space<hbm>>) dst(%arg8 : memref<64x128xf32, #tpu.memory_space<vmem>>)
      "tpu.region"() ({
        %run_scoped3A = tpu.sem_alloc : memref<!tpu.dma_semaphore, #tpu.memory_space<semaphore_mem>>
        %dma_start3A_117 = arith.constant 0 : i32
        %dma_start3A_118 = tpu.memref_slice %arg7[%select_n3A_90, %sub3A_93, %dma_start3A_117] : memref<20x4x128xi32, #tpu.memory_space<vmem>> -> memref<1x1x64xi32, #tpu.memory_space<vmem>>
        %dma_start3A_119 = tpu.memref_squeeze %dma_start3A_118 : memref<1x1x64xi32, #tpu.memory_space<vmem>> -> memref<64xi32, #tpu.memory_space<vmem>>
        %dma_start3A_120 = arith.constant 0 : i32
        %dma_start3A_121 = arith.constant 0 : i32
        %dma_start3A_122 = tpu.memref_slice %arg10[%dma_start3A_120, %dma_start3A_121] : memref<10000x128xf32, #tpu.memory_space<vmem_shared>> -> memref<10000x128xf32, #tpu.memory_space<vmem_shared>>
        tpu.enqueue_indirect_dma source(%arg8 : memref<64x128xf32, #tpu.memory_space<vmem>>) target(%dma_start3A_122 : memref<10000x128xf32, #tpu.memory_space<vmem_shared>>) offsets(%dma_start3A_119 : memref<64xi32, #tpu.memory_space<vmem>>) semaphore(%run_scoped3A : memref<!tpu.dma_semaphore, #tpu.memory_space<semaphore_mem>>) {add = true}
        %dma_wait3A_123 = arith.constant 0 : i32
        %dma_wait3A_124 = tpu.memref_slice %arg7[%select_n3A_90, %sub3A_93, %dma_wait3A_123] : memref<20x4x128xi32, #tpu.memory_space<vmem>> -> memref<1x1x64xi32, #tpu.memory_space<vmem>>
        %dma_wait3A_125 = tpu.memref_squeeze %dma_wait3A_124 : memref<1x1x64xi32, #tpu.memory_space<vmem>> -> memref<64xi32, #tpu.memory_space<vmem>>
        %dma_wait3A_126 = arith.constant 0 : i32
        %dma_wait3A_127 = arith.constant 0 : i32
        %dma_wait3A_128 = tpu.memref_slice %arg10[%dma_wait3A_126, %dma_wait3A_127] : memref<10000x128xf32, #tpu.memory_space<vmem_shared>> -> memref<10000x128xf32, #tpu.memory_space<vmem_shared>>
        tpu.wait_indirect_dma semaphore(%run_scoped3A : memref<!tpu.dma_semaphore, #tpu.memory_space<semaphore_mem>>) src(%arg8 : memref<64x128xf32, #tpu.memory_space<vmem>>) dst(%dma_wait3A_128 : memref<10000x128xf32, #tpu.memory_space<vmem_shared>>)
        tpu.yield
      }) : () -> ()
      %sub3A_99 = arith.constant 1 : i32
      %sub3A_100 = arith.subi %mul3A_10, %sub3A_99 : i32
      %lt3A_101 = arith.cmpi slt, %while3A_72, %sub3A_100 : i32
      %convert_element_type3A_102 = arith.extui %lt3A_101 : i1 to i32
      %cond3A_103 = arith.constant 0 : i32
      %cond3A_104 = arith.cmpi ne, %convert_element_type3A_102, %cond3A_103 : i32
      scf.if %cond3A_104 {
        %add3A_117 = arith.constant 1 : i32
        %add3A_118 = arith.addi %while3A_72, %add3A_117 : i32
        %jit3A_119 = arith.constant 4 : i32
        %div3A_120 = arith.divsi %add3A_118, %jit3A_119 : i32
        %sign3A_121 = arith.constant 0 : i32
        %sign3A_122 = arith.cmpi sgt, %add3A_118, %sign3A_121 : i32
        %sign3A_123 = arith.extui %sign3A_122 : i1 to i32
        %sign3A_124 = arith.constant 0 : i32
        %sign3A_125 = arith.cmpi slt, %add3A_118, %sign3A_124 : i32
        %sign3A_126 = arith.extui %sign3A_125 : i1 to i32
        %sign3A_127 = arith.subi %sign3A_123, %sign3A_126 : i32
        %sign3A_128 = arith.constant 0 : i32
        %sign3A_129 = arith.cmpi sgt, %jit3A_119, %sign3A_128 : i32
        %sign3A_130 = arith.extui %sign3A_129 : i1 to i32
        %sign3A_131 = arith.constant 0 : i32
        %sign3A_132 = arith.cmpi slt, %jit3A_119, %sign3A_131 : i32
        %sign3A_133 = arith.extui %sign3A_132 : i1 to i32
        %sign3A_134 = arith.subi %sign3A_130, %sign3A_133 : i32
        %ne3A_135 = arith.cmpi ne, %sign3A_127, %sign3A_134 : i32
        %rem3A_136 = arith.remsi %add3A_118, %jit3A_119 : i32
        %ne3A_137 = arith.constant 0 : i32
        %ne3A_138 = arith.cmpi ne, %rem3A_136, %ne3A_137 : i32
        %and3A_139 = arith.andi %ne3A_135, %ne3A_138 : i1
        %sub3A_140 = arith.constant 1 : i32
        %sub3A_141 = arith.subi %div3A_120, %sub3A_140 : i32
        %select_n3A_142 = arith.select %and3A_139, %sub3A_141, %div3A_120 : i32
        %add3A_143 = arith.constant 1 : i32
        %add3A_144 = arith.addi %while3A_72, %add3A_143 : i32
        %mul3A_145 = arith.constant 4 : i32
        %mul3A_146 = arith.muli %select_n3A_142, %mul3A_145 : i32
        %sub3A_147 = arith.subi %add3A_144, %mul3A_146 : i32
        %dma_start3A_148 = arith.constant 0 : i32
        %dma_start3A_149 = tpu.memref_slice %arg6[%select_n3A_142, %sub3A_147, %dma_start3A_148] : memref<20x4x128xi32, #tpu.memory_space<vmem>> -> memref<1x1x64xi32, #tpu.memory_space<vmem>>
        %dma_start3A_150 = tpu.memref_squeeze %dma_start3A_149 : memref<1x1x64xi32, #tpu.memory_space<vmem>> -> memref<64xi32, #tpu.memory_space<vmem>>
        %dma_start3A_151 = arith.constant 0 : i32
        %dma_start3A_152 = arith.constant 0 : i32
        %dma_start3A_153 = tpu.memref_slice %arg2[%dma_start3A_151, %dma_start3A_152] : memref<10000x128xf32, #tpu.memory_space<hbm>> -> memref<10000x128xf32, #tpu.memory_space<hbm>>
        tpu.enqueue_indirect_dma source(%dma_start3A_153 : memref<10000x128xf32, #tpu.memory_space<hbm>>) target(%arg8 : memref<64x128xf32, #tpu.memory_space<vmem>>) offsets(%dma_start3A_150 : memref<64xi32, #tpu.memory_space<vmem>>) semaphore(%arg11 : memref<!tpu.dma_semaphore, #tpu.memory_space<semaphore_mem>>)
      } else {
      }
      %dma_wait3A_105 = arith.constant 64 : i32
      %dma_wait3A_106 = tpu.memref_slice %arg6[%select_n3A_90, %sub3A_93, %dma_wait3A_105] : memref<20x4x128xi32, #tpu.memory_space<vmem>> -> memref<1x1x64xi32, #tpu.memory_space<vmem>>
      %dma_wait3A_107 = tpu.memref_squeeze %dma_wait3A_106 : memref<1x1x64xi32, #tpu.memory_space<vmem>> -> memref<64xi32, #tpu.memory_space<vmem>>
      %dma_wait3A_108 = arith.constant 0 : i32
      %dma_wait3A_109 = arith.constant 0 : i32
      %dma_wait3A_110 = tpu.memref_slice %arg2[%dma_wait3A_108, %dma_wait3A_109] : memref<10000x128xf32, #tpu.memory_space<hbm>> -> memref<10000x128xf32, #tpu.memory_space<hbm>>
      tpu.wait_indirect_dma semaphore(%arg12 : memref<!tpu.dma_semaphore, #tpu.memory_space<semaphore_mem>>) src(%dma_wait3A_110 : memref<10000x128xf32, #tpu.memory_space<hbm>>) dst(%arg9 : memref<64x128xf32, #tpu.memory_space<vmem>>)
      "tpu.region"() ({
        %run_scoped3A = tpu.sem_alloc : memref<!tpu.dma_semaphore, #tpu.memory_space<semaphore_mem>>
        %dma_start3A_117 = arith.constant 64 : i32
        %dma_start3A_118 = tpu.memref_slice %arg7[%select_n3A_90, %sub3A_93, %dma_start3A_117] : memref<20x4x128xi32, #tpu.memory_space<vmem>> -> memref<1x1x64xi32, #tpu.memory_space<vmem>>
        %dma_start3A_119 = tpu.memref_squeeze %dma_start3A_118 : memref<1x1x64xi32, #tpu.memory_space<vmem>> -> memref<64xi32, #tpu.memory_space<vmem>>
        %dma_start3A_120 = arith.constant 0 : i32
        %dma_start3A_121 = arith.constant 0 : i32
        %dma_start3A_122 = tpu.memref_slice %arg10[%dma_start3A_120, %dma_start3A_121] : memref<10000x128xf32, #tpu.memory_space<vmem_shared>> -> memref<10000x128xf32, #tpu.memory_space<vmem_shared>>
        tpu.enqueue_indirect_dma source(%arg9 : memref<64x128xf32, #tpu.memory_space<vmem>>) target(%dma_start3A_122 : memref<10000x128xf32, #tpu.memory_space<vmem_shared>>) offsets(%dma_start3A_119 : memref<64xi32, #tpu.memory_space<vmem>>) semaphore(%run_scoped3A : memref<!tpu.dma_semaphore, #tpu.memory_space<semaphore_mem>>) {add = true}
        %dma_wait3A_123 = arith.constant 64 : i32
        %dma_wait3A_124 = tpu.memref_slice %arg7[%select_n3A_90, %sub3A_93, %dma_wait3A_123] : memref<20x4x128xi32, #tpu.memory_space<vmem>> -> memref<1x1x64xi32, #tpu.memory_space<vmem>>
        %dma_wait3A_125 = tpu.memref_squeeze %dma_wait3A_124 : memref<1x1x64xi32, #tpu.memory_space<vmem>> -> memref<64xi32, #tpu.memory_space<vmem>>
        %dma_wait3A_126 = arith.constant 0 : i32
        %dma_wait3A_127 = arith.constant 0 : i32
        %dma_wait3A_128 = tpu.memref_slice %arg10[%dma_wait3A_126, %dma_wait3A_127] : memref<10000x128xf32, #tpu.memory_space<vmem_shared>> -> memref<10000x128xf32, #tpu.memory_space<vmem_shared>>
        tpu.wait_indirect_dma semaphore(%run_scoped3A : memref<!tpu.dma_semaphore, #tpu.memory_space<semaphore_mem>>) src(%arg9 : memref<64x128xf32, #tpu.memory_space<vmem>>) dst(%dma_wait3A_128 : memref<10000x128xf32, #tpu.memory_space<vmem_shared>>)
        tpu.yield
      }) : () -> ()
      %sub3A_111 = arith.constant 1 : i32
      %sub3A_112 = arith.subi %mul3A_10, %sub3A_111 : i32
      %lt3A_113 = arith.cmpi slt, %while3A_72, %sub3A_112 : i32
      %convert_element_type3A_114 = arith.extui %lt3A_113 : i1 to i32
      %cond3A_115 = arith.constant 0 : i32
      %cond3A_116 = arith.cmpi ne, %convert_element_type3A_114, %cond3A_115 : i32
      scf.if %cond3A_116 {
        %add3A_117 = arith.constant 1 : i32
        %add3A_118 = arith.addi %while3A_72, %add3A_117 : i32
        %jit3A_119 = arith.constant 4 : i32
        %div3A_120 = arith.divsi %add3A_118, %jit3A_119 : i32
        %sign3A_121 = arith.constant 0 : i32
        %sign3A_122 = arith.cmpi sgt, %add3A_118, %sign3A_121 : i32
        %sign3A_123 = arith.extui %sign3A_122 : i1 to i32
        %sign3A_124 = arith.constant 0 : i32
        %sign3A_125 = arith.cmpi slt, %add3A_118, %sign3A_124 : i32
        %sign3A_126 = arith.extui %sign3A_125 : i1 to i32
        %sign3A_127 = arith.subi %sign3A_123, %sign3A_126 : i32
        %sign3A_128 = arith.constant 0 : i32
        %sign3A_129 = arith.cmpi sgt, %jit3A_119, %sign3A_128 : i32
        %sign3A_130 = arith.extui %sign3A_129 : i1 to i32
        %sign3A_131 = arith.constant 0 : i32
        %sign3A_132 = arith.cmpi slt, %jit3A_119, %sign3A_131 : i32
        %sign3A_133 = arith.extui %sign3A_132 : i1 to i32
        %sign3A_134 = arith.subi %sign3A_130, %sign3A_133 : i32
        %ne3A_135 = arith.cmpi ne, %sign3A_127, %sign3A_134 : i32
        %rem3A_136 = arith.remsi %add3A_118, %jit3A_119 : i32
        %ne3A_137 = arith.constant 0 : i32
        %ne3A_138 = arith.cmpi ne, %rem3A_136, %ne3A_137 : i32
        %and3A_139 = arith.andi %ne3A_135, %ne3A_138 : i1
        %sub3A_140 = arith.constant 1 : i32
        %sub3A_141 = arith.subi %div3A_120, %sub3A_140 : i32
        %select_n3A_142 = arith.select %and3A_139, %sub3A_141, %div3A_120 : i32
        %add3A_143 = arith.constant 1 : i32
        %add3A_144 = arith.addi %while3A_72, %add3A_143 : i32
        %mul3A_145 = arith.constant 4 : i32
        %mul3A_146 = arith.muli %select_n3A_142, %mul3A_145 : i32
        %sub3A_147 = arith.subi %add3A_144, %mul3A_146 : i32
        %dma_start3A_148 = arith.constant 64 : i32
        %dma_start3A_149 = tpu.memref_slice %arg6[%select_n3A_142, %sub3A_147, %dma_start3A_148] : memref<20x4x128xi32, #tpu.memory_space<vmem>> -> memref<1x1x64xi32, #tpu.memory_space<vmem>>
        %dma_start3A_150 = tpu.memref_squeeze %dma_start3A_149 : memref<1x1x64xi32, #tpu.memory_space<vmem>> -> memref<64xi32, #tpu.memory_space<vmem>>
        %dma_start3A_151 = arith.constant 0 : i32
        %dma_start3A_152 = arith.constant 0 : i32
        %dma_start3A_153 = tpu.memref_slice %arg2[%dma_start3A_151, %dma_start3A_152] : memref<10000x128xf32, #tpu.memory_space<hbm>> -> memref<10000x128xf32, #tpu.memory_space<hbm>>
        tpu.enqueue_indirect_dma source(%dma_start3A_153 : memref<10000x128xf32, #tpu.memory_space<hbm>>) target(%arg9 : memref<64x128xf32, #tpu.memory_space<vmem>>) offsets(%dma_start3A_150 : memref<64xi32, #tpu.memory_space<vmem>>) semaphore(%arg12 : memref<!tpu.dma_semaphore, #tpu.memory_space<semaphore_mem>>)
      } else {
      }
    }
    %while3A_60 = arith.constant 1 : i32
    scf.for %while3A_72 = %while3A_58 to %while3A_54 step %while3A_60  : i32 {
      %jit3A_73 = arith.constant 4 : i32
      %div3A = arith.divsi %while3A_72, %jit3A_73 : i32
      %sign3A = arith.constant 0 : i32
      %sign3A_74 = arith.cmpi sgt, %while3A_72, %sign3A : i32
      %sign3A_75 = arith.extui %sign3A_74 : i1 to i32
      %sign3A_76 = arith.constant 0 : i32
      %sign3A_77 = arith.cmpi slt, %while3A_72, %sign3A_76 : i32
      %sign3A_78 = arith.extui %sign3A_77 : i1 to i32
      %sign3A_79 = arith.subi %sign3A_75, %sign3A_78 : i32
      %sign3A_80 = arith.constant 0 : i32
      %sign3A_81 = arith.cmpi sgt, %jit3A_73, %sign3A_80 : i32
      %sign3A_82 = arith.extui %sign3A_81 : i1 to i32
      %sign3A_83 = arith.constant 0 : i32
      %sign3A_84 = arith.cmpi slt, %jit3A_73, %sign3A_83 : i32
      %sign3A_85 = arith.extui %sign3A_84 : i1 to i32
      %sign3A_86 = arith.subi %sign3A_82, %sign3A_85 : i32
      %ne3A = arith.cmpi ne, %sign3A_79, %sign3A_86 : i32
      %rem3A = arith.remsi %while3A_72, %jit3A_73 : i32
      %ne3A_87 = arith.constant 0 : i32
      %ne3A_88 = arith.cmpi ne, %rem3A, %ne3A_87 : i32
      %and3A = arith.andi %ne3A, %ne3A_88 : i1
      %sub3A = arith.constant 1 : i32
      %sub3A_89 = arith.subi %div3A, %sub3A : i32
      %select_n3A_90 = arith.select %and3A, %sub3A_89, %div3A : i32
      %mul3A_91 = arith.constant 4 : i32
      %mul3A_92 = arith.muli %select_n3A_90, %mul3A_91 : i32
      %sub3A_93 = arith.subi %while3A_72, %mul3A_92 : i32
      %dma_wait3A = arith.constant 0 : i32
      %dma_wait3A_94 = tpu.memref_slice %arg6[%select_n3A_90, %sub3A_93, %dma_wait3A] : memref<20x4x128xi32, #tpu.memory_space<vmem>> -> memref<1x1x64xi32, #tpu.memory_space<vmem>>
      %dma_wait3A_95 = tpu.memref_squeeze %dma_wait3A_94 : memref<1x1x64xi32, #tpu.memory_space<vmem>> -> memref<64xi32, #tpu.memory_space<vmem>>
      %dma_wait3A_96 = arith.constant 0 : i32
      %dma_wait3A_97 = arith.constant 0 : i32
      %dma_wait3A_98 = tpu.memref_slice %arg2[%dma_wait3A_96, %dma_wait3A_97] : memref<10000x128xf32, #tpu.memory_space<hbm>> -> memref<10000x128xf32, #tpu.memory_space<hbm>>
      tpu.wait_indirect_dma semaphore(%arg11 : memref<!tpu.dma_semaphore, #tpu.memory_space<semaphore_mem>>) src(%dma_wait3A_98 : memref<10000x128xf32, #tpu.memory_space<hbm>>) dst(%arg8 : memref<64x128xf32, #tpu.memory_space<vmem>>)
      "tpu.region"() ({
        %run_scoped3A = tpu.sem_alloc : memref<!tpu.dma_semaphore, #tpu.memory_space<semaphore_mem>>
        %dma_start3A_117 = arith.constant 0 : i32
        %dma_start3A_118 = tpu.memref_slice %arg7[%select_n3A_90, %sub3A_93, %dma_start3A_117] : memref<20x4x128xi32, #tpu.memory_space<vmem>> -> memref<1x1x64xi32, #tpu.memory_space<vmem>>
        %dma_start3A_119 = tpu.memref_squeeze %dma_start3A_118 : memref<1x1x64xi32, #tpu.memory_space<vmem>> -> memref<64xi32, #tpu.memory_space<vmem>>
        %dma_start3A_120 = arith.constant 0 : i32
        %dma_start3A_121 = arith.constant 0 : i32
        %dma_start3A_122 = tpu.memref_slice %arg10[%dma_start3A_120, %dma_start3A_121] : memref<10000x128xf32, #tpu.memory_space<vmem_shared>> -> memref<10000x128xf32, #tpu.memory_space<vmem_shared>>
        tpu.enqueue_indirect_dma source(%arg8 : memref<64x128xf32, #tpu.memory_space<vmem>>) target(%dma_start3A_122 : memref<10000x128xf32, #tpu.memory_space<vmem_shared>>) offsets(%dma_start3A_119 : memref<64xi32, #tpu.memory_space<vmem>>) semaphore(%run_scoped3A : memref<!tpu.dma_semaphore, #tpu.memory_space<semaphore_mem>>) {add = true}
        %dma_wait3A_123 = arith.constant 0 : i32
        %dma_wait3A_124 = tpu.memref_slice %arg7[%select_n3A_90, %sub3A_93, %dma_wait3A_123] : memref<20x4x128xi32, #tpu.memory_space<vmem>> -> memref<1x1x64xi32, #tpu.memory_space<vmem>>
        %dma_wait3A_125 = tpu.memref_squeeze %dma_wait3A_124 : memref<1x1x64xi32, #tpu.memory_space<vmem>> -> memref<64xi32, #tpu.memory_space<vmem>>
        %dma_wait3A_126 = arith.constant 0 : i32
        %dma_wait3A_127 = arith.constant 0 : i32
        %dma_wait3A_128 = tpu.memref_slice %arg10[%dma_wait3A_126, %dma_wait3A_127] : memref<10000x128xf32, #tpu.memory_space<vmem_shared>> -> memref<10000x128xf32, #tpu.memory_space<vmem_shared>>
        tpu.wait_indirect_dma semaphore(%run_scoped3A : memref<!tpu.dma_semaphore, #tpu.memory_space<semaphore_mem>>) src(%arg8 : memref<64x128xf32, #tpu.memory_space<vmem>>) dst(%dma_wait3A_128 : memref<10000x128xf32, #tpu.memory_space<vmem_shared>>)
        tpu.yield
      }) : () -> ()
      %sub3A_99 = arith.constant 1 : i32
      %sub3A_100 = arith.subi %mul3A_10, %sub3A_99 : i32
      %lt3A_101 = arith.cmpi slt, %while3A_72, %sub3A_100 : i32
      %convert_element_type3A_102 = arith.extui %lt3A_101 : i1 to i32
      %cond3A_103 = arith.constant 0 : i32
      %cond3A_104 = arith.cmpi ne, %convert_element_type3A_102, %cond3A_103 : i32
      scf.if %cond3A_104 {
        %add3A_117 = arith.constant 1 : i32
        %add3A_118 = arith.addi %while3A_72, %add3A_117 : i32
        %jit3A_119 = arith.constant 4 : i32
        %div3A_120 = arith.divsi %add3A_118, %jit3A_119 : i32
        %sign3A_121 = arith.constant 0 : i32
        %sign3A_122 = arith.cmpi sgt, %add3A_118, %sign3A_121 : i32
        %sign3A_123 = arith.extui %sign3A_122 : i1 to i32
        %sign3A_124 = arith.constant 0 : i32
        %sign3A_125 = arith.cmpi slt, %add3A_118, %sign3A_124 : i32
        %sign3A_126 = arith.extui %sign3A_125 : i1 to i32
        %sign3A_127 = arith.subi %sign3A_123, %sign3A_126 : i32
        %sign3A_128 = arith.constant 0 : i32
        %sign3A_129 = arith.cmpi sgt, %jit3A_119, %sign3A_128 : i32
        %sign3A_130 = arith.extui %sign3A_129 : i1 to i32
        %sign3A_131 = arith.constant 0 : i32
        %sign3A_132 = arith.cmpi slt, %jit3A_119, %sign3A_131 : i32
        %sign3A_133 = arith.extui %sign3A_132 : i1 to i32
        %sign3A_134 = arith.subi %sign3A_130, %sign3A_133 : i32
        %ne3A_135 = arith.cmpi ne, %sign3A_127, %sign3A_134 : i32
        %rem3A_136 = arith.remsi %add3A_118, %jit3A_119 : i32
        %ne3A_137 = arith.constant 0 : i32
        %ne3A_138 = arith.cmpi ne, %rem3A_136, %ne3A_137 : i32
        %and3A_139 = arith.andi %ne3A_135, %ne3A_138 : i1
        %sub3A_140 = arith.constant 1 : i32
        %sub3A_141 = arith.subi %div3A_120, %sub3A_140 : i32
        %select_n3A_142 = arith.select %and3A_139, %sub3A_141, %div3A_120 : i32
        %add3A_143 = arith.constant 1 : i32
        %add3A_144 = arith.addi %while3A_72, %add3A_143 : i32
        %mul3A_145 = arith.constant 4 : i32
        %mul3A_146 = arith.muli %select_n3A_142, %mul3A_145 : i32
        %sub3A_147 = arith.subi %add3A_144, %mul3A_146 : i32
        %dma_start3A_148 = arith.constant 0 : i32
        %dma_start3A_149 = tpu.memref_slice %arg6[%select_n3A_142, %sub3A_147, %dma_start3A_148] : memref<20x4x128xi32, #tpu.memory_space<vmem>> -> memref<1x1x64xi32, #tpu.memory_space<vmem>>
        %dma_start3A_150 = tpu.memref_squeeze %dma_start3A_149 : memref<1x1x64xi32, #tpu.memory_space<vmem>> -> memref<64xi32, #tpu.memory_space<vmem>>
        %dma_start3A_151 = arith.constant 0 : i32
        %dma_start3A_152 = arith.constant 0 : i32
        %dma_start3A_153 = tpu.memref_slice %arg2[%dma_start3A_151, %dma_start3A_152] : memref<10000x128xf32, #tpu.memory_space<hbm>> -> memref<10000x128xf32, #tpu.memory_space<hbm>>
        tpu.enqueue_indirect_dma source(%dma_start3A_153 : memref<10000x128xf32, #tpu.memory_space<hbm>>) target(%arg8 : memref<64x128xf32, #tpu.memory_space<vmem>>) offsets(%dma_start3A_150 : memref<64xi32, #tpu.memory_space<vmem>>) semaphore(%arg11 : memref<!tpu.dma_semaphore, #tpu.memory_space<semaphore_mem>>)
      } else {
      }
      %dma_wait3A_105 = arith.constant 64 : i32
      %dma_wait3A_106 = tpu.memref_slice %arg6[%select_n3A_90, %sub3A_93, %dma_wait3A_105] : memref<20x4x128xi32, #tpu.memory_space<vmem>> -> memref<1x1x64xi32, #tpu.memory_space<vmem>>
      %dma_wait3A_107 = tpu.memref_squeeze %dma_wait3A_106 : memref<1x1x64xi32, #tpu.memory_space<vmem>> -> memref<64xi32, #tpu.memory_space<vmem>>
      %dma_wait3A_108 = arith.constant 0 : i32
      %dma_wait3A_109 = arith.constant 0 : i32
      %dma_wait3A_110 = tpu.memref_slice %arg2[%dma_wait3A_108, %dma_wait3A_109] : memref<10000x128xf32, #tpu.memory_space<hbm>> -> memref<10000x128xf32, #tpu.memory_space<hbm>>
      tpu.wait_indirect_dma semaphore(%arg12 : memref<!tpu.dma_semaphore, #tpu.memory_space<semaphore_mem>>) src(%dma_wait3A_110 : memref<10000x128xf32, #tpu.memory_space<hbm>>) dst(%arg9 : memref<64x128xf32, #tpu.memory_space<vmem>>)
      "tpu.region"() ({
        %run_scoped3A = tpu.sem_alloc : memref<!tpu.dma_semaphore, #tpu.memory_space<semaphore_mem>>
        %dma_start3A_117 = arith.constant 64 : i32
        %dma_start3A_118 = tpu.memref_slice %arg7[%select_n3A_90, %sub3A_93, %dma_start3A_117] : memref<20x4x128xi32, #tpu.memory_space<vmem>> -> memref<1x1x64xi32, #tpu.memory_space<vmem>>
        %dma_start3A_119 = tpu.memref_squeeze %dma_start3A_118 : memref<1x1x64xi32, #tpu.memory_space<vmem>> -> memref<64xi32, #tpu.memory_space<vmem>>
        %dma_start3A_120 = arith.constant 0 : i32
        %dma_start3A_121 = arith.constant 0 : i32
        %dma_start3A_122 = tpu.memref_slice %arg10[%dma_start3A_120, %dma_start3A_121] : memref<10000x128xf32, #tpu.memory_space<vmem_shared>> -> memref<10000x128xf32, #tpu.memory_space<vmem_shared>>
        tpu.enqueue_indirect_dma source(%arg9 : memref<64x128xf32, #tpu.memory_space<vmem>>) target(%dma_start3A_122 : memref<10000x128xf32, #tpu.memory_space<vmem_shared>>) offsets(%dma_start3A_119 : memref<64xi32, #tpu.memory_space<vmem>>) semaphore(%run_scoped3A : memref<!tpu.dma_semaphore, #tpu.memory_space<semaphore_mem>>) {add = true}
        %dma_wait3A_123 = arith.constant 64 : i32
        %dma_wait3A_124 = tpu.memref_slice %arg7[%select_n3A_90, %sub3A_93, %dma_wait3A_123] : memref<20x4x128xi32, #tpu.memory_space<vmem>> -> memref<1x1x64xi32, #tpu.memory_space<vmem>>
        %dma_wait3A_125 = tpu.memref_squeeze %dma_wait3A_124 : memref<1x1x64xi32, #tpu.memory_space<vmem>> -> memref<64xi32, #tpu.memory_space<vmem>>
        %dma_wait3A_126 = arith.constant 0 : i32
        %dma_wait3A_127 = arith.constant 0 : i32
        %dma_wait3A_128 = tpu.memref_slice %arg10[%dma_wait3A_126, %dma_wait3A_127] : memref<10000x128xf32, #tpu.memory_space<vmem_shared>> -> memref<10000x128xf32, #tpu.memory_space<vmem_shared>>
        tpu.wait_indirect_dma semaphore(%run_scoped3A : memref<!tpu.dma_semaphore, #tpu.memory_space<semaphore_mem>>) src(%arg9 : memref<64x128xf32, #tpu.memory_space<vmem>>) dst(%dma_wait3A_128 : memref<10000x128xf32, #tpu.memory_space<vmem_shared>>)
        tpu.yield
      }) : () -> ()
      %sub3A_111 = arith.constant 1 : i32
      %sub3A_112 = arith.subi %mul3A_10, %sub3A_111 : i32
      %lt3A_113 = arith.cmpi slt, %while3A_72, %sub3A_112 : i32
      %convert_element_type3A_114 = arith.extui %lt3A_113 : i1 to i32
      %cond3A_115 = arith.constant 0 : i32
      %cond3A_116 = arith.cmpi ne, %convert_element_type3A_114, %cond3A_115 : i32
      scf.if %cond3A_116 {
        %add3A_117 = arith.constant 1 : i32
        %add3A_118 = arith.addi %while3A_72, %add3A_117 : i32
        %jit3A_119 = arith.constant 4 : i32
        %div3A_120 = arith.divsi %add3A_118, %jit3A_119 : i32
        %sign3A_121 = arith.constant 0 : i32
        %sign3A_122 = arith.cmpi sgt, %add3A_118, %sign3A_121 : i32
        %sign3A_123 = arith.extui %sign3A_122 : i1 to i32
        %sign3A_124 = arith.constant 0 : i32
        %sign3A_125 = arith.cmpi slt, %add3A_118, %sign3A_124 : i32
        %sign3A_126 = arith.extui %sign3A_125 : i1 to i32
        %sign3A_127 = arith.subi %sign3A_123, %sign3A_126 : i32
        %sign3A_128 = arith.constant 0 : i32
        %sign3A_129 = arith.cmpi sgt, %jit3A_119, %sign3A_128 : i32
        %sign3A_130 = arith.extui %sign3A_129 : i1 to i32
        %sign3A_131 = arith.constant 0 : i32
        %sign3A_132 = arith.cmpi slt, %jit3A_119, %sign3A_131 : i32
        %sign3A_133 = arith.extui %sign3A_132 : i1 to i32
        %sign3A_134 = arith.subi %sign3A_130, %sign3A_133 : i32
        %ne3A_135 = arith.cmpi ne, %sign3A_127, %sign3A_134 : i32
        %rem3A_136 = arith.remsi %add3A_118, %jit3A_119 : i32
        %ne3A_137 = arith.constant 0 : i32
        %ne3A_138 = arith.cmpi ne, %rem3A_136, %ne3A_137 : i32
        %and3A_139 = arith.andi %ne3A_135, %ne3A_138 : i1
        %sub3A_140 = arith.constant 1 : i32
        %sub3A_141 = arith.subi %div3A_120, %sub3A_140 : i32
        %select_n3A_142 = arith.select %and3A_139, %sub3A_141, %div3A_120 : i32
        %add3A_143 = arith.constant 1 : i32
        %add3A_144 = arith.addi %while3A_72, %add3A_143 : i32
        %mul3A_145 = arith.constant 4 : i32
        %mul3A_146 = arith.muli %select_n3A_142, %mul3A_145 : i32
        %sub3A_147 = arith.subi %add3A_144, %mul3A_146 : i32
        %dma_start3A_148 = arith.constant 64 : i32
        %dma_start3A_149 = tpu.memref_slice %arg6[%select_n3A_142, %sub3A_147, %dma_start3A_148] : memref<20x4x128xi32, #tpu.memory_space<vmem>> -> memref<1x1x64xi32, #tpu.memory_space<vmem>>
        %dma_start3A_150 = tpu.memref_squeeze %dma_start3A_149 : memref<1x1x64xi32, #tpu.memory_space<vmem>> -> memref<64xi32, #tpu.memory_space<vmem>>
        %dma_start3A_151 = arith.constant 0 : i32
        %dma_start3A_152 = arith.constant 0 : i32
        %dma_start3A_153 = tpu.memref_slice %arg2[%dma_start3A_151, %dma_start3A_152] : memref<10000x128xf32, #tpu.memory_space<hbm>> -> memref<10000x128xf32, #tpu.memory_space<hbm>>
        tpu.enqueue_indirect_dma source(%dma_start3A_153 : memref<10000x128xf32, #tpu.memory_space<hbm>>) target(%arg9 : memref<64x128xf32, #tpu.memory_space<vmem>>) offsets(%dma_start3A_150 : memref<64xi32, #tpu.memory_space<vmem>>) semaphore(%arg12 : memref<!tpu.dma_semaphore, #tpu.memory_space<semaphore_mem>>)
      } else {
      }
    }
    %barrier3A_61 = arith.constant 0 : index
    tpu.barrier barrier_id(%barrier3A_61)
    %lt3A_62 = arith.constant 15 : i32
    %lt3A_63 = arith.cmpi slt, %arg1, %lt3A_62 : i32
    %convert_element_type3A_64 = arith.extui %lt3A_63 : i1 to i32
    %cond3A_65 = arith.constant 0 : i32
    %cond3A_66 = arith.cmpi ne, %convert_element_type3A_64, %cond3A_65 : i32
    scf.if %cond3A_66 {
      %mul3A_72 = arith.constant 632 : i32
      %mul3A_73 = arith.muli %arg1, %mul3A_72 : i32
      %mul3A_74 = arith.constant 632 : i32
      %mul3A_75 = arith.muli %arg1, %mul3A_74 : i32
      "tpu.region"() ({
        %run_scoped3A = tpu.sem_alloc : memref<!tpu.dma_semaphore, #tpu.memory_space<semaphore_mem>>
        %dma_start3A_76 = arith.constant 0 : i32
        %dma_start3A_77 = tpu.memref_slice %arg5[%arg0, %mul3A_75, %dma_start3A_76] : memref<2x10000x128xf32, #tpu.memory_space<hbm>> -> memref<1x632x128xf32, #tpu.memory_space<hbm>>
        %dma_start3A_78 = tpu.memref_squeeze %dma_start3A_77 : memref<1x632x128xf32, #tpu.memory_space<hbm>> -> memref<632x128xf32, #tpu.memory_space<hbm>>
        %dma_start3A_79 = arith.constant 0 : i32
        %dma_start3A_80 = tpu.memref_slice %arg10[%mul3A_73, %dma_start3A_79] : memref<10000x128xf32, #tpu.memory_space<vmem_shared>> -> memref<632x128xf32, #tpu.memory_space<vmem_shared>>
        tpu.enqueue_dma source(%dma_start3A_80 : memref<632x128xf32, #tpu.memory_space<vmem_shared>>) target(%dma_start3A_78 : memref<632x128xf32, #tpu.memory_space<hbm>>) target_semaphore(%run_scoped3A : memref<!tpu.dma_semaphore, #tpu.memory_space<semaphore_mem>>)
        %dma_wait3A = arith.constant 0 : i32
        %dma_wait3A_81 = tpu.memref_slice %arg5[%arg0, %mul3A_75, %dma_wait3A] : memref<2x10000x128xf32, #tpu.memory_space<hbm>> -> memref<1x632x128xf32, #tpu.memory_space<hbm>>
        %dma_wait3A_82 = tpu.memref_squeeze %dma_wait3A_81 : memref<1x632x128xf32, #tpu.memory_space<hbm>> -> memref<632x128xf32, #tpu.memory_space<hbm>>
        %dma_wait3A_83 = arith.constant 0 : i32
        %dma_wait3A_84 = tpu.memref_slice %arg10[%mul3A_73, %dma_wait3A_83] : memref<10000x128xf32, #tpu.memory_space<vmem_shared>> -> memref<632x128xf32, #tpu.memory_space<vmem_shared>>
        tpu.wait_dma2 semaphore(%run_scoped3A : memref<!tpu.dma_semaphore, #tpu.memory_space<semaphore_mem>>) src(%dma_wait3A_84 : memref<632x128xf32, #tpu.memory_space<vmem_shared>>) dst(%dma_wait3A_82 : memref<632x128xf32, #tpu.memory_space<hbm>>)
        tpu.yield
      }) : () -> ()
    } else {
    }
    %eq3A_67 = arith.constant 15 : i32
    %eq3A_68 = arith.cmpi eq, %arg1, %eq3A_67 : i32
    %convert_element_type3A_69 = arith.extui %eq3A_68 : i1 to i32
    %cond3A_70 = arith.constant 0 : i32
    %cond3A_71 = arith.cmpi ne, %convert_element_type3A_69, %cond3A_70 : i32
    scf.if %cond3A_71 {
      %mul3A_72 = arith.constant 632 : i32
      %mul3A_73 = arith.muli %arg1, %mul3A_72 : i32
      %mul3A_74 = arith.constant 632 : i32
      %mul3A_75 = arith.muli %arg1, %mul3A_74 : i32
      "tpu.region"() ({
        %run_scoped3A = tpu.sem_alloc : memref<!tpu.dma_semaphore, #tpu.memory_space<semaphore_mem>>
        %dma_start3A_76 = arith.constant 0 : i32
        %dma_start3A_77 = tpu.memref_slice %arg5[%arg0, %mul3A_75, %dma_start3A_76] : memref<2x10000x128xf32, #tpu.memory_space<hbm>> -> memref<1x520x128xf32, #tpu.memory_space<hbm>>
        %dma_start3A_78 = tpu.memref_squeeze %dma_start3A_77 : memref<1x520x128xf32, #tpu.memory_space<hbm>> -> memref<520x128xf32, #tpu.memory_space<hbm>>
        %dma_start3A_79 = arith.constant 0 : i32
        %dma_start3A_80 = tpu.memref_slice %arg10[%mul3A_73, %dma_start3A_79] : memref<10000x128xf32, #tpu.memory_space<vmem_shared>> -> memref<520x128xf32, #tpu.memory_space<vmem_shared>>
        tpu.enqueue_dma source(%dma_start3A_80 : memref<520x128xf32, #tpu.memory_space<vmem_shared>>) target(%dma_start3A_78 : memref<520x128xf32, #tpu.memory_space<hbm>>) target_semaphore(%run_scoped3A : memref<!tpu.dma_semaphore, #tpu.memory_space<semaphore_mem>>)
        %dma_wait3A = arith.constant 0 : i32
        %dma_wait3A_81 = tpu.memref_slice %arg5[%arg0, %mul3A_75, %dma_wait3A] : memref<2x10000x128xf32, #tpu.memory_space<hbm>> -> memref<1x520x128xf32, #tpu.memory_space<hbm>>
        %dma_wait3A_82 = tpu.memref_squeeze %dma_wait3A_81 : memref<1x520x128xf32, #tpu.memory_space<hbm>> -> memref<520x128xf32, #tpu.memory_space<hbm>>
        %dma_wait3A_83 = arith.constant 0 : i32
        %dma_wait3A_84 = tpu.memref_slice %arg10[%mul3A_73, %dma_wait3A_83] : memref<10000x128xf32, #tpu.memory_space<vmem_shared>> -> memref<520x128xf32, #tpu.memory_space<vmem_shared>>
        tpu.wait_dma2 semaphore(%run_scoped3A : memref<!tpu.dma_semaphore, #tpu.memory_space<semaphore_mem>>) src(%dma_wait3A_84 : memref<520x128xf32, #tpu.memory_space<vmem_shared>>) dst(%dma_wait3A_82 : memref<520x128xf32, #tpu.memory_space<hbm>>)
        tpu.yield
      }) : () -> ()
    } else {
    }
    return
  }
}

#map = affine_map<(d0, d1) -> (0, 0, 0, 0)>
#map1 = affine_map<(d0, d1) -> (0, 0)>
#map2 = affine_map<(d0, d1) -> (0, 0, 0)>
module attributes {stable_mosaic.version = 14 : i64} {
  func.func @deg_kernel(%arg0: i32, %arg1: i32, %arg2: memref<2x625x4x128xi32, #tpu.memory_space<hbm>>, %arg3: memref<632x128xf32, #tpu.memory_space<hbm>>, %arg4: memref<128x128xf32, #tpu.memory_space<hbm>>, %arg5: memref<2x10000x128xf32, #tpu.memory_space<hbm>>, %arg6: memref<20x4x128xi32, #tpu.memory_space<vmem>>, %arg7: memref<128x128xf32, #tpu.memory_space<vmem>>, %arg8: memref<10000x128xf32, #tpu.memory_space<vmem_shared>>) attributes {dimension_semantics = [#tpu.dimension_semantics<core_parallel>, #tpu.dimension_semantics<subcore_parallel>], iteration_bounds = array<i64: 2, 16>, scalar_prefetch = 0 : i64, scratch_operands = 3 : i64, tpu.core_type = #tpu.core_type<sc_vector_subcore>, window_params = [{transform_indices = #map}, {transform_indices = #map1}, {transform_indices = #map1}, {transform_indices = #map2}]} {
    %mul3A = arith.constant 2 : i32
    %mul3A_0 = arith.muli %arg1, %mul3A : i32
    %add3A = arith.addi %mul3A_0, %arg0 : i32
    %mul3A_1 = arith.constant 19 : i32
    %mul3A_2 = arith.muli %add3A, %mul3A_1 : i32
    %min3A = arith.constant 17 : i32
    %min3A_3 = arith.minsi %add3A, %min3A : i32
    %add3A_4 = arith.addi %mul3A_2, %min3A_3 : i32
    %lt3A = arith.constant 17 : i32
    %lt3A_5 = arith.cmpi slt, %add3A, %lt3A : i32
    %jit3A = arith.constant 1 : i32
    %jit3A_6 = arith.constant 0 : i32
    %select_n3A = arith.select %lt3A_5, %jit3A, %jit3A_6 : i32
    %add3A_7 = arith.constant 19 : i32
    %add3A_8 = arith.addi %add3A_7, %select_n3A : i32
    %mul3A_9 = arith.constant 4 : i32
    %mul3A_10 = arith.muli %add3A_8, %mul3A_9 : i32
    %lt3A_11 = arith.constant 15 : i32
    %lt3A_12 = arith.cmpi slt, %arg1, %lt3A_11 : i32
    %convert_element_type3A = arith.extui %lt3A_12 : i1 to i32
    %cond3A = arith.constant 0 : i32
    %cond3A_13 = arith.cmpi ne, %convert_element_type3A, %cond3A : i32
    scf.if %cond3A_13 {
      %mul3A_47 = arith.constant 632 : i32
      %mul3A_48 = arith.muli %arg1, %mul3A_47 : i32
      %mul3A_49 = arith.constant 632 : i32
      %mul3A_50 = arith.muli %arg1, %mul3A_49 : i32
      "tpu.region"() ({
        %run_scoped3A = tpu.sem_alloc : memref<!tpu.dma_semaphore, #tpu.memory_space<semaphore_mem>>
        %dma_start3A = arith.constant 0 : i32
        %dma_start3A_51 = tpu.memref_slice %arg8[%mul3A_50, %dma_start3A] : memref<10000x128xf32, #tpu.memory_space<vmem_shared>> -> memref<632x128xf32, #tpu.memory_space<vmem_shared>>
        %dma_start3A_52 = arith.constant 0 : i32
        %dma_start3A_53 = arith.constant 0 : i32
        %dma_start3A_54 = tpu.memref_slice %arg3[%dma_start3A_52, %dma_start3A_53] : memref<632x128xf32, #tpu.memory_space<hbm>> -> memref<632x128xf32, #tpu.memory_space<hbm>>
        tpu.enqueue_dma source(%dma_start3A_54 : memref<632x128xf32, #tpu.memory_space<hbm>>) target(%dma_start3A_51 : memref<632x128xf32, #tpu.memory_space<vmem_shared>>) target_semaphore(%run_scoped3A : memref<!tpu.dma_semaphore, #tpu.memory_space<semaphore_mem>>)
        %dma_wait3A = arith.constant 0 : i32
        %dma_wait3A_55 = tpu.memref_slice %arg8[%mul3A_50, %dma_wait3A] : memref<10000x128xf32, #tpu.memory_space<vmem_shared>> -> memref<632x128xf32, #tpu.memory_space<vmem_shared>>
        %dma_wait3A_56 = arith.constant 0 : i32
        %dma_wait3A_57 = arith.constant 0 : i32
        %dma_wait3A_58 = tpu.memref_slice %arg3[%dma_wait3A_56, %dma_wait3A_57] : memref<632x128xf32, #tpu.memory_space<hbm>> -> memref<632x128xf32, #tpu.memory_space<hbm>>
        tpu.wait_dma2 semaphore(%run_scoped3A : memref<!tpu.dma_semaphore, #tpu.memory_space<semaphore_mem>>) src(%dma_wait3A_58 : memref<632x128xf32, #tpu.memory_space<hbm>>) dst(%dma_wait3A_55 : memref<632x128xf32, #tpu.memory_space<vmem_shared>>)
        tpu.yield
      }) : () -> ()
    } else {
    }
    %eq3A = arith.constant 15 : i32
    %eq3A_14 = arith.cmpi eq, %arg1, %eq3A : i32
    %convert_element_type3A_15 = arith.extui %eq3A_14 : i1 to i32
    %cond3A_16 = arith.constant 0 : i32
    %cond3A_17 = arith.cmpi ne, %convert_element_type3A_15, %cond3A_16 : i32
    scf.if %cond3A_17 {
      %mul3A_47 = arith.constant 632 : i32
      %mul3A_48 = arith.muli %arg1, %mul3A_47 : i32
      %mul3A_49 = arith.constant 632 : i32
      %mul3A_50 = arith.muli %arg1, %mul3A_49 : i32
      "tpu.region"() ({
        %run_scoped3A = tpu.sem_alloc : memref<!tpu.dma_semaphore, #tpu.memory_space<semaphore_mem>>
        %dma_start3A = arith.constant 0 : i32
        %dma_start3A_51 = tpu.memref_slice %arg8[%mul3A_50, %dma_start3A] : memref<10000x128xf32, #tpu.memory_space<vmem_shared>> -> memref<520x128xf32, #tpu.memory_space<vmem_shared>>
        %dma_start3A_52 = arith.constant 0 : i32
        %dma_start3A_53 = arith.constant 0 : i32
        %dma_start3A_54 = tpu.memref_slice %arg3[%dma_start3A_52, %dma_start3A_53] : memref<632x128xf32, #tpu.memory_space<hbm>> -> memref<520x128xf32, #tpu.memory_space<hbm>>
        tpu.enqueue_dma source(%dma_start3A_54 : memref<520x128xf32, #tpu.memory_space<hbm>>) target(%dma_start3A_51 : memref<520x128xf32, #tpu.memory_space<vmem_shared>>) target_semaphore(%run_scoped3A : memref<!tpu.dma_semaphore, #tpu.memory_space<semaphore_mem>>)
        %dma_wait3A = arith.constant 0 : i32
        %dma_wait3A_55 = tpu.memref_slice %arg8[%mul3A_50, %dma_wait3A] : memref<10000x128xf32, #tpu.memory_space<vmem_shared>> -> memref<520x128xf32, #tpu.memory_space<vmem_shared>>
        %dma_wait3A_56 = arith.constant 0 : i32
        %dma_wait3A_57 = arith.constant 0 : i32
        %dma_wait3A_58 = tpu.memref_slice %arg3[%dma_wait3A_56, %dma_wait3A_57] : memref<632x128xf32, #tpu.memory_space<hbm>> -> memref<520x128xf32, #tpu.memory_space<hbm>>
        tpu.wait_dma2 semaphore(%run_scoped3A : memref<!tpu.dma_semaphore, #tpu.memory_space<semaphore_mem>>) src(%dma_wait3A_58 : memref<520x128xf32, #tpu.memory_space<hbm>>) dst(%dma_wait3A_55 : memref<520x128xf32, #tpu.memory_space<vmem_shared>>)
        tpu.yield
      }) : () -> ()
    } else {
    }
    %lt3A_18 = arith.constant 17 : i32
    %lt3A_19 = arith.cmpi slt, %add3A, %lt3A_18 : i32
    %convert_element_type3A_20 = arith.extui %lt3A_19 : i1 to i32
    %cond3A_21 = arith.constant 0 : i32
    %cond3A_22 = arith.cmpi ne, %convert_element_type3A_20, %cond3A_21 : i32
    scf.if %cond3A_22 {
      %run_scoped3A = arith.constant 1 : i32
      "tpu.region"() ({
        %run_scoped3A_47 = tpu.sem_alloc : memref<!tpu.dma_semaphore, #tpu.memory_space<semaphore_mem>>
        %dma_start3A = arith.constant 0 : i32
        %dma_start3A_48 = arith.constant 0 : i32
        %dma_start3A_49 = tpu.memref_slice %arg2[%run_scoped3A, %add3A_4, %dma_start3A, %dma_start3A_48] : memref<2x625x4x128xi32, #tpu.memory_space<hbm>> -> memref<1x20x4x128xi32, #tpu.memory_space<hbm>>
        %dma_start3A_50 = tpu.memref_squeeze %dma_start3A_49 : memref<1x20x4x128xi32, #tpu.memory_space<hbm>> -> memref<20x4x128xi32, #tpu.memory_space<hbm>>
        %dma_start3A_51 = arith.constant 0 : i32
        %dma_start3A_52 = arith.constant 0 : i32
        %dma_start3A_53 = tpu.memref_slice %arg2[%run_scoped3A, %add3A_4, %dma_start3A_51, %dma_start3A_52] : memref<2x625x4x128xi32, #tpu.memory_space<hbm>> -> memref<1x20x4x128xi32, #tpu.memory_space<hbm>>
        %dma_start3A_54 = tpu.memref_squeeze %dma_start3A_53 : memref<1x20x4x128xi32, #tpu.memory_space<hbm>> -> memref<20x4x128xi32, #tpu.memory_space<hbm>>
        tpu.enqueue_dma source(%dma_start3A_54 : memref<20x4x128xi32, #tpu.memory_space<hbm>>) target(%arg6 : memref<20x4x128xi32, #tpu.memory_space<vmem>>) target_semaphore(%run_scoped3A_47 : memref<!tpu.dma_semaphore, #tpu.memory_space<semaphore_mem>>)
        %dma_wait3A = arith.constant 0 : i32
        %dma_wait3A_55 = arith.constant 0 : i32
        %dma_wait3A_56 = tpu.memref_slice %arg2[%run_scoped3A, %add3A_4, %dma_wait3A, %dma_wait3A_55] : memref<2x625x4x128xi32, #tpu.memory_space<hbm>> -> memref<1x20x4x128xi32, #tpu.memory_space<hbm>>
        %dma_wait3A_57 = tpu.memref_squeeze %dma_wait3A_56 : memref<1x20x4x128xi32, #tpu.memory_space<hbm>> -> memref<20x4x128xi32, #tpu.memory_space<hbm>>
        %dma_wait3A_58 = arith.constant 0 : i32
        %dma_wait3A_59 = arith.constant 0 : i32
        %dma_wait3A_60 = tpu.memref_slice %arg2[%run_scoped3A, %add3A_4, %dma_wait3A_58, %dma_wait3A_59] : memref<2x625x4x128xi32, #tpu.memory_space<hbm>> -> memref<1x20x4x128xi32, #tpu.memory_space<hbm>>
        %dma_wait3A_61 = tpu.memref_squeeze %dma_wait3A_60 : memref<1x20x4x128xi32, #tpu.memory_space<hbm>> -> memref<20x4x128xi32, #tpu.memory_space<hbm>>
        tpu.wait_dma2 semaphore(%run_scoped3A_47 : memref<!tpu.dma_semaphore, #tpu.memory_space<semaphore_mem>>) src(%dma_wait3A_61 : memref<20x4x128xi32, #tpu.memory_space<hbm>>) dst(%arg6 : memref<20x4x128xi32, #tpu.memory_space<vmem>>)
        tpu.yield
      }) : () -> ()
    } else {
    }
    %ge3A = arith.constant 17 : i32
    %ge3A_23 = arith.cmpi sge, %add3A, %ge3A : i32
    %convert_element_type3A_24 = arith.extui %ge3A_23 : i1 to i32
    %cond3A_25 = arith.constant 0 : i32
    %cond3A_26 = arith.cmpi ne, %convert_element_type3A_24, %cond3A_25 : i32
    scf.if %cond3A_26 {
      %run_scoped3A = arith.constant 1 : i32
      "tpu.region"() ({
        %run_scoped3A_47 = tpu.sem_alloc : memref<!tpu.dma_semaphore, #tpu.memory_space<semaphore_mem>>
        %dma_start3A = arith.constant 0 : i32
        %dma_start3A_48 = arith.constant 0 : i32
        %dma_start3A_49 = arith.constant 0 : i32
        %dma_start3A_50 = tpu.memref_slice %arg6[%dma_start3A, %dma_start3A_48, %dma_start3A_49] : memref<20x4x128xi32, #tpu.memory_space<vmem>> -> memref<19x4x128xi32, #tpu.memory_space<vmem>>
        %dma_start3A_51 = arith.constant 0 : i32
        %dma_start3A_52 = arith.constant 0 : i32
        %dma_start3A_53 = tpu.memref_slice %arg2[%run_scoped3A, %add3A_4, %dma_start3A_51, %dma_start3A_52] : memref<2x625x4x128xi32, #tpu.memory_space<hbm>> -> memref<1x19x4x128xi32, #tpu.memory_space<hbm>>
        %dma_start3A_54 = tpu.memref_squeeze %dma_start3A_53 : memref<1x19x4x128xi32, #tpu.memory_space<hbm>> -> memref<19x4x128xi32, #tpu.memory_space<hbm>>
        %dma_start3A_55 = arith.constant 0 : i32
        %dma_start3A_56 = arith.constant 0 : i32
        %dma_start3A_57 = arith.constant 0 : i32
        %dma_start3A_58 = tpu.memref_slice %arg6[%dma_start3A_55, %dma_start3A_56, %dma_start3A_57] : memref<20x4x128xi32, #tpu.memory_space<vmem>> -> memref<19x4x128xi32, #tpu.memory_space<vmem>>
        %dma_start3A_59 = arith.constant 0 : i32
        %dma_start3A_60 = arith.constant 0 : i32
        %dma_start3A_61 = tpu.memref_slice %arg2[%run_scoped3A, %add3A_4, %dma_start3A_59, %dma_start3A_60] : memref<2x625x4x128xi32, #tpu.memory_space<hbm>> -> memref<1x19x4x128xi32, #tpu.memory_space<hbm>>
        %dma_start3A_62 = tpu.memref_squeeze %dma_start3A_61 : memref<1x19x4x128xi32, #tpu.memory_space<hbm>> -> memref<19x4x128xi32, #tpu.memory_space<hbm>>
        tpu.enqueue_dma source(%dma_start3A_62 : memref<19x4x128xi32, #tpu.memory_space<hbm>>) target(%dma_start3A_58 : memref<19x4x128xi32, #tpu.memory_space<vmem>>) target_semaphore(%run_scoped3A_47 : memref<!tpu.dma_semaphore, #tpu.memory_space<semaphore_mem>>)
        %dma_wait3A = arith.constant 0 : i32
        %dma_wait3A_63 = arith.constant 0 : i32
        %dma_wait3A_64 = arith.constant 0 : i32
        %dma_wait3A_65 = tpu.memref_slice %arg6[%dma_wait3A, %dma_wait3A_63, %dma_wait3A_64] : memref<20x4x128xi32, #tpu.memory_space<vmem>> -> memref<19x4x128xi32, #tpu.memory_space<vmem>>
        %dma_wait3A_66 = arith.constant 0 : i32
        %dma_wait3A_67 = arith.constant 0 : i32
        %dma_wait3A_68 = tpu.memref_slice %arg2[%run_scoped3A, %add3A_4, %dma_wait3A_66, %dma_wait3A_67] : memref<2x625x4x128xi32, #tpu.memory_space<hbm>> -> memref<1x19x4x128xi32, #tpu.memory_space<hbm>>
        %dma_wait3A_69 = tpu.memref_squeeze %dma_wait3A_68 : memref<1x19x4x128xi32, #tpu.memory_space<hbm>> -> memref<19x4x128xi32, #tpu.memory_space<hbm>>
        %dma_wait3A_70 = arith.constant 0 : i32
        %dma_wait3A_71 = arith.constant 0 : i32
        %dma_wait3A_72 = arith.constant 0 : i32
        %dma_wait3A_73 = tpu.memref_slice %arg6[%dma_wait3A_70, %dma_wait3A_71, %dma_wait3A_72] : memref<20x4x128xi32, #tpu.memory_space<vmem>> -> memref<19x4x128xi32, #tpu.memory_space<vmem>>
        %dma_wait3A_74 = arith.constant 0 : i32
        %dma_wait3A_75 = arith.constant 0 : i32
        %dma_wait3A_76 = tpu.memref_slice %arg2[%run_scoped3A, %add3A_4, %dma_wait3A_74, %dma_wait3A_75] : memref<2x625x4x128xi32, #tpu.memory_space<hbm>> -> memref<1x19x4x128xi32, #tpu.memory_space<hbm>>
        %dma_wait3A_77 = tpu.memref_squeeze %dma_wait3A_76 : memref<1x19x4x128xi32, #tpu.memory_space<hbm>> -> memref<19x4x128xi32, #tpu.memory_space<hbm>>
        tpu.wait_dma2 semaphore(%run_scoped3A_47 : memref<!tpu.dma_semaphore, #tpu.memory_space<semaphore_mem>>) src(%dma_wait3A_77 : memref<19x4x128xi32, #tpu.memory_space<hbm>>) dst(%dma_wait3A_73 : memref<19x4x128xi32, #tpu.memory_space<vmem>>)
        tpu.yield
      }) : () -> ()
    } else {
    }
    "tpu.region"() ({
      %run_scoped3A = tpu.sem_alloc : memref<!tpu.dma_semaphore, #tpu.memory_space<semaphore_mem>>
      tpu.enqueue_dma source(%arg4 : memref<128x128xf32, #tpu.memory_space<hbm>>) target(%arg7 : memref<128x128xf32, #tpu.memory_space<vmem>>) target_semaphore(%run_scoped3A : memref<!tpu.dma_semaphore, #tpu.memory_space<semaphore_mem>>)
      tpu.wait_dma2 semaphore(%run_scoped3A : memref<!tpu.dma_semaphore, #tpu.memory_space<semaphore_mem>>) src(%arg4 : memref<128x128xf32, #tpu.memory_space<hbm>>) dst(%arg7 : memref<128x128xf32, #tpu.memory_space<vmem>>)
      tpu.yield
    }) : () -> ()
    %barrier3A = arith.constant 0 : index
    tpu.barrier barrier_id(%barrier3A)
    %while3A = arith.constant 0 : i32
    %while3A_27 = arith.constant 0 : i32
    %while3A_28 = arith.subi %mul3A_10, %while3A_27 : i32
    %while3A_29 = arith.addi %while3A_27, %while3A_28 : i32
    %while3A_30 = arith.constant 1 : i32
    %while3A_31 = arith.divsi %while3A_28, %while3A_30 : i32
    %while3A_32 = arith.muli %while3A_31, %while3A_30 : i32
    %while3A_33 = arith.addi %while3A_27, %while3A_32 : i32
    %while3A_34 = arith.constant 1 : i32
    scf.for %while3A_47 = %while3A_27 to %while3A_33 step %while3A_34  : i32 {
      %jit3A_48 = arith.constant 4 : i32
      %div3A = arith.divsi %while3A_47, %jit3A_48 : i32
      %sign3A = arith.constant 0 : i32
      %sign3A_49 = arith.cmpi sgt, %while3A_47, %sign3A : i32
      %sign3A_50 = arith.extui %sign3A_49 : i1 to i32
      %sign3A_51 = arith.constant 0 : i32
      %sign3A_52 = arith.cmpi slt, %while3A_47, %sign3A_51 : i32
      %sign3A_53 = arith.extui %sign3A_52 : i1 to i32
      %sign3A_54 = arith.subi %sign3A_50, %sign3A_53 : i32
      %sign3A_55 = arith.constant 0 : i32
      %sign3A_56 = arith.cmpi sgt, %jit3A_48, %sign3A_55 : i32
      %sign3A_57 = arith.extui %sign3A_56 : i1 to i32
      %sign3A_58 = arith.constant 0 : i32
      %sign3A_59 = arith.cmpi slt, %jit3A_48, %sign3A_58 : i32
      %sign3A_60 = arith.extui %sign3A_59 : i1 to i32
      %sign3A_61 = arith.subi %sign3A_57, %sign3A_60 : i32
      %ne3A = arith.cmpi ne, %sign3A_54, %sign3A_61 : i32
      %rem3A = arith.remsi %while3A_47, %jit3A_48 : i32
      %ne3A_62 = arith.constant 0 : i32
      %ne3A_63 = arith.cmpi ne, %rem3A, %ne3A_62 : i32
      %and3A = arith.andi %ne3A, %ne3A_63 : i1
      %sub3A = arith.constant 1 : i32
      %sub3A_64 = arith.subi %div3A, %sub3A : i32
      %select_n3A_65 = arith.select %and3A, %sub3A_64, %div3A : i32
      %mul3A_66 = arith.constant 4 : i32
      %mul3A_67 = arith.muli %select_n3A_65, %mul3A_66 : i32
      %sub3A_68 = arith.subi %while3A_47, %mul3A_67 : i32
      "tpu.region"() ({
        %run_scoped3A = tpu.sem_alloc : memref<!tpu.dma_semaphore, #tpu.memory_space<semaphore_mem>>
        %dma_start3A = arith.constant 0 : i32
        %dma_start3A_69 = tpu.memref_slice %arg6[%select_n3A_65, %sub3A_68, %dma_start3A] : memref<20x4x128xi32, #tpu.memory_space<vmem>> -> memref<1x1x128xi32, #tpu.memory_space<vmem>>
        %dma_start3A_70 = tpu.memref_squeeze %dma_start3A_69 : memref<1x1x128xi32, #tpu.memory_space<vmem>> -> memref<128xi32, #tpu.memory_space<vmem>>
        %dma_start3A_71 = arith.constant 0 : i32
        %dma_start3A_72 = arith.constant 0 : i32
        %dma_start3A_73 = tpu.memref_slice %arg8[%dma_start3A_71, %dma_start3A_72] : memref<10000x128xf32, #tpu.memory_space<vmem_shared>> -> memref<10000x128xf32, #tpu.memory_space<vmem_shared>>
        tpu.enqueue_indirect_dma source(%arg7 : memref<128x128xf32, #tpu.memory_space<vmem>>) target(%dma_start3A_73 : memref<10000x128xf32, #tpu.memory_space<vmem_shared>>) offsets(%dma_start3A_70 : memref<128xi32, #tpu.memory_space<vmem>>) semaphore(%run_scoped3A : memref<!tpu.dma_semaphore, #tpu.memory_space<semaphore_mem>>) {add = true}
        %dma_wait3A = arith.constant 0 : i32
        %dma_wait3A_74 = tpu.memref_slice %arg6[%select_n3A_65, %sub3A_68, %dma_wait3A] : memref<20x4x128xi32, #tpu.memory_space<vmem>> -> memref<1x1x128xi32, #tpu.memory_space<vmem>>
        %dma_wait3A_75 = tpu.memref_squeeze %dma_wait3A_74 : memref<1x1x128xi32, #tpu.memory_space<vmem>> -> memref<128xi32, #tpu.memory_space<vmem>>
        %dma_wait3A_76 = arith.constant 0 : i32
        %dma_wait3A_77 = arith.constant 0 : i32
        %dma_wait3A_78 = tpu.memref_slice %arg8[%dma_wait3A_76, %dma_wait3A_77] : memref<10000x128xf32, #tpu.memory_space<vmem_shared>> -> memref<10000x128xf32, #tpu.memory_space<vmem_shared>>
        tpu.wait_indirect_dma semaphore(%run_scoped3A : memref<!tpu.dma_semaphore, #tpu.memory_space<semaphore_mem>>) src(%arg7 : memref<128x128xf32, #tpu.memory_space<vmem>>) dst(%dma_wait3A_78 : memref<10000x128xf32, #tpu.memory_space<vmem_shared>>)
        tpu.yield
      }) : () -> ()
    }
    %while3A_35 = arith.constant 1 : i32
    scf.for %while3A_47 = %while3A_33 to %while3A_29 step %while3A_35  : i32 {
      %jit3A_48 = arith.constant 4 : i32
      %div3A = arith.divsi %while3A_47, %jit3A_48 : i32
      %sign3A = arith.constant 0 : i32
      %sign3A_49 = arith.cmpi sgt, %while3A_47, %sign3A : i32
      %sign3A_50 = arith.extui %sign3A_49 : i1 to i32
      %sign3A_51 = arith.constant 0 : i32
      %sign3A_52 = arith.cmpi slt, %while3A_47, %sign3A_51 : i32
      %sign3A_53 = arith.extui %sign3A_52 : i1 to i32
      %sign3A_54 = arith.subi %sign3A_50, %sign3A_53 : i32
      %sign3A_55 = arith.constant 0 : i32
      %sign3A_56 = arith.cmpi sgt, %jit3A_48, %sign3A_55 : i32
      %sign3A_57 = arith.extui %sign3A_56 : i1 to i32
      %sign3A_58 = arith.constant 0 : i32
      %sign3A_59 = arith.cmpi slt, %jit3A_48, %sign3A_58 : i32
      %sign3A_60 = arith.extui %sign3A_59 : i1 to i32
      %sign3A_61 = arith.subi %sign3A_57, %sign3A_60 : i32
      %ne3A = arith.cmpi ne, %sign3A_54, %sign3A_61 : i32
      %rem3A = arith.remsi %while3A_47, %jit3A_48 : i32
      %ne3A_62 = arith.constant 0 : i32
      %ne3A_63 = arith.cmpi ne, %rem3A, %ne3A_62 : i32
      %and3A = arith.andi %ne3A, %ne3A_63 : i1
      %sub3A = arith.constant 1 : i32
      %sub3A_64 = arith.subi %div3A, %sub3A : i32
      %select_n3A_65 = arith.select %and3A, %sub3A_64, %div3A : i32
      %mul3A_66 = arith.constant 4 : i32
      %mul3A_67 = arith.muli %select_n3A_65, %mul3A_66 : i32
      %sub3A_68 = arith.subi %while3A_47, %mul3A_67 : i32
      "tpu.region"() ({
        %run_scoped3A = tpu.sem_alloc : memref<!tpu.dma_semaphore, #tpu.memory_space<semaphore_mem>>
        %dma_start3A = arith.constant 0 : i32
        %dma_start3A_69 = tpu.memref_slice %arg6[%select_n3A_65, %sub3A_68, %dma_start3A] : memref<20x4x128xi32, #tpu.memory_space<vmem>> -> memref<1x1x128xi32, #tpu.memory_space<vmem>>
        %dma_start3A_70 = tpu.memref_squeeze %dma_start3A_69 : memref<1x1x128xi32, #tpu.memory_space<vmem>> -> memref<128xi32, #tpu.memory_space<vmem>>
        %dma_start3A_71 = arith.constant 0 : i32
        %dma_start3A_72 = arith.constant 0 : i32
        %dma_start3A_73 = tpu.memref_slice %arg8[%dma_start3A_71, %dma_start3A_72] : memref<10000x128xf32, #tpu.memory_space<vmem_shared>> -> memref<10000x128xf32, #tpu.memory_space<vmem_shared>>
        tpu.enqueue_indirect_dma source(%arg7 : memref<128x128xf32, #tpu.memory_space<vmem>>) target(%dma_start3A_73 : memref<10000x128xf32, #tpu.memory_space<vmem_shared>>) offsets(%dma_start3A_70 : memref<128xi32, #tpu.memory_space<vmem>>) semaphore(%run_scoped3A : memref<!tpu.dma_semaphore, #tpu.memory_space<semaphore_mem>>) {add = true}
        %dma_wait3A = arith.constant 0 : i32
        %dma_wait3A_74 = tpu.memref_slice %arg6[%select_n3A_65, %sub3A_68, %dma_wait3A] : memref<20x4x128xi32, #tpu.memory_space<vmem>> -> memref<1x1x128xi32, #tpu.memory_space<vmem>>
        %dma_wait3A_75 = tpu.memref_squeeze %dma_wait3A_74 : memref<1x1x128xi32, #tpu.memory_space<vmem>> -> memref<128xi32, #tpu.memory_space<vmem>>
        %dma_wait3A_76 = arith.constant 0 : i32
        %dma_wait3A_77 = arith.constant 0 : i32
        %dma_wait3A_78 = tpu.memref_slice %arg8[%dma_wait3A_76, %dma_wait3A_77] : memref<10000x128xf32, #tpu.memory_space<vmem_shared>> -> memref<10000x128xf32, #tpu.memory_space<vmem_shared>>
        tpu.wait_indirect_dma semaphore(%run_scoped3A : memref<!tpu.dma_semaphore, #tpu.memory_space<semaphore_mem>>) src(%arg7 : memref<128x128xf32, #tpu.memory_space<vmem>>) dst(%dma_wait3A_78 : memref<10000x128xf32, #tpu.memory_space<vmem_shared>>)
        tpu.yield
      }) : () -> ()
    }
    %barrier3A_36 = arith.constant 0 : index
    tpu.barrier barrier_id(%barrier3A_36)
    %lt3A_37 = arith.constant 15 : i32
    %lt3A_38 = arith.cmpi slt, %arg1, %lt3A_37 : i32
    %convert_element_type3A_39 = arith.extui %lt3A_38 : i1 to i32
    %cond3A_40 = arith.constant 0 : i32
    %cond3A_41 = arith.cmpi ne, %convert_element_type3A_39, %cond3A_40 : i32
    scf.if %cond3A_41 {
      %mul3A_47 = arith.constant 632 : i32
      %mul3A_48 = arith.muli %arg1, %mul3A_47 : i32
      %mul3A_49 = arith.constant 632 : i32
      %mul3A_50 = arith.muli %arg1, %mul3A_49 : i32
      "tpu.region"() ({
        %run_scoped3A = tpu.sem_alloc : memref<!tpu.dma_semaphore, #tpu.memory_space<semaphore_mem>>
        %dma_start3A = arith.constant 0 : i32
        %dma_start3A_51 = tpu.memref_slice %arg5[%arg0, %mul3A_50, %dma_start3A] : memref<2x10000x128xf32, #tpu.memory_space<hbm>> -> memref<1x632x128xf32, #tpu.memory_space<hbm>>
        %dma_start3A_52 = tpu.memref_squeeze %dma_start3A_51 : memref<1x632x128xf32, #tpu.memory_space<hbm>> -> memref<632x128xf32, #tpu.memory_space<hbm>>
        %dma_start3A_53 = arith.constant 0 : i32
        %dma_start3A_54 = tpu.memref_slice %arg8[%mul3A_48, %dma_start3A_53] : memref<10000x128xf32, #tpu.memory_space<vmem_shared>> -> memref<632x128xf32, #tpu.memory_space<vmem_shared>>
        tpu.enqueue_dma source(%dma_start3A_54 : memref<632x128xf32, #tpu.memory_space<vmem_shared>>) target(%dma_start3A_52 : memref<632x128xf32, #tpu.memory_space<hbm>>) target_semaphore(%run_scoped3A : memref<!tpu.dma_semaphore, #tpu.memory_space<semaphore_mem>>)
        %dma_wait3A = arith.constant 0 : i32
        %dma_wait3A_55 = tpu.memref_slice %arg5[%arg0, %mul3A_50, %dma_wait3A] : memref<2x10000x128xf32, #tpu.memory_space<hbm>> -> memref<1x632x128xf32, #tpu.memory_space<hbm>>
        %dma_wait3A_56 = tpu.memref_squeeze %dma_wait3A_55 : memref<1x632x128xf32, #tpu.memory_space<hbm>> -> memref<632x128xf32, #tpu.memory_space<hbm>>
        %dma_wait3A_57 = arith.constant 0 : i32
        %dma_wait3A_58 = tpu.memref_slice %arg8[%mul3A_48, %dma_wait3A_57] : memref<10000x128xf32, #tpu.memory_space<vmem_shared>> -> memref<632x128xf32, #tpu.memory_space<vmem_shared>>
        tpu.wait_dma2 semaphore(%run_scoped3A : memref<!tpu.dma_semaphore, #tpu.memory_space<semaphore_mem>>) src(%dma_wait3A_58 : memref<632x128xf32, #tpu.memory_space<vmem_shared>>) dst(%dma_wait3A_56 : memref<632x128xf32, #tpu.memory_space<hbm>>)
        tpu.yield
      }) : () -> ()
    } else {
    }
    %eq3A_42 = arith.constant 15 : i32
    %eq3A_43 = arith.cmpi eq, %arg1, %eq3A_42 : i32
    %convert_element_type3A_44 = arith.extui %eq3A_43 : i1 to i32
    %cond3A_45 = arith.constant 0 : i32
    %cond3A_46 = arith.cmpi ne, %convert_element_type3A_44, %cond3A_45 : i32
    scf.if %cond3A_46 {
      %mul3A_47 = arith.constant 632 : i32
      %mul3A_48 = arith.muli %arg1, %mul3A_47 : i32
      %mul3A_49 = arith.constant 632 : i32
      %mul3A_50 = arith.muli %arg1, %mul3A_49 : i32
      "tpu.region"() ({
        %run_scoped3A = tpu.sem_alloc : memref<!tpu.dma_semaphore, #tpu.memory_space<semaphore_mem>>
        %dma_start3A = arith.constant 0 : i32
        %dma_start3A_51 = tpu.memref_slice %arg5[%arg0, %mul3A_50, %dma_start3A] : memref<2x10000x128xf32, #tpu.memory_space<hbm>> -> memref<1x520x128xf32, #tpu.memory_space<hbm>>
        %dma_start3A_52 = tpu.memref_squeeze %dma_start3A_51 : memref<1x520x128xf32, #tpu.memory_space<hbm>> -> memref<520x128xf32, #tpu.memory_space<hbm>>
        %dma_start3A_53 = arith.constant 0 : i32
        %dma_start3A_54 = tpu.memref_slice %arg8[%mul3A_48, %dma_start3A_53] : memref<10000x128xf32, #tpu.memory_space<vmem_shared>> -> memref<520x128xf32, #tpu.memory_space<vmem_shared>>
        tpu.enqueue_dma source(%dma_start3A_54 : memref<520x128xf32, #tpu.memory_space<vmem_shared>>) target(%dma_start3A_52 : memref<520x128xf32, #tpu.memory_space<hbm>>) target_semaphore(%run_scoped3A : memref<!tpu.dma_semaphore, #tpu.memory_space<semaphore_mem>>)
        %dma_wait3A = arith.constant 0 : i32
        %dma_wait3A_55 = tpu.memref_slice %arg5[%arg0, %mul3A_50, %dma_wait3A] : memref<2x10000x128xf32, #tpu.memory_space<hbm>> -> memref<1x520x128xf32, #tpu.memory_space<hbm>>
        %dma_wait3A_56 = tpu.memref_squeeze %dma_wait3A_55 : memref<1x520x128xf32, #tpu.memory_space<hbm>> -> memref<520x128xf32, #tpu.memory_space<hbm>>
        %dma_wait3A_57 = arith.constant 0 : i32
        %dma_wait3A_58 = tpu.memref_slice %arg8[%mul3A_48, %dma_wait3A_57] : memref<10000x128xf32, #tpu.memory_space<vmem_shared>> -> memref<520x128xf32, #tpu.memory_space<vmem_shared>>
        tpu.wait_dma2 semaphore(%run_scoped3A : memref<!tpu.dma_semaphore, #tpu.memory_space<semaphore_mem>>) src(%dma_wait3A_58 : memref<520x128xf32, #tpu.memory_space<vmem_shared>>) dst(%dma_wait3A_56 : memref<520x128xf32, #tpu.memory_space<hbm>>)
        tpu.yield
      }) : () -> ()
    } else {
    }
    return
  }
}

#map = affine_map<(d0, d1) -> (0, 0)>
#map1 = affine_map<(d0, d1) -> (0, 0, 0, 0)>
#map2 = affine_map<(d0, d1) -> (0, 0, 0)>
module attributes {stable_mosaic.version = 14 : i64} {
  func.func @agg_kernel(%arg0: i32, %arg1: i32, %arg2: memref<10000x128xf32, #tpu.memory_space<hbm>>, %arg3: memref<2x625x4x128xi32, #tpu.memory_space<hbm>>, %arg4: memref<632x128xf32, #tpu.memory_space<hbm>>, %arg5: memref<2x10000x128xf32, #tpu.memory_space<hbm>>, %arg6: memref<20x4x128xi32, #tpu.memory_space<vmem>>, %arg7: memref<20x4x128xi32, #tpu.memory_space<vmem>>, %arg8: memref<64x128xf32, #tpu.memory_space<vmem>>, %arg9: memref<64x128xf32, #tpu.memory_space<vmem>>, %arg10: memref<10000x128xf32, #tpu.memory_space<vmem_shared>>, %arg11: memref<!tpu.dma_semaphore, #tpu.memory_space<semaphore_mem>>, %arg12: memref<!tpu.dma_semaphore, #tpu.memory_space<semaphore_mem>>) attributes {dimension_semantics = [#tpu.dimension_semantics<core_parallel>, #tpu.dimension_semantics<subcore_parallel>], iteration_bounds = array<i64: 2, 16>, scalar_prefetch = 0 : i64, scratch_operands = 7 : i64, tpu.core_type = #tpu.core_type<sc_vector_subcore>, window_params = [{transform_indices = #map}, {transform_indices = #map1}, {transform_indices = #map}, {transform_indices = #map2}]} {
    %mul3A = arith.constant 2 : i32
    %mul3A_0 = arith.muli %arg1, %mul3A : i32
    %add3A = arith.addi %mul3A_0, %arg0 : i32
    %mul3A_1 = arith.constant 19 : i32
    %mul3A_2 = arith.muli %add3A, %mul3A_1 : i32
    %min3A = arith.constant 17 : i32
    %min3A_3 = arith.minsi %add3A, %min3A : i32
    %add3A_4 = arith.addi %mul3A_2, %min3A_3 : i32
    %lt3A = arith.constant 17 : i32
    %lt3A_5 = arith.cmpi slt, %add3A, %lt3A : i32
    %jit3A = arith.constant 1 : i32
    %jit3A_6 = arith.constant 0 : i32
    %select_n3A = arith.select %lt3A_5, %jit3A, %jit3A_6 : i32
    %add3A_7 = arith.constant 19 : i32
    %add3A_8 = arith.addi %add3A_7, %select_n3A : i32
    %mul3A_9 = arith.constant 4 : i32
    %mul3A_10 = arith.muli %add3A_8, %mul3A_9 : i32
    %lt3A_11 = arith.constant 17 : i32
    %lt3A_12 = arith.cmpi slt, %add3A, %lt3A_11 : i32
    %convert_element_type3A = arith.extui %lt3A_12 : i1 to i32
    %cond3A = arith.constant 0 : i32
    %cond3A_13 = arith.cmpi ne, %convert_element_type3A, %cond3A : i32
    scf.if %cond3A_13 {
      %run_scoped3A = arith.constant 0 : i32
      "tpu.region"() ({
        %run_scoped3A_72 = tpu.sem_alloc : memref<!tpu.dma_semaphore, #tpu.memory_space<semaphore_mem>>
        %dma_start3A_73 = arith.constant 0 : i32
        %dma_start3A_74 = arith.constant 0 : i32
        %dma_start3A_75 = tpu.memref_slice %arg3[%run_scoped3A, %add3A_4, %dma_start3A_73, %dma_start3A_74] : memref<2x625x4x128xi32, #tpu.memory_space<hbm>> -> memref<1x20x4x128xi32, #tpu.memory_space<hbm>>
        %dma_start3A_76 = tpu.memref_squeeze %dma_start3A_75 : memref<1x20x4x128xi32, #tpu.memory_space<hbm>> -> memref<20x4x128xi32, #tpu.memory_space<hbm>>
        %dma_start3A_77 = arith.constant 0 : i32
        %dma_start3A_78 = arith.constant 0 : i32
        %dma_start3A_79 = tpu.memref_slice %arg3[%run_scoped3A, %add3A_4, %dma_start3A_77, %dma_start3A_78] : memref<2x625x4x128xi32, #tpu.memory_space<hbm>> -> memref<1x20x4x128xi32, #tpu.memory_space<hbm>>
        %dma_start3A_80 = tpu.memref_squeeze %dma_start3A_79 : memref<1x20x4x128xi32, #tpu.memory_space<hbm>> -> memref<20x4x128xi32, #tpu.memory_space<hbm>>
        tpu.enqueue_dma source(%dma_start3A_80 : memref<20x4x128xi32, #tpu.memory_space<hbm>>) target(%arg6 : memref<20x4x128xi32, #tpu.memory_space<vmem>>) target_semaphore(%run_scoped3A_72 : memref<!tpu.dma_semaphore, #tpu.memory_space<semaphore_mem>>)
        %dma_wait3A = arith.constant 0 : i32
        %dma_wait3A_81 = arith.constant 0 : i32
        %dma_wait3A_82 = tpu.memref_slice %arg3[%run_scoped3A, %add3A_4, %dma_wait3A, %dma_wait3A_81] : memref<2x625x4x128xi32, #tpu.memory_space<hbm>> -> memref<1x20x4x128xi32, #tpu.memory_space<hbm>>
        %dma_wait3A_83 = tpu.memref_squeeze %dma_wait3A_82 : memref<1x20x4x128xi32, #tpu.memory_space<hbm>> -> memref<20x4x128xi32, #tpu.memory_space<hbm>>
        %dma_wait3A_84 = arith.constant 0 : i32
        %dma_wait3A_85 = arith.constant 0 : i32
        %dma_wait3A_86 = tpu.memref_slice %arg3[%run_scoped3A, %add3A_4, %dma_wait3A_84, %dma_wait3A_85] : memref<2x625x4x128xi32, #tpu.memory_space<hbm>> -> memref<1x20x4x128xi32, #tpu.memory_space<hbm>>
        %dma_wait3A_87 = tpu.memref_squeeze %dma_wait3A_86 : memref<1x20x4x128xi32, #tpu.memory_space<hbm>> -> memref<20x4x128xi32, #tpu.memory_space<hbm>>
        tpu.wait_dma2 semaphore(%run_scoped3A_72 : memref<!tpu.dma_semaphore, #tpu.memory_space<semaphore_mem>>) src(%dma_wait3A_87 : memref<20x4x128xi32, #tpu.memory_space<hbm>>) dst(%arg6 : memref<20x4x128xi32, #tpu.memory_space<vmem>>)
        tpu.yield
      }) : () -> ()
    } else {
    }
    %ge3A = arith.constant 17 : i32
    %ge3A_14 = arith.cmpi sge, %add3A, %ge3A : i32
    %convert_element_type3A_15 = arith.extui %ge3A_14 : i1 to i32
    %cond3A_16 = arith.constant 0 : i32
    %cond3A_17 = arith.cmpi ne, %convert_element_type3A_15, %cond3A_16 : i32
    scf.if %cond3A_17 {
      %run_scoped3A = arith.constant 0 : i32
      "tpu.region"() ({
        %run_scoped3A_72 = tpu.sem_alloc : memref<!tpu.dma_semaphore, #tpu.memory_space<semaphore_mem>>
        %dma_start3A_73 = arith.constant 0 : i32
        %dma_start3A_74 = arith.constant 0 : i32
        %dma_start3A_75 = arith.constant 0 : i32
        %dma_start3A_76 = tpu.memref_slice %arg6[%dma_start3A_73, %dma_start3A_74, %dma_start3A_75] : memref<20x4x128xi32, #tpu.memory_space<vmem>> -> memref<19x4x128xi32, #tpu.memory_space<vmem>>
        %dma_start3A_77 = arith.constant 0 : i32
        %dma_start3A_78 = arith.constant 0 : i32
        %dma_start3A_79 = tpu.memref_slice %arg3[%run_scoped3A, %add3A_4, %dma_start3A_77, %dma_start3A_78] : memref<2x625x4x128xi32, #tpu.memory_space<hbm>> -> memref<1x19x4x128xi32, #tpu.memory_space<hbm>>
        %dma_start3A_80 = tpu.memref_squeeze %dma_start3A_79 : memref<1x19x4x128xi32, #tpu.memory_space<hbm>> -> memref<19x4x128xi32, #tpu.memory_space<hbm>>
        %dma_start3A_81 = arith.constant 0 : i32
        %dma_start3A_82 = arith.constant 0 : i32
        %dma_start3A_83 = arith.constant 0 : i32
        %dma_start3A_84 = tpu.memref_slice %arg6[%dma_start3A_81, %dma_start3A_82, %dma_start3A_83] : memref<20x4x128xi32, #tpu.memory_space<vmem>> -> memref<19x4x128xi32, #tpu.memory_space<vmem>>
        %dma_start3A_85 = arith.constant 0 : i32
        %dma_start3A_86 = arith.constant 0 : i32
        %dma_start3A_87 = tpu.memref_slice %arg3[%run_scoped3A, %add3A_4, %dma_start3A_85, %dma_start3A_86] : memref<2x625x4x128xi32, #tpu.memory_space<hbm>> -> memref<1x19x4x128xi32, #tpu.memory_space<hbm>>
        %dma_start3A_88 = tpu.memref_squeeze %dma_start3A_87 : memref<1x19x4x128xi32, #tpu.memory_space<hbm>> -> memref<19x4x128xi32, #tpu.memory_space<hbm>>
        tpu.enqueue_dma source(%dma_start3A_88 : memref<19x4x128xi32, #tpu.memory_space<hbm>>) target(%dma_start3A_84 : memref<19x4x128xi32, #tpu.memory_space<vmem>>) target_semaphore(%run_scoped3A_72 : memref<!tpu.dma_semaphore, #tpu.memory_space<semaphore_mem>>)
        %dma_wait3A = arith.constant 0 : i32
        %dma_wait3A_89 = arith.constant 0 : i32
        %dma_wait3A_90 = arith.constant 0 : i32
        %dma_wait3A_91 = tpu.memref_slice %arg6[%dma_wait3A, %dma_wait3A_89, %dma_wait3A_90] : memref<20x4x128xi32, #tpu.memory_space<vmem>> -> memref<19x4x128xi32, #tpu.memory_space<vmem>>
        %dma_wait3A_92 = arith.constant 0 : i32
        %dma_wait3A_93 = arith.constant 0 : i32
        %dma_wait3A_94 = tpu.memref_slice %arg3[%run_scoped3A, %add3A_4, %dma_wait3A_92, %dma_wait3A_93] : memref<2x625x4x128xi32, #tpu.memory_space<hbm>> -> memref<1x19x4x128xi32, #tpu.memory_space<hbm>>
        %dma_wait3A_95 = tpu.memref_squeeze %dma_wait3A_94 : memref<1x19x4x128xi32, #tpu.memory_space<hbm>> -> memref<19x4x128xi32, #tpu.memory_space<hbm>>
        %dma_wait3A_96 = arith.constant 0 : i32
        %dma_wait3A_97 = arith.constant 0 : i32
        %dma_wait3A_98 = arith.constant 0 : i32
        %dma_wait3A_99 = tpu.memref_slice %arg6[%dma_wait3A_96, %dma_wait3A_97, %dma_wait3A_98] : memref<20x4x128xi32, #tpu.memory_space<vmem>> -> memref<19x4x128xi32, #tpu.memory_space<vmem>>
        %dma_wait3A_100 = arith.constant 0 : i32
        %dma_wait3A_101 = arith.constant 0 : i32
        %dma_wait3A_102 = tpu.memref_slice %arg3[%run_scoped3A, %add3A_4, %dma_wait3A_100, %dma_wait3A_101] : memref<2x625x4x128xi32, #tpu.memory_space<hbm>> -> memref<1x19x4x128xi32, #tpu.memory_space<hbm>>
        %dma_wait3A_103 = tpu.memref_squeeze %dma_wait3A_102 : memref<1x19x4x128xi32, #tpu.memory_space<hbm>> -> memref<19x4x128xi32, #tpu.memory_space<hbm>>
        tpu.wait_dma2 semaphore(%run_scoped3A_72 : memref<!tpu.dma_semaphore, #tpu.memory_space<semaphore_mem>>) src(%dma_wait3A_103 : memref<19x4x128xi32, #tpu.memory_space<hbm>>) dst(%dma_wait3A_99 : memref<19x4x128xi32, #tpu.memory_space<vmem>>)
        tpu.yield
      }) : () -> ()
    } else {
    }
    %dma_start3A = arith.constant 0 : i32
    %dma_start3A_18 = arith.constant 0 : i32
    %dma_start3A_19 = arith.constant 0 : i32
    %dma_start3A_20 = tpu.memref_slice %arg6[%dma_start3A, %dma_start3A_18, %dma_start3A_19] : memref<20x4x128xi32, #tpu.memory_space<vmem>> -> memref<1x1x64xi32, #tpu.memory_space<vmem>>
    %dma_start3A_21 = tpu.memref_squeeze %dma_start3A_20 : memref<1x1x64xi32, #tpu.memory_space<vmem>> -> memref<64xi32, #tpu.memory_space<vmem>>
    %dma_start3A_22 = arith.constant 0 : i32
    %dma_start3A_23 = arith.constant 0 : i32
    %dma_start3A_24 = tpu.memref_slice %arg2[%dma_start3A_22, %dma_start3A_23] : memref<10000x128xf32, #tpu.memory_space<hbm>> -> memref<10000x128xf32, #tpu.memory_space<hbm>>
    tpu.enqueue_indirect_dma source(%dma_start3A_24 : memref<10000x128xf32, #tpu.memory_space<hbm>>) target(%arg8 : memref<64x128xf32, #tpu.memory_space<vmem>>) offsets(%dma_start3A_21 : memref<64xi32, #tpu.memory_space<vmem>>) semaphore(%arg11 : memref<!tpu.dma_semaphore, #tpu.memory_space<semaphore_mem>>)
    %dma_start3A_25 = arith.constant 0 : i32
    %dma_start3A_26 = arith.constant 0 : i32
    %dma_start3A_27 = arith.constant 64 : i32
    %dma_start3A_28 = tpu.memref_slice %arg6[%dma_start3A_25, %dma_start3A_26, %dma_start3A_27] : memref<20x4x128xi32, #tpu.memory_space<vmem>> -> memref<1x1x64xi32, #tpu.memory_space<vmem>>
    %dma_start3A_29 = tpu.memref_squeeze %dma_start3A_28 : memref<1x1x64xi32, #tpu.memory_space<vmem>> -> memref<64xi32, #tpu.memory_space<vmem>>
    %dma_start3A_30 = arith.constant 0 : i32
    %dma_start3A_31 = arith.constant 0 : i32
    %dma_start3A_32 = tpu.memref_slice %arg2[%dma_start3A_30, %dma_start3A_31] : memref<10000x128xf32, #tpu.memory_space<hbm>> -> memref<10000x128xf32, #tpu.memory_space<hbm>>
    tpu.enqueue_indirect_dma source(%dma_start3A_32 : memref<10000x128xf32, #tpu.memory_space<hbm>>) target(%arg9 : memref<64x128xf32, #tpu.memory_space<vmem>>) offsets(%dma_start3A_29 : memref<64xi32, #tpu.memory_space<vmem>>) semaphore(%arg12 : memref<!tpu.dma_semaphore, #tpu.memory_space<semaphore_mem>>)
    %lt3A_33 = arith.constant 15 : i32
    %lt3A_34 = arith.cmpi slt, %arg1, %lt3A_33 : i32
    %convert_element_type3A_35 = arith.extui %lt3A_34 : i1 to i32
    %cond3A_36 = arith.constant 0 : i32
    %cond3A_37 = arith.cmpi ne, %convert_element_type3A_35, %cond3A_36 : i32
    scf.if %cond3A_37 {
      %mul3A_72 = arith.constant 632 : i32
      %mul3A_73 = arith.muli %arg1, %mul3A_72 : i32
      %mul3A_74 = arith.constant 632 : i32
      %mul3A_75 = arith.muli %arg1, %mul3A_74 : i32
      "tpu.region"() ({
        %run_scoped3A = tpu.sem_alloc : memref<!tpu.dma_semaphore, #tpu.memory_space<semaphore_mem>>
        %dma_start3A_76 = arith.constant 0 : i32
        %dma_start3A_77 = tpu.memref_slice %arg10[%mul3A_75, %dma_start3A_76] : memref<10000x128xf32, #tpu.memory_space<vmem_shared>> -> memref<632x128xf32, #tpu.memory_space<vmem_shared>>
        %dma_start3A_78 = arith.constant 0 : i32
        %dma_start3A_79 = arith.constant 0 : i32
        %dma_start3A_80 = tpu.memref_slice %arg4[%dma_start3A_78, %dma_start3A_79] : memref<632x128xf32, #tpu.memory_space<hbm>> -> memref<632x128xf32, #tpu.memory_space<hbm>>
        tpu.enqueue_dma source(%dma_start3A_80 : memref<632x128xf32, #tpu.memory_space<hbm>>) target(%dma_start3A_77 : memref<632x128xf32, #tpu.memory_space<vmem_shared>>) target_semaphore(%run_scoped3A : memref<!tpu.dma_semaphore, #tpu.memory_space<semaphore_mem>>)
        %dma_wait3A = arith.constant 0 : i32
        %dma_wait3A_81 = tpu.memref_slice %arg10[%mul3A_75, %dma_wait3A] : memref<10000x128xf32, #tpu.memory_space<vmem_shared>> -> memref<632x128xf32, #tpu.memory_space<vmem_shared>>
        %dma_wait3A_82 = arith.constant 0 : i32
        %dma_wait3A_83 = arith.constant 0 : i32
        %dma_wait3A_84 = tpu.memref_slice %arg4[%dma_wait3A_82, %dma_wait3A_83] : memref<632x128xf32, #tpu.memory_space<hbm>> -> memref<632x128xf32, #tpu.memory_space<hbm>>
        tpu.wait_dma2 semaphore(%run_scoped3A : memref<!tpu.dma_semaphore, #tpu.memory_space<semaphore_mem>>) src(%dma_wait3A_84 : memref<632x128xf32, #tpu.memory_space<hbm>>) dst(%dma_wait3A_81 : memref<632x128xf32, #tpu.memory_space<vmem_shared>>)
        tpu.yield
      }) : () -> ()
    } else {
    }
    %eq3A = arith.constant 15 : i32
    %eq3A_38 = arith.cmpi eq, %arg1, %eq3A : i32
    %convert_element_type3A_39 = arith.extui %eq3A_38 : i1 to i32
    %cond3A_40 = arith.constant 0 : i32
    %cond3A_41 = arith.cmpi ne, %convert_element_type3A_39, %cond3A_40 : i32
    scf.if %cond3A_41 {
      %mul3A_72 = arith.constant 632 : i32
      %mul3A_73 = arith.muli %arg1, %mul3A_72 : i32
      %mul3A_74 = arith.constant 632 : i32
      %mul3A_75 = arith.muli %arg1, %mul3A_74 : i32
      "tpu.region"() ({
        %run_scoped3A = tpu.sem_alloc : memref<!tpu.dma_semaphore, #tpu.memory_space<semaphore_mem>>
        %dma_start3A_76 = arith.constant 0 : i32
        %dma_start3A_77 = tpu.memref_slice %arg10[%mul3A_75, %dma_start3A_76] : memref<10000x128xf32, #tpu.memory_space<vmem_shared>> -> memref<520x128xf32, #tpu.memory_space<vmem_shared>>
        %dma_start3A_78 = arith.constant 0 : i32
        %dma_start3A_79 = arith.constant 0 : i32
        %dma_start3A_80 = tpu.memref_slice %arg4[%dma_start3A_78, %dma_start3A_79] : memref<632x128xf32, #tpu.memory_space<hbm>> -> memref<520x128xf32, #tpu.memory_space<hbm>>
        tpu.enqueue_dma source(%dma_start3A_80 : memref<520x128xf32, #tpu.memory_space<hbm>>) target(%dma_start3A_77 : memref<520x128xf32, #tpu.memory_space<vmem_shared>>) target_semaphore(%run_scoped3A : memref<!tpu.dma_semaphore, #tpu.memory_space<semaphore_mem>>)
        %dma_wait3A = arith.constant 0 : i32
        %dma_wait3A_81 = tpu.memref_slice %arg10[%mul3A_75, %dma_wait3A] : memref<10000x128xf32, #tpu.memory_space<vmem_shared>> -> memref<520x128xf32, #tpu.memory_space<vmem_shared>>
        %dma_wait3A_82 = arith.constant 0 : i32
        %dma_wait3A_83 = arith.constant 0 : i32
        %dma_wait3A_84 = tpu.memref_slice %arg4[%dma_wait3A_82, %dma_wait3A_83] : memref<632x128xf32, #tpu.memory_space<hbm>> -> memref<520x128xf32, #tpu.memory_space<hbm>>
        tpu.wait_dma2 semaphore(%run_scoped3A : memref<!tpu.dma_semaphore, #tpu.memory_space<semaphore_mem>>) src(%dma_wait3A_84 : memref<520x128xf32, #tpu.memory_space<hbm>>) dst(%dma_wait3A_81 : memref<520x128xf32, #tpu.memory_space<vmem_shared>>)
        tpu.yield
      }) : () -> ()
    } else {
    }
    %lt3A_42 = arith.constant 17 : i32
    %lt3A_43 = arith.cmpi slt, %add3A, %lt3A_42 : i32
    %convert_element_type3A_44 = arith.extui %lt3A_43 : i1 to i32
    %cond3A_45 = arith.constant 0 : i32
    %cond3A_46 = arith.cmpi ne, %convert_element_type3A_44, %cond3A_45 : i32
    scf.if %cond3A_46 {
      %run_scoped3A = arith.constant 1 : i32
      "tpu.region"() ({
        %run_scoped3A_72 = tpu.sem_alloc : memref<!tpu.dma_semaphore, #tpu.memory_space<semaphore_mem>>
        %dma_start3A_73 = arith.constant 0 : i32
        %dma_start3A_74 = arith.constant 0 : i32
        %dma_start3A_75 = tpu.memref_slice %arg3[%run_scoped3A, %add3A_4, %dma_start3A_73, %dma_start3A_74] : memref<2x625x4x128xi32, #tpu.memory_space<hbm>> -> memref<1x20x4x128xi32, #tpu.memory_space<hbm>>
        %dma_start3A_76 = tpu.memref_squeeze %dma_start3A_75 : memref<1x20x4x128xi32, #tpu.memory_space<hbm>> -> memref<20x4x128xi32, #tpu.memory_space<hbm>>
        %dma_start3A_77 = arith.constant 0 : i32
        %dma_start3A_78 = arith.constant 0 : i32
        %dma_start3A_79 = tpu.memref_slice %arg3[%run_scoped3A, %add3A_4, %dma_start3A_77, %dma_start3A_78] : memref<2x625x4x128xi32, #tpu.memory_space<hbm>> -> memref<1x20x4x128xi32, #tpu.memory_space<hbm>>
        %dma_start3A_80 = tpu.memref_squeeze %dma_start3A_79 : memref<1x20x4x128xi32, #tpu.memory_space<hbm>> -> memref<20x4x128xi32, #tpu.memory_space<hbm>>
        tpu.enqueue_dma source(%dma_start3A_80 : memref<20x4x128xi32, #tpu.memory_space<hbm>>) target(%arg7 : memref<20x4x128xi32, #tpu.memory_space<vmem>>) target_semaphore(%run_scoped3A_72 : memref<!tpu.dma_semaphore, #tpu.memory_space<semaphore_mem>>)
        %dma_wait3A = arith.constant 0 : i32
        %dma_wait3A_81 = arith.constant 0 : i32
        %dma_wait3A_82 = tpu.memref_slice %arg3[%run_scoped3A, %add3A_4, %dma_wait3A, %dma_wait3A_81] : memref<2x625x4x128xi32, #tpu.memory_space<hbm>> -> memref<1x20x4x128xi32, #tpu.memory_space<hbm>>
        %dma_wait3A_83 = tpu.memref_squeeze %dma_wait3A_82 : memref<1x20x4x128xi32, #tpu.memory_space<hbm>> -> memref<20x4x128xi32, #tpu.memory_space<hbm>>
        %dma_wait3A_84 = arith.constant 0 : i32
        %dma_wait3A_85 = arith.constant 0 : i32
        %dma_wait3A_86 = tpu.memref_slice %arg3[%run_scoped3A, %add3A_4, %dma_wait3A_84, %dma_wait3A_85] : memref<2x625x4x128xi32, #tpu.memory_space<hbm>> -> memref<1x20x4x128xi32, #tpu.memory_space<hbm>>
        %dma_wait3A_87 = tpu.memref_squeeze %dma_wait3A_86 : memref<1x20x4x128xi32, #tpu.memory_space<hbm>> -> memref<20x4x128xi32, #tpu.memory_space<hbm>>
        tpu.wait_dma2 semaphore(%run_scoped3A_72 : memref<!tpu.dma_semaphore, #tpu.memory_space<semaphore_mem>>) src(%dma_wait3A_87 : memref<20x4x128xi32, #tpu.memory_space<hbm>>) dst(%arg7 : memref<20x4x128xi32, #tpu.memory_space<vmem>>)
        tpu.yield
      }) : () -> ()
    } else {
    }
    %ge3A_47 = arith.constant 17 : i32
    %ge3A_48 = arith.cmpi sge, %add3A, %ge3A_47 : i32
    %convert_element_type3A_49 = arith.extui %ge3A_48 : i1 to i32
    %cond3A_50 = arith.constant 0 : i32
    %cond3A_51 = arith.cmpi ne, %convert_element_type3A_49, %cond3A_50 : i32
    scf.if %cond3A_51 {
      %run_scoped3A = arith.constant 1 : i32
      "tpu.region"() ({
        %run_scoped3A_72 = tpu.sem_alloc : memref<!tpu.dma_semaphore, #tpu.memory_space<semaphore_mem>>
        %dma_start3A_73 = arith.constant 0 : i32
        %dma_start3A_74 = arith.constant 0 : i32
        %dma_start3A_75 = arith.constant 0 : i32
        %dma_start3A_76 = tpu.memref_slice %arg7[%dma_start3A_73, %dma_start3A_74, %dma_start3A_75] : memref<20x4x128xi32, #tpu.memory_space<vmem>> -> memref<19x4x128xi32, #tpu.memory_space<vmem>>
        %dma_start3A_77 = arith.constant 0 : i32
        %dma_start3A_78 = arith.constant 0 : i32
        %dma_start3A_79 = tpu.memref_slice %arg3[%run_scoped3A, %add3A_4, %dma_start3A_77, %dma_start3A_78] : memref<2x625x4x128xi32, #tpu.memory_space<hbm>> -> memref<1x19x4x128xi32, #tpu.memory_space<hbm>>
        %dma_start3A_80 = tpu.memref_squeeze %dma_start3A_79 : memref<1x19x4x128xi32, #tpu.memory_space<hbm>> -> memref<19x4x128xi32, #tpu.memory_space<hbm>>
        %dma_start3A_81 = arith.constant 0 : i32
        %dma_start3A_82 = arith.constant 0 : i32
        %dma_start3A_83 = arith.constant 0 : i32
        %dma_start3A_84 = tpu.memref_slice %arg7[%dma_start3A_81, %dma_start3A_82, %dma_start3A_83] : memref<20x4x128xi32, #tpu.memory_space<vmem>> -> memref<19x4x128xi32, #tpu.memory_space<vmem>>
        %dma_start3A_85 = arith.constant 0 : i32
        %dma_start3A_86 = arith.constant 0 : i32
        %dma_start3A_87 = tpu.memref_slice %arg3[%run_scoped3A, %add3A_4, %dma_start3A_85, %dma_start3A_86] : memref<2x625x4x128xi32, #tpu.memory_space<hbm>> -> memref<1x19x4x128xi32, #tpu.memory_space<hbm>>
        %dma_start3A_88 = tpu.memref_squeeze %dma_start3A_87 : memref<1x19x4x128xi32, #tpu.memory_space<hbm>> -> memref<19x4x128xi32, #tpu.memory_space<hbm>>
        tpu.enqueue_dma source(%dma_start3A_88 : memref<19x4x128xi32, #tpu.memory_space<hbm>>) target(%dma_start3A_84 : memref<19x4x128xi32, #tpu.memory_space<vmem>>) target_semaphore(%run_scoped3A_72 : memref<!tpu.dma_semaphore, #tpu.memory_space<semaphore_mem>>)
        %dma_wait3A = arith.constant 0 : i32
        %dma_wait3A_89 = arith.constant 0 : i32
        %dma_wait3A_90 = arith.constant 0 : i32
        %dma_wait3A_91 = tpu.memref_slice %arg7[%dma_wait3A, %dma_wait3A_89, %dma_wait3A_90] : memref<20x4x128xi32, #tpu.memory_space<vmem>> -> memref<19x4x128xi32, #tpu.memory_space<vmem>>
        %dma_wait3A_92 = arith.constant 0 : i32
        %dma_wait3A_93 = arith.constant 0 : i32
        %dma_wait3A_94 = tpu.memref_slice %arg3[%run_scoped3A, %add3A_4, %dma_wait3A_92, %dma_wait3A_93] : memref<2x625x4x128xi32, #tpu.memory_space<hbm>> -> memref<1x19x4x128xi32, #tpu.memory_space<hbm>>
        %dma_wait3A_95 = tpu.memref_squeeze %dma_wait3A_94 : memref<1x19x4x128xi32, #tpu.memory_space<hbm>> -> memref<19x4x128xi32, #tpu.memory_space<hbm>>
        %dma_wait3A_96 = arith.constant 0 : i32
        %dma_wait3A_97 = arith.constant 0 : i32
        %dma_wait3A_98 = arith.constant 0 : i32
        %dma_wait3A_99 = tpu.memref_slice %arg7[%dma_wait3A_96, %dma_wait3A_97, %dma_wait3A_98] : memref<20x4x128xi32, #tpu.memory_space<vmem>> -> memref<19x4x128xi32, #tpu.memory_space<vmem>>
        %dma_wait3A_100 = arith.constant 0 : i32
        %dma_wait3A_101 = arith.constant 0 : i32
        %dma_wait3A_102 = tpu.memref_slice %arg3[%run_scoped3A, %add3A_4, %dma_wait3A_100, %dma_wait3A_101] : memref<2x625x4x128xi32, #tpu.memory_space<hbm>> -> memref<1x19x4x128xi32, #tpu.memory_space<hbm>>
        %dma_wait3A_103 = tpu.memref_squeeze %dma_wait3A_102 : memref<1x19x4x128xi32, #tpu.memory_space<hbm>> -> memref<19x4x128xi32, #tpu.memory_space<hbm>>
        tpu.wait_dma2 semaphore(%run_scoped3A_72 : memref<!tpu.dma_semaphore, #tpu.memory_space<semaphore_mem>>) src(%dma_wait3A_103 : memref<19x4x128xi32, #tpu.memory_space<hbm>>) dst(%dma_wait3A_99 : memref<19x4x128xi32, #tpu.memory_space<vmem>>)
        tpu.yield
      }) : () -> ()
    } else {
    }
    %barrier3A = arith.constant 0 : index
    tpu.barrier barrier_id(%barrier3A)
    %while3A = arith.constant 0 : i32
    %while3A_52 = arith.constant 0 : i32
    %while3A_53 = arith.subi %mul3A_10, %while3A_52 : i32
    %while3A_54 = arith.addi %while3A_52, %while3A_53 : i32
    %while3A_55 = arith.constant 1 : i32
    %while3A_56 = arith.divsi %while3A_53, %while3A_55 : i32
    %while3A_57 = arith.muli %while3A_56, %while3A_55 : i32
    %while3A_58 = arith.addi %while3A_52, %while3A_57 : i32
    %while3A_59 = arith.constant 1 : i32
    scf.for %while3A_72 = %while3A_52 to %while3A_58 step %while3A_59  : i32 {
      %jit3A_73 = arith.constant 4 : i32
      %div3A = arith.divsi %while3A_72, %jit3A_73 : i32
      %sign3A = arith.constant 0 : i32
      %sign3A_74 = arith.cmpi sgt, %while3A_72, %sign3A : i32
      %sign3A_75 = arith.extui %sign3A_74 : i1 to i32
      %sign3A_76 = arith.constant 0 : i32
      %sign3A_77 = arith.cmpi slt, %while3A_72, %sign3A_76 : i32
      %sign3A_78 = arith.extui %sign3A_77 : i1 to i32
      %sign3A_79 = arith.subi %sign3A_75, %sign3A_78 : i32
      %sign3A_80 = arith.constant 0 : i32
      %sign3A_81 = arith.cmpi sgt, %jit3A_73, %sign3A_80 : i32
      %sign3A_82 = arith.extui %sign3A_81 : i1 to i32
      %sign3A_83 = arith.constant 0 : i32
      %sign3A_84 = arith.cmpi slt, %jit3A_73, %sign3A_83 : i32
      %sign3A_85 = arith.extui %sign3A_84 : i1 to i32
      %sign3A_86 = arith.subi %sign3A_82, %sign3A_85 : i32
      %ne3A = arith.cmpi ne, %sign3A_79, %sign3A_86 : i32
      %rem3A = arith.remsi %while3A_72, %jit3A_73 : i32
      %ne3A_87 = arith.constant 0 : i32
      %ne3A_88 = arith.cmpi ne, %rem3A, %ne3A_87 : i32
      %and3A = arith.andi %ne3A, %ne3A_88 : i1
      %sub3A = arith.constant 1 : i32
      %sub3A_89 = arith.subi %div3A, %sub3A : i32
      %select_n3A_90 = arith.select %and3A, %sub3A_89, %div3A : i32
      %mul3A_91 = arith.constant 4 : i32
      %mul3A_92 = arith.muli %select_n3A_90, %mul3A_91 : i32
      %sub3A_93 = arith.subi %while3A_72, %mul3A_92 : i32
      %dma_wait3A = arith.constant 0 : i32
      %dma_wait3A_94 = tpu.memref_slice %arg6[%select_n3A_90, %sub3A_93, %dma_wait3A] : memref<20x4x128xi32, #tpu.memory_space<vmem>> -> memref<1x1x64xi32, #tpu.memory_space<vmem>>
      %dma_wait3A_95 = tpu.memref_squeeze %dma_wait3A_94 : memref<1x1x64xi32, #tpu.memory_space<vmem>> -> memref<64xi32, #tpu.memory_space<vmem>>
      %dma_wait3A_96 = arith.constant 0 : i32
      %dma_wait3A_97 = arith.constant 0 : i32
      %dma_wait3A_98 = tpu.memref_slice %arg2[%dma_wait3A_96, %dma_wait3A_97] : memref<10000x128xf32, #tpu.memory_space<hbm>> -> memref<10000x128xf32, #tpu.memory_space<hbm>>
      tpu.wait_indirect_dma semaphore(%arg11 : memref<!tpu.dma_semaphore, #tpu.memory_space<semaphore_mem>>) src(%dma_wait3A_98 : memref<10000x128xf32, #tpu.memory_space<hbm>>) dst(%arg8 : memref<64x128xf32, #tpu.memory_space<vmem>>)
      "tpu.region"() ({
        %run_scoped3A = tpu.sem_alloc : memref<!tpu.dma_semaphore, #tpu.memory_space<semaphore_mem>>
        %dma_start3A_117 = arith.constant 0 : i32
        %dma_start3A_118 = tpu.memref_slice %arg7[%select_n3A_90, %sub3A_93, %dma_start3A_117] : memref<20x4x128xi32, #tpu.memory_space<vmem>> -> memref<1x1x64xi32, #tpu.memory_space<vmem>>
        %dma_start3A_119 = tpu.memref_squeeze %dma_start3A_118 : memref<1x1x64xi32, #tpu.memory_space<vmem>> -> memref<64xi32, #tpu.memory_space<vmem>>
        %dma_start3A_120 = arith.constant 0 : i32
        %dma_start3A_121 = arith.constant 0 : i32
        %dma_start3A_122 = tpu.memref_slice %arg10[%dma_start3A_120, %dma_start3A_121] : memref<10000x128xf32, #tpu.memory_space<vmem_shared>> -> memref<10000x128xf32, #tpu.memory_space<vmem_shared>>
        tpu.enqueue_indirect_dma source(%arg8 : memref<64x128xf32, #tpu.memory_space<vmem>>) target(%dma_start3A_122 : memref<10000x128xf32, #tpu.memory_space<vmem_shared>>) offsets(%dma_start3A_119 : memref<64xi32, #tpu.memory_space<vmem>>) semaphore(%run_scoped3A : memref<!tpu.dma_semaphore, #tpu.memory_space<semaphore_mem>>) {add = true}
        %dma_wait3A_123 = arith.constant 0 : i32
        %dma_wait3A_124 = tpu.memref_slice %arg7[%select_n3A_90, %sub3A_93, %dma_wait3A_123] : memref<20x4x128xi32, #tpu.memory_space<vmem>> -> memref<1x1x64xi32, #tpu.memory_space<vmem>>
        %dma_wait3A_125 = tpu.memref_squeeze %dma_wait3A_124 : memref<1x1x64xi32, #tpu.memory_space<vmem>> -> memref<64xi32, #tpu.memory_space<vmem>>
        %dma_wait3A_126 = arith.constant 0 : i32
        %dma_wait3A_127 = arith.constant 0 : i32
        %dma_wait3A_128 = tpu.memref_slice %arg10[%dma_wait3A_126, %dma_wait3A_127] : memref<10000x128xf32, #tpu.memory_space<vmem_shared>> -> memref<10000x128xf32, #tpu.memory_space<vmem_shared>>
        tpu.wait_indirect_dma semaphore(%run_scoped3A : memref<!tpu.dma_semaphore, #tpu.memory_space<semaphore_mem>>) src(%arg8 : memref<64x128xf32, #tpu.memory_space<vmem>>) dst(%dma_wait3A_128 : memref<10000x128xf32, #tpu.memory_space<vmem_shared>>)
        tpu.yield
      }) : () -> ()
      %sub3A_99 = arith.constant 1 : i32
      %sub3A_100 = arith.subi %mul3A_10, %sub3A_99 : i32
      %lt3A_101 = arith.cmpi slt, %while3A_72, %sub3A_100 : i32
      %convert_element_type3A_102 = arith.extui %lt3A_101 : i1 to i32
      %cond3A_103 = arith.constant 0 : i32
      %cond3A_104 = arith.cmpi ne, %convert_element_type3A_102, %cond3A_103 : i32
      scf.if %cond3A_104 {
        %add3A_117 = arith.constant 1 : i32
        %add3A_118 = arith.addi %while3A_72, %add3A_117 : i32
        %jit3A_119 = arith.constant 4 : i32
        %div3A_120 = arith.divsi %add3A_118, %jit3A_119 : i32
        %sign3A_121 = arith.constant 0 : i32
        %sign3A_122 = arith.cmpi sgt, %add3A_118, %sign3A_121 : i32
        %sign3A_123 = arith.extui %sign3A_122 : i1 to i32
        %sign3A_124 = arith.constant 0 : i32
        %sign3A_125 = arith.cmpi slt, %add3A_118, %sign3A_124 : i32
        %sign3A_126 = arith.extui %sign3A_125 : i1 to i32
        %sign3A_127 = arith.subi %sign3A_123, %sign3A_126 : i32
        %sign3A_128 = arith.constant 0 : i32
        %sign3A_129 = arith.cmpi sgt, %jit3A_119, %sign3A_128 : i32
        %sign3A_130 = arith.extui %sign3A_129 : i1 to i32
        %sign3A_131 = arith.constant 0 : i32
        %sign3A_132 = arith.cmpi slt, %jit3A_119, %sign3A_131 : i32
        %sign3A_133 = arith.extui %sign3A_132 : i1 to i32
        %sign3A_134 = arith.subi %sign3A_130, %sign3A_133 : i32
        %ne3A_135 = arith.cmpi ne, %sign3A_127, %sign3A_134 : i32
        %rem3A_136 = arith.remsi %add3A_118, %jit3A_119 : i32
        %ne3A_137 = arith.constant 0 : i32
        %ne3A_138 = arith.cmpi ne, %rem3A_136, %ne3A_137 : i32
        %and3A_139 = arith.andi %ne3A_135, %ne3A_138 : i1
        %sub3A_140 = arith.constant 1 : i32
        %sub3A_141 = arith.subi %div3A_120, %sub3A_140 : i32
        %select_n3A_142 = arith.select %and3A_139, %sub3A_141, %div3A_120 : i32
        %add3A_143 = arith.constant 1 : i32
        %add3A_144 = arith.addi %while3A_72, %add3A_143 : i32
        %mul3A_145 = arith.constant 4 : i32
        %mul3A_146 = arith.muli %select_n3A_142, %mul3A_145 : i32
        %sub3A_147 = arith.subi %add3A_144, %mul3A_146 : i32
        %dma_start3A_148 = arith.constant 0 : i32
        %dma_start3A_149 = tpu.memref_slice %arg6[%select_n3A_142, %sub3A_147, %dma_start3A_148] : memref<20x4x128xi32, #tpu.memory_space<vmem>> -> memref<1x1x64xi32, #tpu.memory_space<vmem>>
        %dma_start3A_150 = tpu.memref_squeeze %dma_start3A_149 : memref<1x1x64xi32, #tpu.memory_space<vmem>> -> memref<64xi32, #tpu.memory_space<vmem>>
        %dma_start3A_151 = arith.constant 0 : i32
        %dma_start3A_152 = arith.constant 0 : i32
        %dma_start3A_153 = tpu.memref_slice %arg2[%dma_start3A_151, %dma_start3A_152] : memref<10000x128xf32, #tpu.memory_space<hbm>> -> memref<10000x128xf32, #tpu.memory_space<hbm>>
        tpu.enqueue_indirect_dma source(%dma_start3A_153 : memref<10000x128xf32, #tpu.memory_space<hbm>>) target(%arg8 : memref<64x128xf32, #tpu.memory_space<vmem>>) offsets(%dma_start3A_150 : memref<64xi32, #tpu.memory_space<vmem>>) semaphore(%arg11 : memref<!tpu.dma_semaphore, #tpu.memory_space<semaphore_mem>>)
      } else {
      }
      %dma_wait3A_105 = arith.constant 64 : i32
      %dma_wait3A_106 = tpu.memref_slice %arg6[%select_n3A_90, %sub3A_93, %dma_wait3A_105] : memref<20x4x128xi32, #tpu.memory_space<vmem>> -> memref<1x1x64xi32, #tpu.memory_space<vmem>>
      %dma_wait3A_107 = tpu.memref_squeeze %dma_wait3A_106 : memref<1x1x64xi32, #tpu.memory_space<vmem>> -> memref<64xi32, #tpu.memory_space<vmem>>
      %dma_wait3A_108 = arith.constant 0 : i32
      %dma_wait3A_109 = arith.constant 0 : i32
      %dma_wait3A_110 = tpu.memref_slice %arg2[%dma_wait3A_108, %dma_wait3A_109] : memref<10000x128xf32, #tpu.memory_space<hbm>> -> memref<10000x128xf32, #tpu.memory_space<hbm>>
      tpu.wait_indirect_dma semaphore(%arg12 : memref<!tpu.dma_semaphore, #tpu.memory_space<semaphore_mem>>) src(%dma_wait3A_110 : memref<10000x128xf32, #tpu.memory_space<hbm>>) dst(%arg9 : memref<64x128xf32, #tpu.memory_space<vmem>>)
      "tpu.region"() ({
        %run_scoped3A = tpu.sem_alloc : memref<!tpu.dma_semaphore, #tpu.memory_space<semaphore_mem>>
        %dma_start3A_117 = arith.constant 64 : i32
        %dma_start3A_118 = tpu.memref_slice %arg7[%select_n3A_90, %sub3A_93, %dma_start3A_117] : memref<20x4x128xi32, #tpu.memory_space<vmem>> -> memref<1x1x64xi32, #tpu.memory_space<vmem>>
        %dma_start3A_119 = tpu.memref_squeeze %dma_start3A_118 : memref<1x1x64xi32, #tpu.memory_space<vmem>> -> memref<64xi32, #tpu.memory_space<vmem>>
        %dma_start3A_120 = arith.constant 0 : i32
        %dma_start3A_121 = arith.constant 0 : i32
        %dma_start3A_122 = tpu.memref_slice %arg10[%dma_start3A_120, %dma_start3A_121] : memref<10000x128xf32, #tpu.memory_space<vmem_shared>> -> memref<10000x128xf32, #tpu.memory_space<vmem_shared>>
        tpu.enqueue_indirect_dma source(%arg9 : memref<64x128xf32, #tpu.memory_space<vmem>>) target(%dma_start3A_122 : memref<10000x128xf32, #tpu.memory_space<vmem_shared>>) offsets(%dma_start3A_119 : memref<64xi32, #tpu.memory_space<vmem>>) semaphore(%run_scoped3A : memref<!tpu.dma_semaphore, #tpu.memory_space<semaphore_mem>>) {add = true}
        %dma_wait3A_123 = arith.constant 64 : i32
        %dma_wait3A_124 = tpu.memref_slice %arg7[%select_n3A_90, %sub3A_93, %dma_wait3A_123] : memref<20x4x128xi32, #tpu.memory_space<vmem>> -> memref<1x1x64xi32, #tpu.memory_space<vmem>>
        %dma_wait3A_125 = tpu.memref_squeeze %dma_wait3A_124 : memref<1x1x64xi32, #tpu.memory_space<vmem>> -> memref<64xi32, #tpu.memory_space<vmem>>
        %dma_wait3A_126 = arith.constant 0 : i32
        %dma_wait3A_127 = arith.constant 0 : i32
        %dma_wait3A_128 = tpu.memref_slice %arg10[%dma_wait3A_126, %dma_wait3A_127] : memref<10000x128xf32, #tpu.memory_space<vmem_shared>> -> memref<10000x128xf32, #tpu.memory_space<vmem_shared>>
        tpu.wait_indirect_dma semaphore(%run_scoped3A : memref<!tpu.dma_semaphore, #tpu.memory_space<semaphore_mem>>) src(%arg9 : memref<64x128xf32, #tpu.memory_space<vmem>>) dst(%dma_wait3A_128 : memref<10000x128xf32, #tpu.memory_space<vmem_shared>>)
        tpu.yield
      }) : () -> ()
      %sub3A_111 = arith.constant 1 : i32
      %sub3A_112 = arith.subi %mul3A_10, %sub3A_111 : i32
      %lt3A_113 = arith.cmpi slt, %while3A_72, %sub3A_112 : i32
      %convert_element_type3A_114 = arith.extui %lt3A_113 : i1 to i32
      %cond3A_115 = arith.constant 0 : i32
      %cond3A_116 = arith.cmpi ne, %convert_element_type3A_114, %cond3A_115 : i32
      scf.if %cond3A_116 {
        %add3A_117 = arith.constant 1 : i32
        %add3A_118 = arith.addi %while3A_72, %add3A_117 : i32
        %jit3A_119 = arith.constant 4 : i32
        %div3A_120 = arith.divsi %add3A_118, %jit3A_119 : i32
        %sign3A_121 = arith.constant 0 : i32
        %sign3A_122 = arith.cmpi sgt, %add3A_118, %sign3A_121 : i32
        %sign3A_123 = arith.extui %sign3A_122 : i1 to i32
        %sign3A_124 = arith.constant 0 : i32
        %sign3A_125 = arith.cmpi slt, %add3A_118, %sign3A_124 : i32
        %sign3A_126 = arith.extui %sign3A_125 : i1 to i32
        %sign3A_127 = arith.subi %sign3A_123, %sign3A_126 : i32
        %sign3A_128 = arith.constant 0 : i32
        %sign3A_129 = arith.cmpi sgt, %jit3A_119, %sign3A_128 : i32
        %sign3A_130 = arith.extui %sign3A_129 : i1 to i32
        %sign3A_131 = arith.constant 0 : i32
        %sign3A_132 = arith.cmpi slt, %jit3A_119, %sign3A_131 : i32
        %sign3A_133 = arith.extui %sign3A_132 : i1 to i32
        %sign3A_134 = arith.subi %sign3A_130, %sign3A_133 : i32
        %ne3A_135 = arith.cmpi ne, %sign3A_127, %sign3A_134 : i32
        %rem3A_136 = arith.remsi %add3A_118, %jit3A_119 : i32
        %ne3A_137 = arith.constant 0 : i32
        %ne3A_138 = arith.cmpi ne, %rem3A_136, %ne3A_137 : i32
        %and3A_139 = arith.andi %ne3A_135, %ne3A_138 : i1
        %sub3A_140 = arith.constant 1 : i32
        %sub3A_141 = arith.subi %div3A_120, %sub3A_140 : i32
        %select_n3A_142 = arith.select %and3A_139, %sub3A_141, %div3A_120 : i32
        %add3A_143 = arith.constant 1 : i32
        %add3A_144 = arith.addi %while3A_72, %add3A_143 : i32
        %mul3A_145 = arith.constant 4 : i32
        %mul3A_146 = arith.muli %select_n3A_142, %mul3A_145 : i32
        %sub3A_147 = arith.subi %add3A_144, %mul3A_146 : i32
        %dma_start3A_148 = arith.constant 64 : i32
        %dma_start3A_149 = tpu.memref_slice %arg6[%select_n3A_142, %sub3A_147, %dma_start3A_148] : memref<20x4x128xi32, #tpu.memory_space<vmem>> -> memref<1x1x64xi32, #tpu.memory_space<vmem>>
        %dma_start3A_150 = tpu.memref_squeeze %dma_start3A_149 : memref<1x1x64xi32, #tpu.memory_space<vmem>> -> memref<64xi32, #tpu.memory_space<vmem>>
        %dma_start3A_151 = arith.constant 0 : i32
        %dma_start3A_152 = arith.constant 0 : i32
        %dma_start3A_153 = tpu.memref_slice %arg2[%dma_start3A_151, %dma_start3A_152] : memref<10000x128xf32, #tpu.memory_space<hbm>> -> memref<10000x128xf32, #tpu.memory_space<hbm>>
        tpu.enqueue_indirect_dma source(%dma_start3A_153 : memref<10000x128xf32, #tpu.memory_space<hbm>>) target(%arg9 : memref<64x128xf32, #tpu.memory_space<vmem>>) offsets(%dma_start3A_150 : memref<64xi32, #tpu.memory_space<vmem>>) semaphore(%arg12 : memref<!tpu.dma_semaphore, #tpu.memory_space<semaphore_mem>>)
      } else {
      }
    }
    %while3A_60 = arith.constant 1 : i32
    scf.for %while3A_72 = %while3A_58 to %while3A_54 step %while3A_60  : i32 {
      %jit3A_73 = arith.constant 4 : i32
      %div3A = arith.divsi %while3A_72, %jit3A_73 : i32
      %sign3A = arith.constant 0 : i32
      %sign3A_74 = arith.cmpi sgt, %while3A_72, %sign3A : i32
      %sign3A_75 = arith.extui %sign3A_74 : i1 to i32
      %sign3A_76 = arith.constant 0 : i32
      %sign3A_77 = arith.cmpi slt, %while3A_72, %sign3A_76 : i32
      %sign3A_78 = arith.extui %sign3A_77 : i1 to i32
      %sign3A_79 = arith.subi %sign3A_75, %sign3A_78 : i32
      %sign3A_80 = arith.constant 0 : i32
      %sign3A_81 = arith.cmpi sgt, %jit3A_73, %sign3A_80 : i32
      %sign3A_82 = arith.extui %sign3A_81 : i1 to i32
      %sign3A_83 = arith.constant 0 : i32
      %sign3A_84 = arith.cmpi slt, %jit3A_73, %sign3A_83 : i32
      %sign3A_85 = arith.extui %sign3A_84 : i1 to i32
      %sign3A_86 = arith.subi %sign3A_82, %sign3A_85 : i32
      %ne3A = arith.cmpi ne, %sign3A_79, %sign3A_86 : i32
      %rem3A = arith.remsi %while3A_72, %jit3A_73 : i32
      %ne3A_87 = arith.constant 0 : i32
      %ne3A_88 = arith.cmpi ne, %rem3A, %ne3A_87 : i32
      %and3A = arith.andi %ne3A, %ne3A_88 : i1
      %sub3A = arith.constant 1 : i32
      %sub3A_89 = arith.subi %div3A, %sub3A : i32
      %select_n3A_90 = arith.select %and3A, %sub3A_89, %div3A : i32
      %mul3A_91 = arith.constant 4 : i32
      %mul3A_92 = arith.muli %select_n3A_90, %mul3A_91 : i32
      %sub3A_93 = arith.subi %while3A_72, %mul3A_92 : i32
      %dma_wait3A = arith.constant 0 : i32
      %dma_wait3A_94 = tpu.memref_slice %arg6[%select_n3A_90, %sub3A_93, %dma_wait3A] : memref<20x4x128xi32, #tpu.memory_space<vmem>> -> memref<1x1x64xi32, #tpu.memory_space<vmem>>
      %dma_wait3A_95 = tpu.memref_squeeze %dma_wait3A_94 : memref<1x1x64xi32, #tpu.memory_space<vmem>> -> memref<64xi32, #tpu.memory_space<vmem>>
      %dma_wait3A_96 = arith.constant 0 : i32
      %dma_wait3A_97 = arith.constant 0 : i32
      %dma_wait3A_98 = tpu.memref_slice %arg2[%dma_wait3A_96, %dma_wait3A_97] : memref<10000x128xf32, #tpu.memory_space<hbm>> -> memref<10000x128xf32, #tpu.memory_space<hbm>>
      tpu.wait_indirect_dma semaphore(%arg11 : memref<!tpu.dma_semaphore, #tpu.memory_space<semaphore_mem>>) src(%dma_wait3A_98 : memref<10000x128xf32, #tpu.memory_space<hbm>>) dst(%arg8 : memref<64x128xf32, #tpu.memory_space<vmem>>)
      "tpu.region"() ({
        %run_scoped3A = tpu.sem_alloc : memref<!tpu.dma_semaphore, #tpu.memory_space<semaphore_mem>>
        %dma_start3A_117 = arith.constant 0 : i32
        %dma_start3A_118 = tpu.memref_slice %arg7[%select_n3A_90, %sub3A_93, %dma_start3A_117] : memref<20x4x128xi32, #tpu.memory_space<vmem>> -> memref<1x1x64xi32, #tpu.memory_space<vmem>>
        %dma_start3A_119 = tpu.memref_squeeze %dma_start3A_118 : memref<1x1x64xi32, #tpu.memory_space<vmem>> -> memref<64xi32, #tpu.memory_space<vmem>>
        %dma_start3A_120 = arith.constant 0 : i32
        %dma_start3A_121 = arith.constant 0 : i32
        %dma_start3A_122 = tpu.memref_slice %arg10[%dma_start3A_120, %dma_start3A_121] : memref<10000x128xf32, #tpu.memory_space<vmem_shared>> -> memref<10000x128xf32, #tpu.memory_space<vmem_shared>>
        tpu.enqueue_indirect_dma source(%arg8 : memref<64x128xf32, #tpu.memory_space<vmem>>) target(%dma_start3A_122 : memref<10000x128xf32, #tpu.memory_space<vmem_shared>>) offsets(%dma_start3A_119 : memref<64xi32, #tpu.memory_space<vmem>>) semaphore(%run_scoped3A : memref<!tpu.dma_semaphore, #tpu.memory_space<semaphore_mem>>) {add = true}
        %dma_wait3A_123 = arith.constant 0 : i32
        %dma_wait3A_124 = tpu.memref_slice %arg7[%select_n3A_90, %sub3A_93, %dma_wait3A_123] : memref<20x4x128xi32, #tpu.memory_space<vmem>> -> memref<1x1x64xi32, #tpu.memory_space<vmem>>
        %dma_wait3A_125 = tpu.memref_squeeze %dma_wait3A_124 : memref<1x1x64xi32, #tpu.memory_space<vmem>> -> memref<64xi32, #tpu.memory_space<vmem>>
        %dma_wait3A_126 = arith.constant 0 : i32
        %dma_wait3A_127 = arith.constant 0 : i32
        %dma_wait3A_128 = tpu.memref_slice %arg10[%dma_wait3A_126, %dma_wait3A_127] : memref<10000x128xf32, #tpu.memory_space<vmem_shared>> -> memref<10000x128xf32, #tpu.memory_space<vmem_shared>>
        tpu.wait_indirect_dma semaphore(%run_scoped3A : memref<!tpu.dma_semaphore, #tpu.memory_space<semaphore_mem>>) src(%arg8 : memref<64x128xf32, #tpu.memory_space<vmem>>) dst(%dma_wait3A_128 : memref<10000x128xf32, #tpu.memory_space<vmem_shared>>)
        tpu.yield
      }) : () -> ()
      %sub3A_99 = arith.constant 1 : i32
      %sub3A_100 = arith.subi %mul3A_10, %sub3A_99 : i32
      %lt3A_101 = arith.cmpi slt, %while3A_72, %sub3A_100 : i32
      %convert_element_type3A_102 = arith.extui %lt3A_101 : i1 to i32
      %cond3A_103 = arith.constant 0 : i32
      %cond3A_104 = arith.cmpi ne, %convert_element_type3A_102, %cond3A_103 : i32
      scf.if %cond3A_104 {
        %add3A_117 = arith.constant 1 : i32
        %add3A_118 = arith.addi %while3A_72, %add3A_117 : i32
        %jit3A_119 = arith.constant 4 : i32
        %div3A_120 = arith.divsi %add3A_118, %jit3A_119 : i32
        %sign3A_121 = arith.constant 0 : i32
        %sign3A_122 = arith.cmpi sgt, %add3A_118, %sign3A_121 : i32
        %sign3A_123 = arith.extui %sign3A_122 : i1 to i32
        %sign3A_124 = arith.constant 0 : i32
        %sign3A_125 = arith.cmpi slt, %add3A_118, %sign3A_124 : i32
        %sign3A_126 = arith.extui %sign3A_125 : i1 to i32
        %sign3A_127 = arith.subi %sign3A_123, %sign3A_126 : i32
        %sign3A_128 = arith.constant 0 : i32
        %sign3A_129 = arith.cmpi sgt, %jit3A_119, %sign3A_128 : i32
        %sign3A_130 = arith.extui %sign3A_129 : i1 to i32
        %sign3A_131 = arith.constant 0 : i32
        %sign3A_132 = arith.cmpi slt, %jit3A_119, %sign3A_131 : i32
        %sign3A_133 = arith.extui %sign3A_132 : i1 to i32
        %sign3A_134 = arith.subi %sign3A_130, %sign3A_133 : i32
        %ne3A_135 = arith.cmpi ne, %sign3A_127, %sign3A_134 : i32
        %rem3A_136 = arith.remsi %add3A_118, %jit3A_119 : i32
        %ne3A_137 = arith.constant 0 : i32
        %ne3A_138 = arith.cmpi ne, %rem3A_136, %ne3A_137 : i32
        %and3A_139 = arith.andi %ne3A_135, %ne3A_138 : i1
        %sub3A_140 = arith.constant 1 : i32
        %sub3A_141 = arith.subi %div3A_120, %sub3A_140 : i32
        %select_n3A_142 = arith.select %and3A_139, %sub3A_141, %div3A_120 : i32
        %add3A_143 = arith.constant 1 : i32
        %add3A_144 = arith.addi %while3A_72, %add3A_143 : i32
        %mul3A_145 = arith.constant 4 : i32
        %mul3A_146 = arith.muli %select_n3A_142, %mul3A_145 : i32
        %sub3A_147 = arith.subi %add3A_144, %mul3A_146 : i32
        %dma_start3A_148 = arith.constant 0 : i32
        %dma_start3A_149 = tpu.memref_slice %arg6[%select_n3A_142, %sub3A_147, %dma_start3A_148] : memref<20x4x128xi32, #tpu.memory_space<vmem>> -> memref<1x1x64xi32, #tpu.memory_space<vmem>>
        %dma_start3A_150 = tpu.memref_squeeze %dma_start3A_149 : memref<1x1x64xi32, #tpu.memory_space<vmem>> -> memref<64xi32, #tpu.memory_space<vmem>>
        %dma_start3A_151 = arith.constant 0 : i32
        %dma_start3A_152 = arith.constant 0 : i32
        %dma_start3A_153 = tpu.memref_slice %arg2[%dma_start3A_151, %dma_start3A_152] : memref<10000x128xf32, #tpu.memory_space<hbm>> -> memref<10000x128xf32, #tpu.memory_space<hbm>>
        tpu.enqueue_indirect_dma source(%dma_start3A_153 : memref<10000x128xf32, #tpu.memory_space<hbm>>) target(%arg8 : memref<64x128xf32, #tpu.memory_space<vmem>>) offsets(%dma_start3A_150 : memref<64xi32, #tpu.memory_space<vmem>>) semaphore(%arg11 : memref<!tpu.dma_semaphore, #tpu.memory_space<semaphore_mem>>)
      } else {
      }
      %dma_wait3A_105 = arith.constant 64 : i32
      %dma_wait3A_106 = tpu.memref_slice %arg6[%select_n3A_90, %sub3A_93, %dma_wait3A_105] : memref<20x4x128xi32, #tpu.memory_space<vmem>> -> memref<1x1x64xi32, #tpu.memory_space<vmem>>
      %dma_wait3A_107 = tpu.memref_squeeze %dma_wait3A_106 : memref<1x1x64xi32, #tpu.memory_space<vmem>> -> memref<64xi32, #tpu.memory_space<vmem>>
      %dma_wait3A_108 = arith.constant 0 : i32
      %dma_wait3A_109 = arith.constant 0 : i32
      %dma_wait3A_110 = tpu.memref_slice %arg2[%dma_wait3A_108, %dma_wait3A_109] : memref<10000x128xf32, #tpu.memory_space<hbm>> -> memref<10000x128xf32, #tpu.memory_space<hbm>>
      tpu.wait_indirect_dma semaphore(%arg12 : memref<!tpu.dma_semaphore, #tpu.memory_space<semaphore_mem>>) src(%dma_wait3A_110 : memref<10000x128xf32, #tpu.memory_space<hbm>>) dst(%arg9 : memref<64x128xf32, #tpu.memory_space<vmem>>)
      "tpu.region"() ({
        %run_scoped3A = tpu.sem_alloc : memref<!tpu.dma_semaphore, #tpu.memory_space<semaphore_mem>>
        %dma_start3A_117 = arith.constant 64 : i32
        %dma_start3A_118 = tpu.memref_slice %arg7[%select_n3A_90, %sub3A_93, %dma_start3A_117] : memref<20x4x128xi32, #tpu.memory_space<vmem>> -> memref<1x1x64xi32, #tpu.memory_space<vmem>>
        %dma_start3A_119 = tpu.memref_squeeze %dma_start3A_118 : memref<1x1x64xi32, #tpu.memory_space<vmem>> -> memref<64xi32, #tpu.memory_space<vmem>>
        %dma_start3A_120 = arith.constant 0 : i32
        %dma_start3A_121 = arith.constant 0 : i32
        %dma_start3A_122 = tpu.memref_slice %arg10[%dma_start3A_120, %dma_start3A_121] : memref<10000x128xf32, #tpu.memory_space<vmem_shared>> -> memref<10000x128xf32, #tpu.memory_space<vmem_shared>>
        tpu.enqueue_indirect_dma source(%arg9 : memref<64x128xf32, #tpu.memory_space<vmem>>) target(%dma_start3A_122 : memref<10000x128xf32, #tpu.memory_space<vmem_shared>>) offsets(%dma_start3A_119 : memref<64xi32, #tpu.memory_space<vmem>>) semaphore(%run_scoped3A : memref<!tpu.dma_semaphore, #tpu.memory_space<semaphore_mem>>) {add = true}
        %dma_wait3A_123 = arith.constant 64 : i32
        %dma_wait3A_124 = tpu.memref_slice %arg7[%select_n3A_90, %sub3A_93, %dma_wait3A_123] : memref<20x4x128xi32, #tpu.memory_space<vmem>> -> memref<1x1x64xi32, #tpu.memory_space<vmem>>
        %dma_wait3A_125 = tpu.memref_squeeze %dma_wait3A_124 : memref<1x1x64xi32, #tpu.memory_space<vmem>> -> memref<64xi32, #tpu.memory_space<vmem>>
        %dma_wait3A_126 = arith.constant 0 : i32
        %dma_wait3A_127 = arith.constant 0 : i32
        %dma_wait3A_128 = tpu.memref_slice %arg10[%dma_wait3A_126, %dma_wait3A_127] : memref<10000x128xf32, #tpu.memory_space<vmem_shared>> -> memref<10000x128xf32, #tpu.memory_space<vmem_shared>>
        tpu.wait_indirect_dma semaphore(%run_scoped3A : memref<!tpu.dma_semaphore, #tpu.memory_space<semaphore_mem>>) src(%arg9 : memref<64x128xf32, #tpu.memory_space<vmem>>) dst(%dma_wait3A_128 : memref<10000x128xf32, #tpu.memory_space<vmem_shared>>)
        tpu.yield
      }) : () -> ()
      %sub3A_111 = arith.constant 1 : i32
      %sub3A_112 = arith.subi %mul3A_10, %sub3A_111 : i32
      %lt3A_113 = arith.cmpi slt, %while3A_72, %sub3A_112 : i32
      %convert_element_type3A_114 = arith.extui %lt3A_113 : i1 to i32
      %cond3A_115 = arith.constant 0 : i32
      %cond3A_116 = arith.cmpi ne, %convert_element_type3A_114, %cond3A_115 : i32
      scf.if %cond3A_116 {
        %add3A_117 = arith.constant 1 : i32
        %add3A_118 = arith.addi %while3A_72, %add3A_117 : i32
        %jit3A_119 = arith.constant 4 : i32
        %div3A_120 = arith.divsi %add3A_118, %jit3A_119 : i32
        %sign3A_121 = arith.constant 0 : i32
        %sign3A_122 = arith.cmpi sgt, %add3A_118, %sign3A_121 : i32
        %sign3A_123 = arith.extui %sign3A_122 : i1 to i32
        %sign3A_124 = arith.constant 0 : i32
        %sign3A_125 = arith.cmpi slt, %add3A_118, %sign3A_124 : i32
        %sign3A_126 = arith.extui %sign3A_125 : i1 to i32
        %sign3A_127 = arith.subi %sign3A_123, %sign3A_126 : i32
        %sign3A_128 = arith.constant 0 : i32
        %sign3A_129 = arith.cmpi sgt, %jit3A_119, %sign3A_128 : i32
        %sign3A_130 = arith.extui %sign3A_129 : i1 to i32
        %sign3A_131 = arith.constant 0 : i32
        %sign3A_132 = arith.cmpi slt, %jit3A_119, %sign3A_131 : i32
        %sign3A_133 = arith.extui %sign3A_132 : i1 to i32
        %sign3A_134 = arith.subi %sign3A_130, %sign3A_133 : i32
        %ne3A_135 = arith.cmpi ne, %sign3A_127, %sign3A_134 : i32
        %rem3A_136 = arith.remsi %add3A_118, %jit3A_119 : i32
        %ne3A_137 = arith.constant 0 : i32
        %ne3A_138 = arith.cmpi ne, %rem3A_136, %ne3A_137 : i32
        %and3A_139 = arith.andi %ne3A_135, %ne3A_138 : i1
        %sub3A_140 = arith.constant 1 : i32
        %sub3A_141 = arith.subi %div3A_120, %sub3A_140 : i32
        %select_n3A_142 = arith.select %and3A_139, %sub3A_141, %div3A_120 : i32
        %add3A_143 = arith.constant 1 : i32
        %add3A_144 = arith.addi %while3A_72, %add3A_143 : i32
        %mul3A_145 = arith.constant 4 : i32
        %mul3A_146 = arith.muli %select_n3A_142, %mul3A_145 : i32
        %sub3A_147 = arith.subi %add3A_144, %mul3A_146 : i32
        %dma_start3A_148 = arith.constant 64 : i32
        %dma_start3A_149 = tpu.memref_slice %arg6[%select_n3A_142, %sub3A_147, %dma_start3A_148] : memref<20x4x128xi32, #tpu.memory_space<vmem>> -> memref<1x1x64xi32, #tpu.memory_space<vmem>>
        %dma_start3A_150 = tpu.memref_squeeze %dma_start3A_149 : memref<1x1x64xi32, #tpu.memory_space<vmem>> -> memref<64xi32, #tpu.memory_space<vmem>>
        %dma_start3A_151 = arith.constant 0 : i32
        %dma_start3A_152 = arith.constant 0 : i32
        %dma_start3A_153 = tpu.memref_slice %arg2[%dma_start3A_151, %dma_start3A_152] : memref<10000x128xf32, #tpu.memory_space<hbm>> -> memref<10000x128xf32, #tpu.memory_space<hbm>>
        tpu.enqueue_indirect_dma source(%dma_start3A_153 : memref<10000x128xf32, #tpu.memory_space<hbm>>) target(%arg9 : memref<64x128xf32, #tpu.memory_space<vmem>>) offsets(%dma_start3A_150 : memref<64xi32, #tpu.memory_space<vmem>>) semaphore(%arg12 : memref<!tpu.dma_semaphore, #tpu.memory_space<semaphore_mem>>)
      } else {
      }
    }
    %barrier3A_61 = arith.constant 0 : index
    tpu.barrier barrier_id(%barrier3A_61)
    %lt3A_62 = arith.constant 15 : i32
    %lt3A_63 = arith.cmpi slt, %arg1, %lt3A_62 : i32
    %convert_element_type3A_64 = arith.extui %lt3A_63 : i1 to i32
    %cond3A_65 = arith.constant 0 : i32
    %cond3A_66 = arith.cmpi ne, %convert_element_type3A_64, %cond3A_65 : i32
    scf.if %cond3A_66 {
      %mul3A_72 = arith.constant 632 : i32
      %mul3A_73 = arith.muli %arg1, %mul3A_72 : i32
      %mul3A_74 = arith.constant 632 : i32
      %mul3A_75 = arith.muli %arg1, %mul3A_74 : i32
      "tpu.region"() ({
        %run_scoped3A = tpu.sem_alloc : memref<!tpu.dma_semaphore, #tpu.memory_space<semaphore_mem>>
        %dma_start3A_76 = arith.constant 0 : i32
        %dma_start3A_77 = tpu.memref_slice %arg5[%arg0, %mul3A_75, %dma_start3A_76] : memref<2x10000x128xf32, #tpu.memory_space<hbm>> -> memref<1x632x128xf32, #tpu.memory_space<hbm>>
        %dma_start3A_78 = tpu.memref_squeeze %dma_start3A_77 : memref<1x632x128xf32, #tpu.memory_space<hbm>> -> memref<632x128xf32, #tpu.memory_space<hbm>>
        %dma_start3A_79 = arith.constant 0 : i32
        %dma_start3A_80 = tpu.memref_slice %arg10[%mul3A_73, %dma_start3A_79] : memref<10000x128xf32, #tpu.memory_space<vmem_shared>> -> memref<632x128xf32, #tpu.memory_space<vmem_shared>>
        tpu.enqueue_dma source(%dma_start3A_80 : memref<632x128xf32, #tpu.memory_space<vmem_shared>>) target(%dma_start3A_78 : memref<632x128xf32, #tpu.memory_space<hbm>>) target_semaphore(%run_scoped3A : memref<!tpu.dma_semaphore, #tpu.memory_space<semaphore_mem>>)
        %dma_wait3A = arith.constant 0 : i32
        %dma_wait3A_81 = tpu.memref_slice %arg5[%arg0, %mul3A_75, %dma_wait3A] : memref<2x10000x128xf32, #tpu.memory_space<hbm>> -> memref<1x632x128xf32, #tpu.memory_space<hbm>>
        %dma_wait3A_82 = tpu.memref_squeeze %dma_wait3A_81 : memref<1x632x128xf32, #tpu.memory_space<hbm>> -> memref<632x128xf32, #tpu.memory_space<hbm>>
        %dma_wait3A_83 = arith.constant 0 : i32
        %dma_wait3A_84 = tpu.memref_slice %arg10[%mul3A_73, %dma_wait3A_83] : memref<10000x128xf32, #tpu.memory_space<vmem_shared>> -> memref<632x128xf32, #tpu.memory_space<vmem_shared>>
        tpu.wait_dma2 semaphore(%run_scoped3A : memref<!tpu.dma_semaphore, #tpu.memory_space<semaphore_mem>>) src(%dma_wait3A_84 : memref<632x128xf32, #tpu.memory_space<vmem_shared>>) dst(%dma_wait3A_82 : memref<632x128xf32, #tpu.memory_space<hbm>>)
        tpu.yield
      }) : () -> ()
    } else {
    }
    %eq3A_67 = arith.constant 15 : i32
    %eq3A_68 = arith.cmpi eq, %arg1, %eq3A_67 : i32
    %convert_element_type3A_69 = arith.extui %eq3A_68 : i1 to i32
    %cond3A_70 = arith.constant 0 : i32
    %cond3A_71 = arith.cmpi ne, %convert_element_type3A_69, %cond3A_70 : i32
    scf.if %cond3A_71 {
      %mul3A_72 = arith.constant 632 : i32
      %mul3A_73 = arith.muli %arg1, %mul3A_72 : i32
      %mul3A_74 = arith.constant 632 : i32
      %mul3A_75 = arith.muli %arg1, %mul3A_74 : i32
      "tpu.region"() ({
        %run_scoped3A = tpu.sem_alloc : memref<!tpu.dma_semaphore, #tpu.memory_space<semaphore_mem>>
        %dma_start3A_76 = arith.constant 0 : i32
        %dma_start3A_77 = tpu.memref_slice %arg5[%arg0, %mul3A_75, %dma_start3A_76] : memref<2x10000x128xf32, #tpu.memory_space<hbm>> -> memref<1x520x128xf32, #tpu.memory_space<hbm>>
        %dma_start3A_78 = tpu.memref_squeeze %dma_start3A_77 : memref<1x520x128xf32, #tpu.memory_space<hbm>> -> memref<520x128xf32, #tpu.memory_space<hbm>>
        %dma_start3A_79 = arith.constant 0 : i32
        %dma_start3A_80 = tpu.memref_slice %arg10[%mul3A_73, %dma_start3A_79] : memref<10000x128xf32, #tpu.memory_space<vmem_shared>> -> memref<520x128xf32, #tpu.memory_space<vmem_shared>>
        tpu.enqueue_dma source(%dma_start3A_80 : memref<520x128xf32, #tpu.memory_space<vmem_shared>>) target(%dma_start3A_78 : memref<520x128xf32, #tpu.memory_space<hbm>>) target_semaphore(%run_scoped3A : memref<!tpu.dma_semaphore, #tpu.memory_space<semaphore_mem>>)
        %dma_wait3A = arith.constant 0 : i32
        %dma_wait3A_81 = tpu.memref_slice %arg5[%arg0, %mul3A_75, %dma_wait3A] : memref<2x10000x128xf32, #tpu.memory_space<hbm>> -> memref<1x520x128xf32, #tpu.memory_space<hbm>>
        %dma_wait3A_82 = tpu.memref_squeeze %dma_wait3A_81 : memref<1x520x128xf32, #tpu.memory_space<hbm>> -> memref<520x128xf32, #tpu.memory_space<hbm>>
        %dma_wait3A_83 = arith.constant 0 : i32
        %dma_wait3A_84 = tpu.memref_slice %arg10[%mul3A_73, %dma_wait3A_83] : memref<10000x128xf32, #tpu.memory_space<vmem_shared>> -> memref<520x128xf32, #tpu.memory_space<vmem_shared>>
        tpu.wait_dma2 semaphore(%run_scoped3A : memref<!tpu.dma_semaphore, #tpu.memory_space<semaphore_mem>>) src(%dma_wait3A_84 : memref<520x128xf32, #tpu.memory_space<vmem_shared>>) dst(%dma_wait3A_82 : memref<520x128xf32, #tpu.memory_space<hbm>>)
        tpu.yield
      }) : () -> ()
    } else {
    }
    return
  }
}

#map = affine_map<(d0, d1) -> (0, 0)>
#map1 = affine_map<(d0, d1) -> (0, 0, 0, 0)>
#map2 = affine_map<(d0, d1) -> (0, 0, 0)>
module attributes {stable_mosaic.version = 14 : i64} {
  func.func @agg_kernel(%arg0: i32, %arg1: i32, %arg2: memref<10000x128xf32, #tpu.memory_space<hbm>>, %arg3: memref<2x625x4x128xi32, #tpu.memory_space<hbm>>, %arg4: memref<632x128xf32, #tpu.memory_space<hbm>>, %arg5: memref<2x10000x128xf32, #tpu.memory_space<hbm>>, %arg6: memref<20x4x128xi32, #tpu.memory_space<vmem>>, %arg7: memref<20x4x128xi32, #tpu.memory_space<vmem>>, %arg8: memref<64x128xf32, #tpu.memory_space<vmem>>, %arg9: memref<64x128xf32, #tpu.memory_space<vmem>>, %arg10: memref<10000x128xf32, #tpu.memory_space<vmem_shared>>, %arg11: memref<!tpu.dma_semaphore, #tpu.memory_space<semaphore_mem>>, %arg12: memref<!tpu.dma_semaphore, #tpu.memory_space<semaphore_mem>>) attributes {dimension_semantics = [#tpu.dimension_semantics<core_parallel>, #tpu.dimension_semantics<subcore_parallel>], iteration_bounds = array<i64: 2, 16>, scalar_prefetch = 0 : i64, scratch_operands = 7 : i64, tpu.core_type = #tpu.core_type<sc_vector_subcore>, window_params = [{transform_indices = #map}, {transform_indices = #map1}, {transform_indices = #map}, {transform_indices = #map2}]} {
    %mul3A = arith.constant 2 : i32
    %mul3A_0 = arith.muli %arg1, %mul3A : i32
    %add3A = arith.addi %mul3A_0, %arg0 : i32
    %mul3A_1 = arith.constant 19 : i32
    %mul3A_2 = arith.muli %add3A, %mul3A_1 : i32
    %min3A = arith.constant 17 : i32
    %min3A_3 = arith.minsi %add3A, %min3A : i32
    %add3A_4 = arith.addi %mul3A_2, %min3A_3 : i32
    %lt3A = arith.constant 17 : i32
    %lt3A_5 = arith.cmpi slt, %add3A, %lt3A : i32
    %jit3A = arith.constant 1 : i32
    %jit3A_6 = arith.constant 0 : i32
    %select_n3A = arith.select %lt3A_5, %jit3A, %jit3A_6 : i32
    %add3A_7 = arith.constant 19 : i32
    %add3A_8 = arith.addi %add3A_7, %select_n3A : i32
    %mul3A_9 = arith.constant 4 : i32
    %mul3A_10 = arith.muli %add3A_8, %mul3A_9 : i32
    %lt3A_11 = arith.constant 17 : i32
    %lt3A_12 = arith.cmpi slt, %add3A, %lt3A_11 : i32
    %convert_element_type3A = arith.extui %lt3A_12 : i1 to i32
    %cond3A = arith.constant 0 : i32
    %cond3A_13 = arith.cmpi ne, %convert_element_type3A, %cond3A : i32
    scf.if %cond3A_13 {
      %run_scoped3A = arith.constant 0 : i32
      "tpu.region"() ({
        %run_scoped3A_72 = tpu.sem_alloc : memref<!tpu.dma_semaphore, #tpu.memory_space<semaphore_mem>>
        %dma_start3A_73 = arith.constant 0 : i32
        %dma_start3A_74 = arith.constant 0 : i32
        %dma_start3A_75 = tpu.memref_slice %arg3[%run_scoped3A, %add3A_4, %dma_start3A_73, %dma_start3A_74] : memref<2x625x4x128xi32, #tpu.memory_space<hbm>> -> memref<1x20x4x128xi32, #tpu.memory_space<hbm>>
        %dma_start3A_76 = tpu.memref_squeeze %dma_start3A_75 : memref<1x20x4x128xi32, #tpu.memory_space<hbm>> -> memref<20x4x128xi32, #tpu.memory_space<hbm>>
        %dma_start3A_77 = arith.constant 0 : i32
        %dma_start3A_78 = arith.constant 0 : i32
        %dma_start3A_79 = tpu.memref_slice %arg3[%run_scoped3A, %add3A_4, %dma_start3A_77, %dma_start3A_78] : memref<2x625x4x128xi32, #tpu.memory_space<hbm>> -> memref<1x20x4x128xi32, #tpu.memory_space<hbm>>
        %dma_start3A_80 = tpu.memref_squeeze %dma_start3A_79 : memref<1x20x4x128xi32, #tpu.memory_space<hbm>> -> memref<20x4x128xi32, #tpu.memory_space<hbm>>
        tpu.enqueue_dma source(%dma_start3A_80 : memref<20x4x128xi32, #tpu.memory_space<hbm>>) target(%arg6 : memref<20x4x128xi32, #tpu.memory_space<vmem>>) target_semaphore(%run_scoped3A_72 : memref<!tpu.dma_semaphore, #tpu.memory_space<semaphore_mem>>)
        %dma_wait3A = arith.constant 0 : i32
        %dma_wait3A_81 = arith.constant 0 : i32
        %dma_wait3A_82 = tpu.memref_slice %arg3[%run_scoped3A, %add3A_4, %dma_wait3A, %dma_wait3A_81] : memref<2x625x4x128xi32, #tpu.memory_space<hbm>> -> memref<1x20x4x128xi32, #tpu.memory_space<hbm>>
        %dma_wait3A_83 = tpu.memref_squeeze %dma_wait3A_82 : memref<1x20x4x128xi32, #tpu.memory_space<hbm>> -> memref<20x4x128xi32, #tpu.memory_space<hbm>>
        %dma_wait3A_84 = arith.constant 0 : i32
        %dma_wait3A_85 = arith.constant 0 : i32
        %dma_wait3A_86 = tpu.memref_slice %arg3[%run_scoped3A, %add3A_4, %dma_wait3A_84, %dma_wait3A_85] : memref<2x625x4x128xi32, #tpu.memory_space<hbm>> -> memref<1x20x4x128xi32, #tpu.memory_space<hbm>>
        %dma_wait3A_87 = tpu.memref_squeeze %dma_wait3A_86 : memref<1x20x4x128xi32, #tpu.memory_space<hbm>> -> memref<20x4x128xi32, #tpu.memory_space<hbm>>
        tpu.wait_dma2 semaphore(%run_scoped3A_72 : memref<!tpu.dma_semaphore, #tpu.memory_space<semaphore_mem>>) src(%dma_wait3A_87 : memref<20x4x128xi32, #tpu.memory_space<hbm>>) dst(%arg6 : memref<20x4x128xi32, #tpu.memory_space<vmem>>)
        tpu.yield
      }) : () -> ()
    } else {
    }
    %ge3A = arith.constant 17 : i32
    %ge3A_14 = arith.cmpi sge, %add3A, %ge3A : i32
    %convert_element_type3A_15 = arith.extui %ge3A_14 : i1 to i32
    %cond3A_16 = arith.constant 0 : i32
    %cond3A_17 = arith.cmpi ne, %convert_element_type3A_15, %cond3A_16 : i32
    scf.if %cond3A_17 {
      %run_scoped3A = arith.constant 0 : i32
      "tpu.region"() ({
        %run_scoped3A_72 = tpu.sem_alloc : memref<!tpu.dma_semaphore, #tpu.memory_space<semaphore_mem>>
        %dma_start3A_73 = arith.constant 0 : i32
        %dma_start3A_74 = arith.constant 0 : i32
        %dma_start3A_75 = arith.constant 0 : i32
        %dma_start3A_76 = tpu.memref_slice %arg6[%dma_start3A_73, %dma_start3A_74, %dma_start3A_75] : memref<20x4x128xi32, #tpu.memory_space<vmem>> -> memref<19x4x128xi32, #tpu.memory_space<vmem>>
        %dma_start3A_77 = arith.constant 0 : i32
        %dma_start3A_78 = arith.constant 0 : i32
        %dma_start3A_79 = tpu.memref_slice %arg3[%run_scoped3A, %add3A_4, %dma_start3A_77, %dma_start3A_78] : memref<2x625x4x128xi32, #tpu.memory_space<hbm>> -> memref<1x19x4x128xi32, #tpu.memory_space<hbm>>
        %dma_start3A_80 = tpu.memref_squeeze %dma_start3A_79 : memref<1x19x4x128xi32, #tpu.memory_space<hbm>> -> memref<19x4x128xi32, #tpu.memory_space<hbm>>
        %dma_start3A_81 = arith.constant 0 : i32
        %dma_start3A_82 = arith.constant 0 : i32
        %dma_start3A_83 = arith.constant 0 : i32
        %dma_start3A_84 = tpu.memref_slice %arg6[%dma_start3A_81, %dma_start3A_82, %dma_start3A_83] : memref<20x4x128xi32, #tpu.memory_space<vmem>> -> memref<19x4x128xi32, #tpu.memory_space<vmem>>
        %dma_start3A_85 = arith.constant 0 : i32
        %dma_start3A_86 = arith.constant 0 : i32
        %dma_start3A_87 = tpu.memref_slice %arg3[%run_scoped3A, %add3A_4, %dma_start3A_85, %dma_start3A_86] : memref<2x625x4x128xi32, #tpu.memory_space<hbm>> -> memref<1x19x4x128xi32, #tpu.memory_space<hbm>>
        %dma_start3A_88 = tpu.memref_squeeze %dma_start3A_87 : memref<1x19x4x128xi32, #tpu.memory_space<hbm>> -> memref<19x4x128xi32, #tpu.memory_space<hbm>>
        tpu.enqueue_dma source(%dma_start3A_88 : memref<19x4x128xi32, #tpu.memory_space<hbm>>) target(%dma_start3A_84 : memref<19x4x128xi32, #tpu.memory_space<vmem>>) target_semaphore(%run_scoped3A_72 : memref<!tpu.dma_semaphore, #tpu.memory_space<semaphore_mem>>)
        %dma_wait3A = arith.constant 0 : i32
        %dma_wait3A_89 = arith.constant 0 : i32
        %dma_wait3A_90 = arith.constant 0 : i32
        %dma_wait3A_91 = tpu.memref_slice %arg6[%dma_wait3A, %dma_wait3A_89, %dma_wait3A_90] : memref<20x4x128xi32, #tpu.memory_space<vmem>> -> memref<19x4x128xi32, #tpu.memory_space<vmem>>
        %dma_wait3A_92 = arith.constant 0 : i32
        %dma_wait3A_93 = arith.constant 0 : i32
        %dma_wait3A_94 = tpu.memref_slice %arg3[%run_scoped3A, %add3A_4, %dma_wait3A_92, %dma_wait3A_93] : memref<2x625x4x128xi32, #tpu.memory_space<hbm>> -> memref<1x19x4x128xi32, #tpu.memory_space<hbm>>
        %dma_wait3A_95 = tpu.memref_squeeze %dma_wait3A_94 : memref<1x19x4x128xi32, #tpu.memory_space<hbm>> -> memref<19x4x128xi32, #tpu.memory_space<hbm>>
        %dma_wait3A_96 = arith.constant 0 : i32
        %dma_wait3A_97 = arith.constant 0 : i32
        %dma_wait3A_98 = arith.constant 0 : i32
        %dma_wait3A_99 = tpu.memref_slice %arg6[%dma_wait3A_96, %dma_wait3A_97, %dma_wait3A_98] : memref<20x4x128xi32, #tpu.memory_space<vmem>> -> memref<19x4x128xi32, #tpu.memory_space<vmem>>
        %dma_wait3A_100 = arith.constant 0 : i32
        %dma_wait3A_101 = arith.constant 0 : i32
        %dma_wait3A_102 = tpu.memref_slice %arg3[%run_scoped3A, %add3A_4, %dma_wait3A_100, %dma_wait3A_101] : memref<2x625x4x128xi32, #tpu.memory_space<hbm>> -> memref<1x19x4x128xi32, #tpu.memory_space<hbm>>
        %dma_wait3A_103 = tpu.memref_squeeze %dma_wait3A_102 : memref<1x19x4x128xi32, #tpu.memory_space<hbm>> -> memref<19x4x128xi32, #tpu.memory_space<hbm>>
        tpu.wait_dma2 semaphore(%run_scoped3A_72 : memref<!tpu.dma_semaphore, #tpu.memory_space<semaphore_mem>>) src(%dma_wait3A_103 : memref<19x4x128xi32, #tpu.memory_space<hbm>>) dst(%dma_wait3A_99 : memref<19x4x128xi32, #tpu.memory_space<vmem>>)
        tpu.yield
      }) : () -> ()
    } else {
    }
    %dma_start3A = arith.constant 0 : i32
    %dma_start3A_18 = arith.constant 0 : i32
    %dma_start3A_19 = arith.constant 0 : i32
    %dma_start3A_20 = tpu.memref_slice %arg6[%dma_start3A, %dma_start3A_18, %dma_start3A_19] : memref<20x4x128xi32, #tpu.memory_space<vmem>> -> memref<1x1x64xi32, #tpu.memory_space<vmem>>
    %dma_start3A_21 = tpu.memref_squeeze %dma_start3A_20 : memref<1x1x64xi32, #tpu.memory_space<vmem>> -> memref<64xi32, #tpu.memory_space<vmem>>
    %dma_start3A_22 = arith.constant 0 : i32
    %dma_start3A_23 = arith.constant 0 : i32
    %dma_start3A_24 = tpu.memref_slice %arg2[%dma_start3A_22, %dma_start3A_23] : memref<10000x128xf32, #tpu.memory_space<hbm>> -> memref<10000x128xf32, #tpu.memory_space<hbm>>
    tpu.enqueue_indirect_dma source(%dma_start3A_24 : memref<10000x128xf32, #tpu.memory_space<hbm>>) target(%arg8 : memref<64x128xf32, #tpu.memory_space<vmem>>) offsets(%dma_start3A_21 : memref<64xi32, #tpu.memory_space<vmem>>) semaphore(%arg11 : memref<!tpu.dma_semaphore, #tpu.memory_space<semaphore_mem>>)
    %dma_start3A_25 = arith.constant 0 : i32
    %dma_start3A_26 = arith.constant 0 : i32
    %dma_start3A_27 = arith.constant 64 : i32
    %dma_start3A_28 = tpu.memref_slice %arg6[%dma_start3A_25, %dma_start3A_26, %dma_start3A_27] : memref<20x4x128xi32, #tpu.memory_space<vmem>> -> memref<1x1x64xi32, #tpu.memory_space<vmem>>
    %dma_start3A_29 = tpu.memref_squeeze %dma_start3A_28 : memref<1x1x64xi32, #tpu.memory_space<vmem>> -> memref<64xi32, #tpu.memory_space<vmem>>
    %dma_start3A_30 = arith.constant 0 : i32
    %dma_start3A_31 = arith.constant 0 : i32
    %dma_start3A_32 = tpu.memref_slice %arg2[%dma_start3A_30, %dma_start3A_31] : memref<10000x128xf32, #tpu.memory_space<hbm>> -> memref<10000x128xf32, #tpu.memory_space<hbm>>
    tpu.enqueue_indirect_dma source(%dma_start3A_32 : memref<10000x128xf32, #tpu.memory_space<hbm>>) target(%arg9 : memref<64x128xf32, #tpu.memory_space<vmem>>) offsets(%dma_start3A_29 : memref<64xi32, #tpu.memory_space<vmem>>) semaphore(%arg12 : memref<!tpu.dma_semaphore, #tpu.memory_space<semaphore_mem>>)
    %lt3A_33 = arith.constant 15 : i32
    %lt3A_34 = arith.cmpi slt, %arg1, %lt3A_33 : i32
    %convert_element_type3A_35 = arith.extui %lt3A_34 : i1 to i32
    %cond3A_36 = arith.constant 0 : i32
    %cond3A_37 = arith.cmpi ne, %convert_element_type3A_35, %cond3A_36 : i32
    scf.if %cond3A_37 {
      %mul3A_72 = arith.constant 632 : i32
      %mul3A_73 = arith.muli %arg1, %mul3A_72 : i32
      %mul3A_74 = arith.constant 632 : i32
      %mul3A_75 = arith.muli %arg1, %mul3A_74 : i32
      "tpu.region"() ({
        %run_scoped3A = tpu.sem_alloc : memref<!tpu.dma_semaphore, #tpu.memory_space<semaphore_mem>>
        %dma_start3A_76 = arith.constant 0 : i32
        %dma_start3A_77 = tpu.memref_slice %arg10[%mul3A_75, %dma_start3A_76] : memref<10000x128xf32, #tpu.memory_space<vmem_shared>> -> memref<632x128xf32, #tpu.memory_space<vmem_shared>>
        %dma_start3A_78 = arith.constant 0 : i32
        %dma_start3A_79 = arith.constant 0 : i32
        %dma_start3A_80 = tpu.memref_slice %arg4[%dma_start3A_78, %dma_start3A_79] : memref<632x128xf32, #tpu.memory_space<hbm>> -> memref<632x128xf32, #tpu.memory_space<hbm>>
        tpu.enqueue_dma source(%dma_start3A_80 : memref<632x128xf32, #tpu.memory_space<hbm>>) target(%dma_start3A_77 : memref<632x128xf32, #tpu.memory_space<vmem_shared>>) target_semaphore(%run_scoped3A : memref<!tpu.dma_semaphore, #tpu.memory_space<semaphore_mem>>)
        %dma_wait3A = arith.constant 0 : i32
        %dma_wait3A_81 = tpu.memref_slice %arg10[%mul3A_75, %dma_wait3A] : memref<10000x128xf32, #tpu.memory_space<vmem_shared>> -> memref<632x128xf32, #tpu.memory_space<vmem_shared>>
        %dma_wait3A_82 = arith.constant 0 : i32
        %dma_wait3A_83 = arith.constant 0 : i32
        %dma_wait3A_84 = tpu.memref_slice %arg4[%dma_wait3A_82, %dma_wait3A_83] : memref<632x128xf32, #tpu.memory_space<hbm>> -> memref<632x128xf32, #tpu.memory_space<hbm>>
        tpu.wait_dma2 semaphore(%run_scoped3A : memref<!tpu.dma_semaphore, #tpu.memory_space<semaphore_mem>>) src(%dma_wait3A_84 : memref<632x128xf32, #tpu.memory_space<hbm>>) dst(%dma_wait3A_81 : memref<632x128xf32, #tpu.memory_space<vmem_shared>>)
        tpu.yield
      }) : () -> ()
    } else {
    }
    %eq3A = arith.constant 15 : i32
    %eq3A_38 = arith.cmpi eq, %arg1, %eq3A : i32
    %convert_element_type3A_39 = arith.extui %eq3A_38 : i1 to i32
    %cond3A_40 = arith.constant 0 : i32
    %cond3A_41 = arith.cmpi ne, %convert_element_type3A_39, %cond3A_40 : i32
    scf.if %cond3A_41 {
      %mul3A_72 = arith.constant 632 : i32
      %mul3A_73 = arith.muli %arg1, %mul3A_72 : i32
      %mul3A_74 = arith.constant 632 : i32
      %mul3A_75 = arith.muli %arg1, %mul3A_74 : i32
      "tpu.region"() ({
        %run_scoped3A = tpu.sem_alloc : memref<!tpu.dma_semaphore, #tpu.memory_space<semaphore_mem>>
        %dma_start3A_76 = arith.constant 0 : i32
        %dma_start3A_77 = tpu.memref_slice %arg10[%mul3A_75, %dma_start3A_76] : memref<10000x128xf32, #tpu.memory_space<vmem_shared>> -> memref<520x128xf32, #tpu.memory_space<vmem_shared>>
        %dma_start3A_78 = arith.constant 0 : i32
        %dma_start3A_79 = arith.constant 0 : i32
        %dma_start3A_80 = tpu.memref_slice %arg4[%dma_start3A_78, %dma_start3A_79] : memref<632x128xf32, #tpu.memory_space<hbm>> -> memref<520x128xf32, #tpu.memory_space<hbm>>
        tpu.enqueue_dma source(%dma_start3A_80 : memref<520x128xf32, #tpu.memory_space<hbm>>) target(%dma_start3A_77 : memref<520x128xf32, #tpu.memory_space<vmem_shared>>) target_semaphore(%run_scoped3A : memref<!tpu.dma_semaphore, #tpu.memory_space<semaphore_mem>>)
        %dma_wait3A = arith.constant 0 : i32
        %dma_wait3A_81 = tpu.memref_slice %arg10[%mul3A_75, %dma_wait3A] : memref<10000x128xf32, #tpu.memory_space<vmem_shared>> -> memref<520x128xf32, #tpu.memory_space<vmem_shared>>
        %dma_wait3A_82 = arith.constant 0 : i32
        %dma_wait3A_83 = arith.constant 0 : i32
        %dma_wait3A_84 = tpu.memref_slice %arg4[%dma_wait3A_82, %dma_wait3A_83] : memref<632x128xf32, #tpu.memory_space<hbm>> -> memref<520x128xf32, #tpu.memory_space<hbm>>
        tpu.wait_dma2 semaphore(%run_scoped3A : memref<!tpu.dma_semaphore, #tpu.memory_space<semaphore_mem>>) src(%dma_wait3A_84 : memref<520x128xf32, #tpu.memory_space<hbm>>) dst(%dma_wait3A_81 : memref<520x128xf32, #tpu.memory_space<vmem_shared>>)
        tpu.yield
      }) : () -> ()
    } else {
    }
    %lt3A_42 = arith.constant 17 : i32
    %lt3A_43 = arith.cmpi slt, %add3A, %lt3A_42 : i32
    %convert_element_type3A_44 = arith.extui %lt3A_43 : i1 to i32
    %cond3A_45 = arith.constant 0 : i32
    %cond3A_46 = arith.cmpi ne, %convert_element_type3A_44, %cond3A_45 : i32
    scf.if %cond3A_46 {
      %run_scoped3A = arith.constant 1 : i32
      "tpu.region"() ({
        %run_scoped3A_72 = tpu.sem_alloc : memref<!tpu.dma_semaphore, #tpu.memory_space<semaphore_mem>>
        %dma_start3A_73 = arith.constant 0 : i32
        %dma_start3A_74 = arith.constant 0 : i32
        %dma_start3A_75 = tpu.memref_slice %arg3[%run_scoped3A, %add3A_4, %dma_start3A_73, %dma_start3A_74] : memref<2x625x4x128xi32, #tpu.memory_space<hbm>> -> memref<1x20x4x128xi32, #tpu.memory_space<hbm>>
        %dma_start3A_76 = tpu.memref_squeeze %dma_start3A_75 : memref<1x20x4x128xi32, #tpu.memory_space<hbm>> -> memref<20x4x128xi32, #tpu.memory_space<hbm>>
        %dma_start3A_77 = arith.constant 0 : i32
        %dma_start3A_78 = arith.constant 0 : i32
        %dma_start3A_79 = tpu.memref_slice %arg3[%run_scoped3A, %add3A_4, %dma_start3A_77, %dma_start3A_78] : memref<2x625x4x128xi32, #tpu.memory_space<hbm>> -> memref<1x20x4x128xi32, #tpu.memory_space<hbm>>
        %dma_start3A_80 = tpu.memref_squeeze %dma_start3A_79 : memref<1x20x4x128xi32, #tpu.memory_space<hbm>> -> memref<20x4x128xi32, #tpu.memory_space<hbm>>
        tpu.enqueue_dma source(%dma_start3A_80 : memref<20x4x128xi32, #tpu.memory_space<hbm>>) target(%arg7 : memref<20x4x128xi32, #tpu.memory_space<vmem>>) target_semaphore(%run_scoped3A_72 : memref<!tpu.dma_semaphore, #tpu.memory_space<semaphore_mem>>)
        %dma_wait3A = arith.constant 0 : i32
        %dma_wait3A_81 = arith.constant 0 : i32
        %dma_wait3A_82 = tpu.memref_slice %arg3[%run_scoped3A, %add3A_4, %dma_wait3A, %dma_wait3A_81] : memref<2x625x4x128xi32, #tpu.memory_space<hbm>> -> memref<1x20x4x128xi32, #tpu.memory_space<hbm>>
        %dma_wait3A_83 = tpu.memref_squeeze %dma_wait3A_82 : memref<1x20x4x128xi32, #tpu.memory_space<hbm>> -> memref<20x4x128xi32, #tpu.memory_space<hbm>>
        %dma_wait3A_84 = arith.constant 0 : i32
        %dma_wait3A_85 = arith.constant 0 : i32
        %dma_wait3A_86 = tpu.memref_slice %arg3[%run_scoped3A, %add3A_4, %dma_wait3A_84, %dma_wait3A_85] : memref<2x625x4x128xi32, #tpu.memory_space<hbm>> -> memref<1x20x4x128xi32, #tpu.memory_space<hbm>>
        %dma_wait3A_87 = tpu.memref_squeeze %dma_wait3A_86 : memref<1x20x4x128xi32, #tpu.memory_space<hbm>> -> memref<20x4x128xi32, #tpu.memory_space<hbm>>
        tpu.wait_dma2 semaphore(%run_scoped3A_72 : memref<!tpu.dma_semaphore, #tpu.memory_space<semaphore_mem>>) src(%dma_wait3A_87 : memref<20x4x128xi32, #tpu.memory_space<hbm>>) dst(%arg7 : memref<20x4x128xi32, #tpu.memory_space<vmem>>)
        tpu.yield
      }) : () -> ()
    } else {
    }
    %ge3A_47 = arith.constant 17 : i32
    %ge3A_48 = arith.cmpi sge, %add3A, %ge3A_47 : i32
    %convert_element_type3A_49 = arith.extui %ge3A_48 : i1 to i32
    %cond3A_50 = arith.constant 0 : i32
    %cond3A_51 = arith.cmpi ne, %convert_element_type3A_49, %cond3A_50 : i32
    scf.if %cond3A_51 {
      %run_scoped3A = arith.constant 1 : i32
      "tpu.region"() ({
        %run_scoped3A_72 = tpu.sem_alloc : memref<!tpu.dma_semaphore, #tpu.memory_space<semaphore_mem>>
        %dma_start3A_73 = arith.constant 0 : i32
        %dma_start3A_74 = arith.constant 0 : i32
        %dma_start3A_75 = arith.constant 0 : i32
        %dma_start3A_76 = tpu.memref_slice %arg7[%dma_start3A_73, %dma_start3A_74, %dma_start3A_75] : memref<20x4x128xi32, #tpu.memory_space<vmem>> -> memref<19x4x128xi32, #tpu.memory_space<vmem>>
        %dma_start3A_77 = arith.constant 0 : i32
        %dma_start3A_78 = arith.constant 0 : i32
        %dma_start3A_79 = tpu.memref_slice %arg3[%run_scoped3A, %add3A_4, %dma_start3A_77, %dma_start3A_78] : memref<2x625x4x128xi32, #tpu.memory_space<hbm>> -> memref<1x19x4x128xi32, #tpu.memory_space<hbm>>
        %dma_start3A_80 = tpu.memref_squeeze %dma_start3A_79 : memref<1x19x4x128xi32, #tpu.memory_space<hbm>> -> memref<19x4x128xi32, #tpu.memory_space<hbm>>
        %dma_start3A_81 = arith.constant 0 : i32
        %dma_start3A_82 = arith.constant 0 : i32
        %dma_start3A_83 = arith.constant 0 : i32
        %dma_start3A_84 = tpu.memref_slice %arg7[%dma_start3A_81, %dma_start3A_82, %dma_start3A_83] : memref<20x4x128xi32, #tpu.memory_space<vmem>> -> memref<19x4x128xi32, #tpu.memory_space<vmem>>
        %dma_start3A_85 = arith.constant 0 : i32
        %dma_start3A_86 = arith.constant 0 : i32
        %dma_start3A_87 = tpu.memref_slice %arg3[%run_scoped3A, %add3A_4, %dma_start3A_85, %dma_start3A_86] : memref<2x625x4x128xi32, #tpu.memory_space<hbm>> -> memref<1x19x4x128xi32, #tpu.memory_space<hbm>>
        %dma_start3A_88 = tpu.memref_squeeze %dma_start3A_87 : memref<1x19x4x128xi32, #tpu.memory_space<hbm>> -> memref<19x4x128xi32, #tpu.memory_space<hbm>>
        tpu.enqueue_dma source(%dma_start3A_88 : memref<19x4x128xi32, #tpu.memory_space<hbm>>) target(%dma_start3A_84 : memref<19x4x128xi32, #tpu.memory_space<vmem>>) target_semaphore(%run_scoped3A_72 : memref<!tpu.dma_semaphore, #tpu.memory_space<semaphore_mem>>)
        %dma_wait3A = arith.constant 0 : i32
        %dma_wait3A_89 = arith.constant 0 : i32
        %dma_wait3A_90 = arith.constant 0 : i32
        %dma_wait3A_91 = tpu.memref_slice %arg7[%dma_wait3A, %dma_wait3A_89, %dma_wait3A_90] : memref<20x4x128xi32, #tpu.memory_space<vmem>> -> memref<19x4x128xi32, #tpu.memory_space<vmem>>
        %dma_wait3A_92 = arith.constant 0 : i32
        %dma_wait3A_93 = arith.constant 0 : i32
        %dma_wait3A_94 = tpu.memref_slice %arg3[%run_scoped3A, %add3A_4, %dma_wait3A_92, %dma_wait3A_93] : memref<2x625x4x128xi32, #tpu.memory_space<hbm>> -> memref<1x19x4x128xi32, #tpu.memory_space<hbm>>
        %dma_wait3A_95 = tpu.memref_squeeze %dma_wait3A_94 : memref<1x19x4x128xi32, #tpu.memory_space<hbm>> -> memref<19x4x128xi32, #tpu.memory_space<hbm>>
        %dma_wait3A_96 = arith.constant 0 : i32
        %dma_wait3A_97 = arith.constant 0 : i32
        %dma_wait3A_98 = arith.constant 0 : i32
        %dma_wait3A_99 = tpu.memref_slice %arg7[%dma_wait3A_96, %dma_wait3A_97, %dma_wait3A_98] : memref<20x4x128xi32, #tpu.memory_space<vmem>> -> memref<19x4x128xi32, #tpu.memory_space<vmem>>
        %dma_wait3A_100 = arith.constant 0 : i32
        %dma_wait3A_101 = arith.constant 0 : i32
        %dma_wait3A_102 = tpu.memref_slice %arg3[%run_scoped3A, %add3A_4, %dma_wait3A_100, %dma_wait3A_101] : memref<2x625x4x128xi32, #tpu.memory_space<hbm>> -> memref<1x19x4x128xi32, #tpu.memory_space<hbm>>
        %dma_wait3A_103 = tpu.memref_squeeze %dma_wait3A_102 : memref<1x19x4x128xi32, #tpu.memory_space<hbm>> -> memref<19x4x128xi32, #tpu.memory_space<hbm>>
        tpu.wait_dma2 semaphore(%run_scoped3A_72 : memref<!tpu.dma_semaphore, #tpu.memory_space<semaphore_mem>>) src(%dma_wait3A_103 : memref<19x4x128xi32, #tpu.memory_space<hbm>>) dst(%dma_wait3A_99 : memref<19x4x128xi32, #tpu.memory_space<vmem>>)
        tpu.yield
      }) : () -> ()
    } else {
    }
    %barrier3A = arith.constant 0 : index
    tpu.barrier barrier_id(%barrier3A)
    %while3A = arith.constant 0 : i32
    %while3A_52 = arith.constant 0 : i32
    %while3A_53 = arith.subi %mul3A_10, %while3A_52 : i32
    %while3A_54 = arith.addi %while3A_52, %while3A_53 : i32
    %while3A_55 = arith.constant 1 : i32
    %while3A_56 = arith.divsi %while3A_53, %while3A_55 : i32
    %while3A_57 = arith.muli %while3A_56, %while3A_55 : i32
    %while3A_58 = arith.addi %while3A_52, %while3A_57 : i32
    %while3A_59 = arith.constant 1 : i32
    scf.for %while3A_72 = %while3A_52 to %while3A_58 step %while3A_59  : i32 {
      %jit3A_73 = arith.constant 4 : i32
      %div3A = arith.divsi %while3A_72, %jit3A_73 : i32
      %sign3A = arith.constant 0 : i32
      %sign3A_74 = arith.cmpi sgt, %while3A_72, %sign3A : i32
      %sign3A_75 = arith.extui %sign3A_74 : i1 to i32
      %sign3A_76 = arith.constant 0 : i32
      %sign3A_77 = arith.cmpi slt, %while3A_72, %sign3A_76 : i32
      %sign3A_78 = arith.extui %sign3A_77 : i1 to i32
      %sign3A_79 = arith.subi %sign3A_75, %sign3A_78 : i32
      %sign3A_80 = arith.constant 0 : i32
      %sign3A_81 = arith.cmpi sgt, %jit3A_73, %sign3A_80 : i32
      %sign3A_82 = arith.extui %sign3A_81 : i1 to i32
      %sign3A_83 = arith.constant 0 : i32
      %sign3A_84 = arith.cmpi slt, %jit3A_73, %sign3A_83 : i32
      %sign3A_85 = arith.extui %sign3A_84 : i1 to i32
      %sign3A_86 = arith.subi %sign3A_82, %sign3A_85 : i32
      %ne3A = arith.cmpi ne, %sign3A_79, %sign3A_86 : i32
      %rem3A = arith.remsi %while3A_72, %jit3A_73 : i32
      %ne3A_87 = arith.constant 0 : i32
      %ne3A_88 = arith.cmpi ne, %rem3A, %ne3A_87 : i32
      %and3A = arith.andi %ne3A, %ne3A_88 : i1
      %sub3A = arith.constant 1 : i32
      %sub3A_89 = arith.subi %div3A, %sub3A : i32
      %select_n3A_90 = arith.select %and3A, %sub3A_89, %div3A : i32
      %mul3A_91 = arith.constant 4 : i32
      %mul3A_92 = arith.muli %select_n3A_90, %mul3A_91 : i32
      %sub3A_93 = arith.subi %while3A_72, %mul3A_92 : i32
      %dma_wait3A = arith.constant 0 : i32
      %dma_wait3A_94 = tpu.memref_slice %arg6[%select_n3A_90, %sub3A_93, %dma_wait3A] : memref<20x4x128xi32, #tpu.memory_space<vmem>> -> memref<1x1x64xi32, #tpu.memory_space<vmem>>
      %dma_wait3A_95 = tpu.memref_squeeze %dma_wait3A_94 : memref<1x1x64xi32, #tpu.memory_space<vmem>> -> memref<64xi32, #tpu.memory_space<vmem>>
      %dma_wait3A_96 = arith.constant 0 : i32
      %dma_wait3A_97 = arith.constant 0 : i32
      %dma_wait3A_98 = tpu.memref_slice %arg2[%dma_wait3A_96, %dma_wait3A_97] : memref<10000x128xf32, #tpu.memory_space<hbm>> -> memref<10000x128xf32, #tpu.memory_space<hbm>>
      tpu.wait_indirect_dma semaphore(%arg11 : memref<!tpu.dma_semaphore, #tpu.memory_space<semaphore_mem>>) src(%dma_wait3A_98 : memref<10000x128xf32, #tpu.memory_space<hbm>>) dst(%arg8 : memref<64x128xf32, #tpu.memory_space<vmem>>)
      "tpu.region"() ({
        %run_scoped3A = tpu.sem_alloc : memref<!tpu.dma_semaphore, #tpu.memory_space<semaphore_mem>>
        %dma_start3A_117 = arith.constant 0 : i32
        %dma_start3A_118 = tpu.memref_slice %arg7[%select_n3A_90, %sub3A_93, %dma_start3A_117] : memref<20x4x128xi32, #tpu.memory_space<vmem>> -> memref<1x1x64xi32, #tpu.memory_space<vmem>>
        %dma_start3A_119 = tpu.memref_squeeze %dma_start3A_118 : memref<1x1x64xi32, #tpu.memory_space<vmem>> -> memref<64xi32, #tpu.memory_space<vmem>>
        %dma_start3A_120 = arith.constant 0 : i32
        %dma_start3A_121 = arith.constant 0 : i32
        %dma_start3A_122 = tpu.memref_slice %arg10[%dma_start3A_120, %dma_start3A_121] : memref<10000x128xf32, #tpu.memory_space<vmem_shared>> -> memref<10000x128xf32, #tpu.memory_space<vmem_shared>>
        tpu.enqueue_indirect_dma source(%arg8 : memref<64x128xf32, #tpu.memory_space<vmem>>) target(%dma_start3A_122 : memref<10000x128xf32, #tpu.memory_space<vmem_shared>>) offsets(%dma_start3A_119 : memref<64xi32, #tpu.memory_space<vmem>>) semaphore(%run_scoped3A : memref<!tpu.dma_semaphore, #tpu.memory_space<semaphore_mem>>) {add = true}
        %dma_wait3A_123 = arith.constant 0 : i32
        %dma_wait3A_124 = tpu.memref_slice %arg7[%select_n3A_90, %sub3A_93, %dma_wait3A_123] : memref<20x4x128xi32, #tpu.memory_space<vmem>> -> memref<1x1x64xi32, #tpu.memory_space<vmem>>
        %dma_wait3A_125 = tpu.memref_squeeze %dma_wait3A_124 : memref<1x1x64xi32, #tpu.memory_space<vmem>> -> memref<64xi32, #tpu.memory_space<vmem>>
        %dma_wait3A_126 = arith.constant 0 : i32
        %dma_wait3A_127 = arith.constant 0 : i32
        %dma_wait3A_128 = tpu.memref_slice %arg10[%dma_wait3A_126, %dma_wait3A_127] : memref<10000x128xf32, #tpu.memory_space<vmem_shared>> -> memref<10000x128xf32, #tpu.memory_space<vmem_shared>>
        tpu.wait_indirect_dma semaphore(%run_scoped3A : memref<!tpu.dma_semaphore, #tpu.memory_space<semaphore_mem>>) src(%arg8 : memref<64x128xf32, #tpu.memory_space<vmem>>) dst(%dma_wait3A_128 : memref<10000x128xf32, #tpu.memory_space<vmem_shared>>)
        tpu.yield
      }) : () -> ()
      %sub3A_99 = arith.constant 1 : i32
      %sub3A_100 = arith.subi %mul3A_10, %sub3A_99 : i32
      %lt3A_101 = arith.cmpi slt, %while3A_72, %sub3A_100 : i32
      %convert_element_type3A_102 = arith.extui %lt3A_101 : i1 to i32
      %cond3A_103 = arith.constant 0 : i32
      %cond3A_104 = arith.cmpi ne, %convert_element_type3A_102, %cond3A_103 : i32
      scf.if %cond3A_104 {
        %add3A_117 = arith.constant 1 : i32
        %add3A_118 = arith.addi %while3A_72, %add3A_117 : i32
        %jit3A_119 = arith.constant 4 : i32
        %div3A_120 = arith.divsi %add3A_118, %jit3A_119 : i32
        %sign3A_121 = arith.constant 0 : i32
        %sign3A_122 = arith.cmpi sgt, %add3A_118, %sign3A_121 : i32
        %sign3A_123 = arith.extui %sign3A_122 : i1 to i32
        %sign3A_124 = arith.constant 0 : i32
        %sign3A_125 = arith.cmpi slt, %add3A_118, %sign3A_124 : i32
        %sign3A_126 = arith.extui %sign3A_125 : i1 to i32
        %sign3A_127 = arith.subi %sign3A_123, %sign3A_126 : i32
        %sign3A_128 = arith.constant 0 : i32
        %sign3A_129 = arith.cmpi sgt, %jit3A_119, %sign3A_128 : i32
        %sign3A_130 = arith.extui %sign3A_129 : i1 to i32
        %sign3A_131 = arith.constant 0 : i32
        %sign3A_132 = arith.cmpi slt, %jit3A_119, %sign3A_131 : i32
        %sign3A_133 = arith.extui %sign3A_132 : i1 to i32
        %sign3A_134 = arith.subi %sign3A_130, %sign3A_133 : i32
        %ne3A_135 = arith.cmpi ne, %sign3A_127, %sign3A_134 : i32
        %rem3A_136 = arith.remsi %add3A_118, %jit3A_119 : i32
        %ne3A_137 = arith.constant 0 : i32
        %ne3A_138 = arith.cmpi ne, %rem3A_136, %ne3A_137 : i32
        %and3A_139 = arith.andi %ne3A_135, %ne3A_138 : i1
        %sub3A_140 = arith.constant 1 : i32
        %sub3A_141 = arith.subi %div3A_120, %sub3A_140 : i32
        %select_n3A_142 = arith.select %and3A_139, %sub3A_141, %div3A_120 : i32
        %add3A_143 = arith.constant 1 : i32
        %add3A_144 = arith.addi %while3A_72, %add3A_143 : i32
        %mul3A_145 = arith.constant 4 : i32
        %mul3A_146 = arith.muli %select_n3A_142, %mul3A_145 : i32
        %sub3A_147 = arith.subi %add3A_144, %mul3A_146 : i32
        %dma_start3A_148 = arith.constant 0 : i32
        %dma_start3A_149 = tpu.memref_slice %arg6[%select_n3A_142, %sub3A_147, %dma_start3A_148] : memref<20x4x128xi32, #tpu.memory_space<vmem>> -> memref<1x1x64xi32, #tpu.memory_space<vmem>>
        %dma_start3A_150 = tpu.memref_squeeze %dma_start3A_149 : memref<1x1x64xi32, #tpu.memory_space<vmem>> -> memref<64xi32, #tpu.memory_space<vmem>>
        %dma_start3A_151 = arith.constant 0 : i32
        %dma_start3A_152 = arith.constant 0 : i32
        %dma_start3A_153 = tpu.memref_slice %arg2[%dma_start3A_151, %dma_start3A_152] : memref<10000x128xf32, #tpu.memory_space<hbm>> -> memref<10000x128xf32, #tpu.memory_space<hbm>>
        tpu.enqueue_indirect_dma source(%dma_start3A_153 : memref<10000x128xf32, #tpu.memory_space<hbm>>) target(%arg8 : memref<64x128xf32, #tpu.memory_space<vmem>>) offsets(%dma_start3A_150 : memref<64xi32, #tpu.memory_space<vmem>>) semaphore(%arg11 : memref<!tpu.dma_semaphore, #tpu.memory_space<semaphore_mem>>)
      } else {
      }
      %dma_wait3A_105 = arith.constant 64 : i32
      %dma_wait3A_106 = tpu.memref_slice %arg6[%select_n3A_90, %sub3A_93, %dma_wait3A_105] : memref<20x4x128xi32, #tpu.memory_space<vmem>> -> memref<1x1x64xi32, #tpu.memory_space<vmem>>
      %dma_wait3A_107 = tpu.memref_squeeze %dma_wait3A_106 : memref<1x1x64xi32, #tpu.memory_space<vmem>> -> memref<64xi32, #tpu.memory_space<vmem>>
      %dma_wait3A_108 = arith.constant 0 : i32
      %dma_wait3A_109 = arith.constant 0 : i32
      %dma_wait3A_110 = tpu.memref_slice %arg2[%dma_wait3A_108, %dma_wait3A_109] : memref<10000x128xf32, #tpu.memory_space<hbm>> -> memref<10000x128xf32, #tpu.memory_space<hbm>>
      tpu.wait_indirect_dma semaphore(%arg12 : memref<!tpu.dma_semaphore, #tpu.memory_space<semaphore_mem>>) src(%dma_wait3A_110 : memref<10000x128xf32, #tpu.memory_space<hbm>>) dst(%arg9 : memref<64x128xf32, #tpu.memory_space<vmem>>)
      "tpu.region"() ({
        %run_scoped3A = tpu.sem_alloc : memref<!tpu.dma_semaphore, #tpu.memory_space<semaphore_mem>>
        %dma_start3A_117 = arith.constant 64 : i32
        %dma_start3A_118 = tpu.memref_slice %arg7[%select_n3A_90, %sub3A_93, %dma_start3A_117] : memref<20x4x128xi32, #tpu.memory_space<vmem>> -> memref<1x1x64xi32, #tpu.memory_space<vmem>>
        %dma_start3A_119 = tpu.memref_squeeze %dma_start3A_118 : memref<1x1x64xi32, #tpu.memory_space<vmem>> -> memref<64xi32, #tpu.memory_space<vmem>>
        %dma_start3A_120 = arith.constant 0 : i32
        %dma_start3A_121 = arith.constant 0 : i32
        %dma_start3A_122 = tpu.memref_slice %arg10[%dma_start3A_120, %dma_start3A_121] : memref<10000x128xf32, #tpu.memory_space<vmem_shared>> -> memref<10000x128xf32, #tpu.memory_space<vmem_shared>>
        tpu.enqueue_indirect_dma source(%arg9 : memref<64x128xf32, #tpu.memory_space<vmem>>) target(%dma_start3A_122 : memref<10000x128xf32, #tpu.memory_space<vmem_shared>>) offsets(%dma_start3A_119 : memref<64xi32, #tpu.memory_space<vmem>>) semaphore(%run_scoped3A : memref<!tpu.dma_semaphore, #tpu.memory_space<semaphore_mem>>) {add = true}
        %dma_wait3A_123 = arith.constant 64 : i32
        %dma_wait3A_124 = tpu.memref_slice %arg7[%select_n3A_90, %sub3A_93, %dma_wait3A_123] : memref<20x4x128xi32, #tpu.memory_space<vmem>> -> memref<1x1x64xi32, #tpu.memory_space<vmem>>
        %dma_wait3A_125 = tpu.memref_squeeze %dma_wait3A_124 : memref<1x1x64xi32, #tpu.memory_space<vmem>> -> memref<64xi32, #tpu.memory_space<vmem>>
        %dma_wait3A_126 = arith.constant 0 : i32
        %dma_wait3A_127 = arith.constant 0 : i32
        %dma_wait3A_128 = tpu.memref_slice %arg10[%dma_wait3A_126, %dma_wait3A_127] : memref<10000x128xf32, #tpu.memory_space<vmem_shared>> -> memref<10000x128xf32, #tpu.memory_space<vmem_shared>>
        tpu.wait_indirect_dma semaphore(%run_scoped3A : memref<!tpu.dma_semaphore, #tpu.memory_space<semaphore_mem>>) src(%arg9 : memref<64x128xf32, #tpu.memory_space<vmem>>) dst(%dma_wait3A_128 : memref<10000x128xf32, #tpu.memory_space<vmem_shared>>)
        tpu.yield
      }) : () -> ()
      %sub3A_111 = arith.constant 1 : i32
      %sub3A_112 = arith.subi %mul3A_10, %sub3A_111 : i32
      %lt3A_113 = arith.cmpi slt, %while3A_72, %sub3A_112 : i32
      %convert_element_type3A_114 = arith.extui %lt3A_113 : i1 to i32
      %cond3A_115 = arith.constant 0 : i32
      %cond3A_116 = arith.cmpi ne, %convert_element_type3A_114, %cond3A_115 : i32
      scf.if %cond3A_116 {
        %add3A_117 = arith.constant 1 : i32
        %add3A_118 = arith.addi %while3A_72, %add3A_117 : i32
        %jit3A_119 = arith.constant 4 : i32
        %div3A_120 = arith.divsi %add3A_118, %jit3A_119 : i32
        %sign3A_121 = arith.constant 0 : i32
        %sign3A_122 = arith.cmpi sgt, %add3A_118, %sign3A_121 : i32
        %sign3A_123 = arith.extui %sign3A_122 : i1 to i32
        %sign3A_124 = arith.constant 0 : i32
        %sign3A_125 = arith.cmpi slt, %add3A_118, %sign3A_124 : i32
        %sign3A_126 = arith.extui %sign3A_125 : i1 to i32
        %sign3A_127 = arith.subi %sign3A_123, %sign3A_126 : i32
        %sign3A_128 = arith.constant 0 : i32
        %sign3A_129 = arith.cmpi sgt, %jit3A_119, %sign3A_128 : i32
        %sign3A_130 = arith.extui %sign3A_129 : i1 to i32
        %sign3A_131 = arith.constant 0 : i32
        %sign3A_132 = arith.cmpi slt, %jit3A_119, %sign3A_131 : i32
        %sign3A_133 = arith.extui %sign3A_132 : i1 to i32
        %sign3A_134 = arith.subi %sign3A_130, %sign3A_133 : i32
        %ne3A_135 = arith.cmpi ne, %sign3A_127, %sign3A_134 : i32
        %rem3A_136 = arith.remsi %add3A_118, %jit3A_119 : i32
        %ne3A_137 = arith.constant 0 : i32
        %ne3A_138 = arith.cmpi ne, %rem3A_136, %ne3A_137 : i32
        %and3A_139 = arith.andi %ne3A_135, %ne3A_138 : i1
        %sub3A_140 = arith.constant 1 : i32
        %sub3A_141 = arith.subi %div3A_120, %sub3A_140 : i32
        %select_n3A_142 = arith.select %and3A_139, %sub3A_141, %div3A_120 : i32
        %add3A_143 = arith.constant 1 : i32
        %add3A_144 = arith.addi %while3A_72, %add3A_143 : i32
        %mul3A_145 = arith.constant 4 : i32
        %mul3A_146 = arith.muli %select_n3A_142, %mul3A_145 : i32
        %sub3A_147 = arith.subi %add3A_144, %mul3A_146 : i32
        %dma_start3A_148 = arith.constant 64 : i32
        %dma_start3A_149 = tpu.memref_slice %arg6[%select_n3A_142, %sub3A_147, %dma_start3A_148] : memref<20x4x128xi32, #tpu.memory_space<vmem>> -> memref<1x1x64xi32, #tpu.memory_space<vmem>>
        %dma_start3A_150 = tpu.memref_squeeze %dma_start3A_149 : memref<1x1x64xi32, #tpu.memory_space<vmem>> -> memref<64xi32, #tpu.memory_space<vmem>>
        %dma_start3A_151 = arith.constant 0 : i32
        %dma_start3A_152 = arith.constant 0 : i32
        %dma_start3A_153 = tpu.memref_slice %arg2[%dma_start3A_151, %dma_start3A_152] : memref<10000x128xf32, #tpu.memory_space<hbm>> -> memref<10000x128xf32, #tpu.memory_space<hbm>>
        tpu.enqueue_indirect_dma source(%dma_start3A_153 : memref<10000x128xf32, #tpu.memory_space<hbm>>) target(%arg9 : memref<64x128xf32, #tpu.memory_space<vmem>>) offsets(%dma_start3A_150 : memref<64xi32, #tpu.memory_space<vmem>>) semaphore(%arg12 : memref<!tpu.dma_semaphore, #tpu.memory_space<semaphore_mem>>)
      } else {
      }
    }
    %while3A_60 = arith.constant 1 : i32
    scf.for %while3A_72 = %while3A_58 to %while3A_54 step %while3A_60  : i32 {
      %jit3A_73 = arith.constant 4 : i32
      %div3A = arith.divsi %while3A_72, %jit3A_73 : i32
      %sign3A = arith.constant 0 : i32
      %sign3A_74 = arith.cmpi sgt, %while3A_72, %sign3A : i32
      %sign3A_75 = arith.extui %sign3A_74 : i1 to i32
      %sign3A_76 = arith.constant 0 : i32
      %sign3A_77 = arith.cmpi slt, %while3A_72, %sign3A_76 : i32
      %sign3A_78 = arith.extui %sign3A_77 : i1 to i32
      %sign3A_79 = arith.subi %sign3A_75, %sign3A_78 : i32
      %sign3A_80 = arith.constant 0 : i32
      %sign3A_81 = arith.cmpi sgt, %jit3A_73, %sign3A_80 : i32
      %sign3A_82 = arith.extui %sign3A_81 : i1 to i32
      %sign3A_83 = arith.constant 0 : i32
      %sign3A_84 = arith.cmpi slt, %jit3A_73, %sign3A_83 : i32
      %sign3A_85 = arith.extui %sign3A_84 : i1 to i32
      %sign3A_86 = arith.subi %sign3A_82, %sign3A_85 : i32
      %ne3A = arith.cmpi ne, %sign3A_79, %sign3A_86 : i32
      %rem3A = arith.remsi %while3A_72, %jit3A_73 : i32
      %ne3A_87 = arith.constant 0 : i32
      %ne3A_88 = arith.cmpi ne, %rem3A, %ne3A_87 : i32
      %and3A = arith.andi %ne3A, %ne3A_88 : i1
      %sub3A = arith.constant 1 : i32
      %sub3A_89 = arith.subi %div3A, %sub3A : i32
      %select_n3A_90 = arith.select %and3A, %sub3A_89, %div3A : i32
      %mul3A_91 = arith.constant 4 : i32
      %mul3A_92 = arith.muli %select_n3A_90, %mul3A_91 : i32
      %sub3A_93 = arith.subi %while3A_72, %mul3A_92 : i32
      %dma_wait3A = arith.constant 0 : i32
      %dma_wait3A_94 = tpu.memref_slice %arg6[%select_n3A_90, %sub3A_93, %dma_wait3A] : memref<20x4x128xi32, #tpu.memory_space<vmem>> -> memref<1x1x64xi32, #tpu.memory_space<vmem>>
      %dma_wait3A_95 = tpu.memref_squeeze %dma_wait3A_94 : memref<1x1x64xi32, #tpu.memory_space<vmem>> -> memref<64xi32, #tpu.memory_space<vmem>>
      %dma_wait3A_96 = arith.constant 0 : i32
      %dma_wait3A_97 = arith.constant 0 : i32
      %dma_wait3A_98 = tpu.memref_slice %arg2[%dma_wait3A_96, %dma_wait3A_97] : memref<10000x128xf32, #tpu.memory_space<hbm>> -> memref<10000x128xf32, #tpu.memory_space<hbm>>
      tpu.wait_indirect_dma semaphore(%arg11 : memref<!tpu.dma_semaphore, #tpu.memory_space<semaphore_mem>>) src(%dma_wait3A_98 : memref<10000x128xf32, #tpu.memory_space<hbm>>) dst(%arg8 : memref<64x128xf32, #tpu.memory_space<vmem>>)
      "tpu.region"() ({
        %run_scoped3A = tpu.sem_alloc : memref<!tpu.dma_semaphore, #tpu.memory_space<semaphore_mem>>
        %dma_start3A_117 = arith.constant 0 : i32
        %dma_start3A_118 = tpu.memref_slice %arg7[%select_n3A_90, %sub3A_93, %dma_start3A_117] : memref<20x4x128xi32, #tpu.memory_space<vmem>> -> memref<1x1x64xi32, #tpu.memory_space<vmem>>
        %dma_start3A_119 = tpu.memref_squeeze %dma_start3A_118 : memref<1x1x64xi32, #tpu.memory_space<vmem>> -> memref<64xi32, #tpu.memory_space<vmem>>
        %dma_start3A_120 = arith.constant 0 : i32
        %dma_start3A_121 = arith.constant 0 : i32
        %dma_start3A_122 = tpu.memref_slice %arg10[%dma_start3A_120, %dma_start3A_121] : memref<10000x128xf32, #tpu.memory_space<vmem_shared>> -> memref<10000x128xf32, #tpu.memory_space<vmem_shared>>
        tpu.enqueue_indirect_dma source(%arg8 : memref<64x128xf32, #tpu.memory_space<vmem>>) target(%dma_start3A_122 : memref<10000x128xf32, #tpu.memory_space<vmem_shared>>) offsets(%dma_start3A_119 : memref<64xi32, #tpu.memory_space<vmem>>) semaphore(%run_scoped3A : memref<!tpu.dma_semaphore, #tpu.memory_space<semaphore_mem>>) {add = true}
        %dma_wait3A_123 = arith.constant 0 : i32
        %dma_wait3A_124 = tpu.memref_slice %arg7[%select_n3A_90, %sub3A_93, %dma_wait3A_123] : memref<20x4x128xi32, #tpu.memory_space<vmem>> -> memref<1x1x64xi32, #tpu.memory_space<vmem>>
        %dma_wait3A_125 = tpu.memref_squeeze %dma_wait3A_124 : memref<1x1x64xi32, #tpu.memory_space<vmem>> -> memref<64xi32, #tpu.memory_space<vmem>>
        %dma_wait3A_126 = arith.constant 0 : i32
        %dma_wait3A_127 = arith.constant 0 : i32
        %dma_wait3A_128 = tpu.memref_slice %arg10[%dma_wait3A_126, %dma_wait3A_127] : memref<10000x128xf32, #tpu.memory_space<vmem_shared>> -> memref<10000x128xf32, #tpu.memory_space<vmem_shared>>
        tpu.wait_indirect_dma semaphore(%run_scoped3A : memref<!tpu.dma_semaphore, #tpu.memory_space<semaphore_mem>>) src(%arg8 : memref<64x128xf32, #tpu.memory_space<vmem>>) dst(%dma_wait3A_128 : memref<10000x128xf32, #tpu.memory_space<vmem_shared>>)
        tpu.yield
      }) : () -> ()
      %sub3A_99 = arith.constant 1 : i32
      %sub3A_100 = arith.subi %mul3A_10, %sub3A_99 : i32
      %lt3A_101 = arith.cmpi slt, %while3A_72, %sub3A_100 : i32
      %convert_element_type3A_102 = arith.extui %lt3A_101 : i1 to i32
      %cond3A_103 = arith.constant 0 : i32
      %cond3A_104 = arith.cmpi ne, %convert_element_type3A_102, %cond3A_103 : i32
      scf.if %cond3A_104 {
        %add3A_117 = arith.constant 1 : i32
        %add3A_118 = arith.addi %while3A_72, %add3A_117 : i32
        %jit3A_119 = arith.constant 4 : i32
        %div3A_120 = arith.divsi %add3A_118, %jit3A_119 : i32
        %sign3A_121 = arith.constant 0 : i32
        %sign3A_122 = arith.cmpi sgt, %add3A_118, %sign3A_121 : i32
        %sign3A_123 = arith.extui %sign3A_122 : i1 to i32
        %sign3A_124 = arith.constant 0 : i32
        %sign3A_125 = arith.cmpi slt, %add3A_118, %sign3A_124 : i32
        %sign3A_126 = arith.extui %sign3A_125 : i1 to i32
        %sign3A_127 = arith.subi %sign3A_123, %sign3A_126 : i32
        %sign3A_128 = arith.constant 0 : i32
        %sign3A_129 = arith.cmpi sgt, %jit3A_119, %sign3A_128 : i32
        %sign3A_130 = arith.extui %sign3A_129 : i1 to i32
        %sign3A_131 = arith.constant 0 : i32
        %sign3A_132 = arith.cmpi slt, %jit3A_119, %sign3A_131 : i32
        %sign3A_133 = arith.extui %sign3A_132 : i1 to i32
        %sign3A_134 = arith.subi %sign3A_130, %sign3A_133 : i32
        %ne3A_135 = arith.cmpi ne, %sign3A_127, %sign3A_134 : i32
        %rem3A_136 = arith.remsi %add3A_118, %jit3A_119 : i32
        %ne3A_137 = arith.constant 0 : i32
        %ne3A_138 = arith.cmpi ne, %rem3A_136, %ne3A_137 : i32
        %and3A_139 = arith.andi %ne3A_135, %ne3A_138 : i1
        %sub3A_140 = arith.constant 1 : i32
        %sub3A_141 = arith.subi %div3A_120, %sub3A_140 : i32
        %select_n3A_142 = arith.select %and3A_139, %sub3A_141, %div3A_120 : i32
        %add3A_143 = arith.constant 1 : i32
        %add3A_144 = arith.addi %while3A_72, %add3A_143 : i32
        %mul3A_145 = arith.constant 4 : i32
        %mul3A_146 = arith.muli %select_n3A_142, %mul3A_145 : i32
        %sub3A_147 = arith.subi %add3A_144, %mul3A_146 : i32
        %dma_start3A_148 = arith.constant 0 : i32
        %dma_start3A_149 = tpu.memref_slice %arg6[%select_n3A_142, %sub3A_147, %dma_start3A_148] : memref<20x4x128xi32, #tpu.memory_space<vmem>> -> memref<1x1x64xi32, #tpu.memory_space<vmem>>
        %dma_start3A_150 = tpu.memref_squeeze %dma_start3A_149 : memref<1x1x64xi32, #tpu.memory_space<vmem>> -> memref<64xi32, #tpu.memory_space<vmem>>
        %dma_start3A_151 = arith.constant 0 : i32
        %dma_start3A_152 = arith.constant 0 : i32
        %dma_start3A_153 = tpu.memref_slice %arg2[%dma_start3A_151, %dma_start3A_152] : memref<10000x128xf32, #tpu.memory_space<hbm>> -> memref<10000x128xf32, #tpu.memory_space<hbm>>
        tpu.enqueue_indirect_dma source(%dma_start3A_153 : memref<10000x128xf32, #tpu.memory_space<hbm>>) target(%arg8 : memref<64x128xf32, #tpu.memory_space<vmem>>) offsets(%dma_start3A_150 : memref<64xi32, #tpu.memory_space<vmem>>) semaphore(%arg11 : memref<!tpu.dma_semaphore, #tpu.memory_space<semaphore_mem>>)
      } else {
      }
      %dma_wait3A_105 = arith.constant 64 : i32
      %dma_wait3A_106 = tpu.memref_slice %arg6[%select_n3A_90, %sub3A_93, %dma_wait3A_105] : memref<20x4x128xi32, #tpu.memory_space<vmem>> -> memref<1x1x64xi32, #tpu.memory_space<vmem>>
      %dma_wait3A_107 = tpu.memref_squeeze %dma_wait3A_106 : memref<1x1x64xi32, #tpu.memory_space<vmem>> -> memref<64xi32, #tpu.memory_space<vmem>>
      %dma_wait3A_108 = arith.constant 0 : i32
      %dma_wait3A_109 = arith.constant 0 : i32
      %dma_wait3A_110 = tpu.memref_slice %arg2[%dma_wait3A_108, %dma_wait3A_109] : memref<10000x128xf32, #tpu.memory_space<hbm>> -> memref<10000x128xf32, #tpu.memory_space<hbm>>
      tpu.wait_indirect_dma semaphore(%arg12 : memref<!tpu.dma_semaphore, #tpu.memory_space<semaphore_mem>>) src(%dma_wait3A_110 : memref<10000x128xf32, #tpu.memory_space<hbm>>) dst(%arg9 : memref<64x128xf32, #tpu.memory_space<vmem>>)
      "tpu.region"() ({
        %run_scoped3A = tpu.sem_alloc : memref<!tpu.dma_semaphore, #tpu.memory_space<semaphore_mem>>
        %dma_start3A_117 = arith.constant 64 : i32
        %dma_start3A_118 = tpu.memref_slice %arg7[%select_n3A_90, %sub3A_93, %dma_start3A_117] : memref<20x4x128xi32, #tpu.memory_space<vmem>> -> memref<1x1x64xi32, #tpu.memory_space<vmem>>
        %dma_start3A_119 = tpu.memref_squeeze %dma_start3A_118 : memref<1x1x64xi32, #tpu.memory_space<vmem>> -> memref<64xi32, #tpu.memory_space<vmem>>
        %dma_start3A_120 = arith.constant 0 : i32
        %dma_start3A_121 = arith.constant 0 : i32
        %dma_start3A_122 = tpu.memref_slice %arg10[%dma_start3A_120, %dma_start3A_121] : memref<10000x128xf32, #tpu.memory_space<vmem_shared>> -> memref<10000x128xf32, #tpu.memory_space<vmem_shared>>
        tpu.enqueue_indirect_dma source(%arg9 : memref<64x128xf32, #tpu.memory_space<vmem>>) target(%dma_start3A_122 : memref<10000x128xf32, #tpu.memory_space<vmem_shared>>) offsets(%dma_start3A_119 : memref<64xi32, #tpu.memory_space<vmem>>) semaphore(%run_scoped3A : memref<!tpu.dma_semaphore, #tpu.memory_space<semaphore_mem>>) {add = true}
        %dma_wait3A_123 = arith.constant 64 : i32
        %dma_wait3A_124 = tpu.memref_slice %arg7[%select_n3A_90, %sub3A_93, %dma_wait3A_123] : memref<20x4x128xi32, #tpu.memory_space<vmem>> -> memref<1x1x64xi32, #tpu.memory_space<vmem>>
        %dma_wait3A_125 = tpu.memref_squeeze %dma_wait3A_124 : memref<1x1x64xi32, #tpu.memory_space<vmem>> -> memref<64xi32, #tpu.memory_space<vmem>>
        %dma_wait3A_126 = arith.constant 0 : i32
        %dma_wait3A_127 = arith.constant 0 : i32
        %dma_wait3A_128 = tpu.memref_slice %arg10[%dma_wait3A_126, %dma_wait3A_127] : memref<10000x128xf32, #tpu.memory_space<vmem_shared>> -> memref<10000x128xf32, #tpu.memory_space<vmem_shared>>
        tpu.wait_indirect_dma semaphore(%run_scoped3A : memref<!tpu.dma_semaphore, #tpu.memory_space<semaphore_mem>>) src(%arg9 : memref<64x128xf32, #tpu.memory_space<vmem>>) dst(%dma_wait3A_128 : memref<10000x128xf32, #tpu.memory_space<vmem_shared>>)
        tpu.yield
      }) : () -> ()
      %sub3A_111 = arith.constant 1 : i32
      %sub3A_112 = arith.subi %mul3A_10, %sub3A_111 : i32
      %lt3A_113 = arith.cmpi slt, %while3A_72, %sub3A_112 : i32
      %convert_element_type3A_114 = arith.extui %lt3A_113 : i1 to i32
      %cond3A_115 = arith.constant 0 : i32
      %cond3A_116 = arith.cmpi ne, %convert_element_type3A_114, %cond3A_115 : i32
      scf.if %cond3A_116 {
        %add3A_117 = arith.constant 1 : i32
        %add3A_118 = arith.addi %while3A_72, %add3A_117 : i32
        %jit3A_119 = arith.constant 4 : i32
        %div3A_120 = arith.divsi %add3A_118, %jit3A_119 : i32
        %sign3A_121 = arith.constant 0 : i32
        %sign3A_122 = arith.cmpi sgt, %add3A_118, %sign3A_121 : i32
        %sign3A_123 = arith.extui %sign3A_122 : i1 to i32
        %sign3A_124 = arith.constant 0 : i32
        %sign3A_125 = arith.cmpi slt, %add3A_118, %sign3A_124 : i32
        %sign3A_126 = arith.extui %sign3A_125 : i1 to i32
        %sign3A_127 = arith.subi %sign3A_123, %sign3A_126 : i32
        %sign3A_128 = arith.constant 0 : i32
        %sign3A_129 = arith.cmpi sgt, %jit3A_119, %sign3A_128 : i32
        %sign3A_130 = arith.extui %sign3A_129 : i1 to i32
        %sign3A_131 = arith.constant 0 : i32
        %sign3A_132 = arith.cmpi slt, %jit3A_119, %sign3A_131 : i32
        %sign3A_133 = arith.extui %sign3A_132 : i1 to i32
        %sign3A_134 = arith.subi %sign3A_130, %sign3A_133 : i32
        %ne3A_135 = arith.cmpi ne, %sign3A_127, %sign3A_134 : i32
        %rem3A_136 = arith.remsi %add3A_118, %jit3A_119 : i32
        %ne3A_137 = arith.constant 0 : i32
        %ne3A_138 = arith.cmpi ne, %rem3A_136, %ne3A_137 : i32
        %and3A_139 = arith.andi %ne3A_135, %ne3A_138 : i1
        %sub3A_140 = arith.constant 1 : i32
        %sub3A_141 = arith.subi %div3A_120, %sub3A_140 : i32
        %select_n3A_142 = arith.select %and3A_139, %sub3A_141, %div3A_120 : i32
        %add3A_143 = arith.constant 1 : i32
        %add3A_144 = arith.addi %while3A_72, %add3A_143 : i32
        %mul3A_145 = arith.constant 4 : i32
        %mul3A_146 = arith.muli %select_n3A_142, %mul3A_145 : i32
        %sub3A_147 = arith.subi %add3A_144, %mul3A_146 : i32
        %dma_start3A_148 = arith.constant 64 : i32
        %dma_start3A_149 = tpu.memref_slice %arg6[%select_n3A_142, %sub3A_147, %dma_start3A_148] : memref<20x4x128xi32, #tpu.memory_space<vmem>> -> memref<1x1x64xi32, #tpu.memory_space<vmem>>
        %dma_start3A_150 = tpu.memref_squeeze %dma_start3A_149 : memref<1x1x64xi32, #tpu.memory_space<vmem>> -> memref<64xi32, #tpu.memory_space<vmem>>
        %dma_start3A_151 = arith.constant 0 : i32
        %dma_start3A_152 = arith.constant 0 : i32
        %dma_start3A_153 = tpu.memref_slice %arg2[%dma_start3A_151, %dma_start3A_152] : memref<10000x128xf32, #tpu.memory_space<hbm>> -> memref<10000x128xf32, #tpu.memory_space<hbm>>
        tpu.enqueue_indirect_dma source(%dma_start3A_153 : memref<10000x128xf32, #tpu.memory_space<hbm>>) target(%arg9 : memref<64x128xf32, #tpu.memory_space<vmem>>) offsets(%dma_start3A_150 : memref<64xi32, #tpu.memory_space<vmem>>) semaphore(%arg12 : memref<!tpu.dma_semaphore, #tpu.memory_space<semaphore_mem>>)
      } else {
      }
    }
    %barrier3A_61 = arith.constant 0 : index
    tpu.barrier barrier_id(%barrier3A_61)
    %lt3A_62 = arith.constant 15 : i32
    %lt3A_63 = arith.cmpi slt, %arg1, %lt3A_62 : i32
    %convert_element_type3A_64 = arith.extui %lt3A_63 : i1 to i32
    %cond3A_65 = arith.constant 0 : i32
    %cond3A_66 = arith.cmpi ne, %convert_element_type3A_64, %cond3A_65 : i32
    scf.if %cond3A_66 {
      %mul3A_72 = arith.constant 632 : i32
      %mul3A_73 = arith.muli %arg1, %mul3A_72 : i32
      %mul3A_74 = arith.constant 632 : i32
      %mul3A_75 = arith.muli %arg1, %mul3A_74 : i32
      "tpu.region"() ({
        %run_scoped3A = tpu.sem_alloc : memref<!tpu.dma_semaphore, #tpu.memory_space<semaphore_mem>>
        %dma_start3A_76 = arith.constant 0 : i32
        %dma_start3A_77 = tpu.memref_slice %arg5[%arg0, %mul3A_75, %dma_start3A_76] : memref<2x10000x128xf32, #tpu.memory_space<hbm>> -> memref<1x632x128xf32, #tpu.memory_space<hbm>>
        %dma_start3A_78 = tpu.memref_squeeze %dma_start3A_77 : memref<1x632x128xf32, #tpu.memory_space<hbm>> -> memref<632x128xf32, #tpu.memory_space<hbm>>
        %dma_start3A_79 = arith.constant 0 : i32
        %dma_start3A_80 = tpu.memref_slice %arg10[%mul3A_73, %dma_start3A_79] : memref<10000x128xf32, #tpu.memory_space<vmem_shared>> -> memref<632x128xf32, #tpu.memory_space<vmem_shared>>
        tpu.enqueue_dma source(%dma_start3A_80 : memref<632x128xf32, #tpu.memory_space<vmem_shared>>) target(%dma_start3A_78 : memref<632x128xf32, #tpu.memory_space<hbm>>) target_semaphore(%run_scoped3A : memref<!tpu.dma_semaphore, #tpu.memory_space<semaphore_mem>>)
        %dma_wait3A = arith.constant 0 : i32
        %dma_wait3A_81 = tpu.memref_slice %arg5[%arg0, %mul3A_75, %dma_wait3A] : memref<2x10000x128xf32, #tpu.memory_space<hbm>> -> memref<1x632x128xf32, #tpu.memory_space<hbm>>
        %dma_wait3A_82 = tpu.memref_squeeze %dma_wait3A_81 : memref<1x632x128xf32, #tpu.memory_space<hbm>> -> memref<632x128xf32, #tpu.memory_space<hbm>>
        %dma_wait3A_83 = arith.constant 0 : i32
        %dma_wait3A_84 = tpu.memref_slice %arg10[%mul3A_73, %dma_wait3A_83] : memref<10000x128xf32, #tpu.memory_space<vmem_shared>> -> memref<632x128xf32, #tpu.memory_space<vmem_shared>>
        tpu.wait_dma2 semaphore(%run_scoped3A : memref<!tpu.dma_semaphore, #tpu.memory_space<semaphore_mem>>) src(%dma_wait3A_84 : memref<632x128xf32, #tpu.memory_space<vmem_shared>>) dst(%dma_wait3A_82 : memref<632x128xf32, #tpu.memory_space<hbm>>)
        tpu.yield
      }) : () -> ()
    } else {
    }
    %eq3A_67 = arith.constant 15 : i32
    %eq3A_68 = arith.cmpi eq, %arg1, %eq3A_67 : i32
    %convert_element_type3A_69 = arith.extui %eq3A_68 : i1 to i32
    %cond3A_70 = arith.constant 0 : i32
    %cond3A_71 = arith.cmpi ne, %convert_element_type3A_69, %cond3A_70 : i32
    scf.if %cond3A_71 {
      %mul3A_72 = arith.constant 632 : i32
      %mul3A_73 = arith.muli %arg1, %mul3A_72 : i32
      %mul3A_74 = arith.constant 632 : i32
      %mul3A_75 = arith.muli %arg1, %mul3A_74 : i32
      "tpu.region"() ({
        %run_scoped3A = tpu.sem_alloc : memref<!tpu.dma_semaphore, #tpu.memory_space<semaphore_mem>>
        %dma_start3A_76 = arith.constant 0 : i32
        %dma_start3A_77 = tpu.memref_slice %arg5[%arg0, %mul3A_75, %dma_start3A_76] : memref<2x10000x128xf32, #tpu.memory_space<hbm>> -> memref<1x520x128xf32, #tpu.memory_space<hbm>>
        %dma_start3A_78 = tpu.memref_squeeze %dma_start3A_77 : memref<1x520x128xf32, #tpu.memory_space<hbm>> -> memref<520x128xf32, #tpu.memory_space<hbm>>
        %dma_start3A_79 = arith.constant 0 : i32
        %dma_start3A_80 = tpu.memref_slice %arg10[%mul3A_73, %dma_start3A_79] : memref<10000x128xf32, #tpu.memory_space<vmem_shared>> -> memref<520x128xf32, #tpu.memory_space<vmem_shared>>
        tpu.enqueue_dma source(%dma_start3A_80 : memref<520x128xf32, #tpu.memory_space<vmem_shared>>) target(%dma_start3A_78 : memref<520x128xf32, #tpu.memory_space<hbm>>) target_semaphore(%run_scoped3A : memref<!tpu.dma_semaphore, #tpu.memory_space<semaphore_mem>>)
        %dma_wait3A = arith.constant 0 : i32
        %dma_wait3A_81 = tpu.memref_slice %arg5[%arg0, %mul3A_75, %dma_wait3A] : memref<2x10000x128xf32, #tpu.memory_space<hbm>> -> memref<1x520x128xf32, #tpu.memory_space<hbm>>
        %dma_wait3A_82 = tpu.memref_squeeze %dma_wait3A_81 : memref<1x520x128xf32, #tpu.memory_space<hbm>> -> memref<520x128xf32, #tpu.memory_space<hbm>>
        %dma_wait3A_83 = arith.constant 0 : i32
        %dma_wait3A_84 = tpu.memref_slice %arg10[%mul3A_73, %dma_wait3A_83] : memref<10000x128xf32, #tpu.memory_space<vmem_shared>> -> memref<520x128xf32, #tpu.memory_space<vmem_shared>>
        tpu.wait_dma2 semaphore(%run_scoped3A : memref<!tpu.dma_semaphore, #tpu.memory_space<semaphore_mem>>) src(%dma_wait3A_84 : memref<520x128xf32, #tpu.memory_space<vmem_shared>>) dst(%dma_wait3A_82 : memref<520x128xf32, #tpu.memory_space<hbm>>)
        tpu.yield
      }) : () -> ()
    } else {
    }
    return
  }
}

module attributes {stable_mosaic.version = 14 : i64} {
  func.func @_tc_scale_body(%arg0: memref<10000x128xf32, #tpu.memory_space<vmem>>, %arg1: memref<2x10000x128xf32, #tpu.memory_space<vmem>>, %arg2: memref<10000x128xf32, #tpu.memory_space<vmem>>) attributes {dimension_semantics = [], scalar_prefetch = 0 : i64, scratch_operands = 0 : i64, tpu.core_type = #tpu.core_type<tc>} {
    %get3A = arith.constant 0 : index
    %get3A_0 = arith.constant 0 : index
    %get3A_1 = arith.constant 0 : index
    %get3A_2 = vector.load %arg1[%get3A, %get3A_0, %get3A_1] : memref<2x10000x128xf32, #tpu.memory_space<vmem>>, vector<1x10000x1xf32>
    %get3A_3 = vector.shape_cast %get3A_2 : vector<1x10000x1xf32> to vector<10000x1xf32>
    %get3A_4 = arith.constant 1 : index
    %get3A_5 = arith.constant 0 : index
    %get3A_6 = arith.constant 0 : index
    %get3A_7 = vector.load %arg1[%get3A_4, %get3A_5, %get3A_6] : memref<2x10000x128xf32, #tpu.memory_space<vmem>>, vector<1x10000x1xf32>
    %get3A_8 = vector.shape_cast %get3A_7 : vector<1x10000x1xf32> to vector<10000x1xf32>
    %add3A = arith.addf %get3A_3, %get3A_8 : vector<10000x1xf32>
    %add3A_9 = arith.constant 1.000000e+00 : f32
    %add3A_10 = vector.broadcast %add3A_9 : f32 to vector<10000x1xf32>
    %add3A_11 = arith.addf %add3A, %add3A_10 : vector<10000x1xf32>
    %sqrt3A = math.sqrt %add3A_11 : vector<10000x1xf32>
    %div3A = arith.constant 1.000000e+00 : f32
    %div3A_12 = vector.broadcast %div3A : f32 to vector<10000x1xf32>
    %div3A_13 = arith.divf %div3A_12, %sqrt3A : vector<10000x1xf32>
    %get3A_14 = arith.constant 0 : index
    %get3A_15 = arith.constant 0 : index
    %get3A_16 = vector.load %arg0[%get3A_14, %get3A_15] : memref<10000x128xf32, #tpu.memory_space<vmem>>, vector<10000x128xf32>
    %mul3A = vector.broadcast %div3A_13 : vector<10000x1xf32> to vector<10000x128xf32>
    %mul3A_17 = arith.mulf %mul3A, %get3A_16 : vector<10000x128xf32>
    %swap3A = arith.constant 0 : index
    %swap3A_18 = arith.constant 0 : index
    %swap3A_19 = vector.load %arg2[%swap3A, %swap3A_18] : memref<10000x128xf32, #tpu.memory_space<vmem>>, vector<10000x128xf32>
    tpu.vector_store %arg2[%swap3A, %swap3A_18], %mul3A_17 {strides = array<i32>} : memref<10000x128xf32, #tpu.memory_space<vmem>>, vector<10000x128xf32>,
    return
  }
}

module attributes {stable_mosaic.version = 14 : i64} {
  func.func @_tc_xw_body(%arg0: memref<10000x128xf32, #tpu.memory_space<vmem>>, %arg1: memref<128x128xf32, #tpu.memory_space<vmem>>, %arg2: memref<10000x128xf32, #tpu.memory_space<vmem>>) attributes {dimension_semantics = [], scalar_prefetch = 0 : i64, scratch_operands = 0 : i64, tpu.core_type = #tpu.core_type<tc>} {
    %get3A = arith.constant 0 : index
    %get3A_0 = arith.constant 0 : index
    %get3A_1 = vector.load %arg0[%get3A, %get3A_0] : memref<10000x128xf32, #tpu.memory_space<vmem>>, vector<10000x128xf32>
    %get3A_2 = arith.constant 0 : index
    %get3A_3 = arith.constant 0 : index
    %get3A_4 = vector.load %arg1[%get3A_2, %get3A_3] : memref<128x128xf32, #tpu.memory_space<vmem>>, vector<128x128xf32>
    %dot_general3A = arith.constant dense<0.000000e+00> : vector<10000x128xf32>
    %dot_general3A_5 = tpu.matmul %get3A_1, %get3A_4, %dot_general3A {dimension_numbers = #tpu.dot_dimension_numbers<[1], [1], [0], [0], [0, 0, 1, 0], [], []>, transpose_lhs_hint = false} : vector<10000x128xf32>, vector<128x128xf32>, vector<10000x128xf32> -> vector<10000x128xf32>
    %swap3A = arith.constant 0 : index
    %swap3A_6 = arith.constant 0 : index
    %swap3A_7 = vector.load %arg2[%swap3A, %swap3A_6] : memref<10000x128xf32, #tpu.memory_space<vmem>>, vector<10000x128xf32>
    tpu.vector_store %arg2[%swap3A, %swap3A_6], %dot_general3A_5 {strides = array<i32>} : memref<10000x128xf32, #tpu.memory_space<vmem>>, vector<10000x128xf32>,
    return
  }
}

module attributes {stable_mosaic.version = 14 : i64} {
  func.func @_tc_mid_body(%arg0: memref<2x10000x128xf32, #tpu.memory_space<vmem>>, %arg1: memref<10000x128xf32, #tpu.memory_space<vmem>>, %arg2: memref<2x10000x128xf32, #tpu.memory_space<vmem>>, %arg3: memref<1x128xf32, #tpu.memory_space<vmem>>, %arg4: memref<1x128xf32, #tpu.memory_space<vmem>>, %arg5: memref<1x128xf32, #tpu.memory_space<vmem>>, %arg6: memref<128x128xf32, #tpu.memory_space<vmem>>, %arg7: memref<10000x128xf32, #tpu.memory_space<vmem>>) attributes {dimension_semantics = [], scalar_prefetch = 0 : i64, scratch_operands = 0 : i64, tpu.core_type = #tpu.core_type<tc>} {
    %get3A = arith.constant 0 : index
    %get3A_0 = arith.constant 0 : index
    %get3A_1 = arith.constant 0 : index
    %get3A_2 = vector.load %arg2[%get3A, %get3A_0, %get3A_1] : memref<2x10000x128xf32, #tpu.memory_space<vmem>>, vector<1x10000x1xf32>
    %get3A_3 = vector.shape_cast %get3A_2 : vector<1x10000x1xf32> to vector<10000x1xf32>
    %get3A_4 = arith.constant 1 : index
    %get3A_5 = arith.constant 0 : index
    %get3A_6 = arith.constant 0 : index
    %get3A_7 = vector.load %arg2[%get3A_4, %get3A_5, %get3A_6] : memref<2x10000x128xf32, #tpu.memory_space<vmem>>, vector<1x10000x1xf32>
    %get3A_8 = vector.shape_cast %get3A_7 : vector<1x10000x1xf32> to vector<10000x1xf32>
    %add3A = arith.addf %get3A_3, %get3A_8 : vector<10000x1xf32>
    %add3A_9 = arith.constant 1.000000e+00 : f32
    %add3A_10 = vector.broadcast %add3A_9 : f32 to vector<10000x1xf32>
    %add3A_11 = arith.addf %add3A, %add3A_10 : vector<10000x1xf32>
    %sqrt3A = math.sqrt %add3A_11 : vector<10000x1xf32>
    %div3A = arith.constant 1.000000e+00 : f32
    %div3A_12 = vector.broadcast %div3A : f32 to vector<10000x1xf32>
    %div3A_13 = arith.divf %div3A_12, %sqrt3A : vector<10000x1xf32>
    %get3A_14 = arith.constant 0 : index
    %get3A_15 = arith.constant 0 : index
    %get3A_16 = arith.constant 0 : index
    %get3A_17 = vector.load %arg0[%get3A_14, %get3A_15, %get3A_16] : memref<2x10000x128xf32, #tpu.memory_space<vmem>>, vector<1x10000x128xf32>
    %get3A_18 = vector.shape_cast %get3A_17 : vector<1x10000x128xf32> to vector<10000x128xf32>
    %get3A_19 = arith.constant 1 : index
    %get3A_20 = arith.constant 0 : index
    %get3A_21 = arith.constant 0 : index
    %get3A_22 = vector.load %arg0[%get3A_19, %get3A_20, %get3A_21] : memref<2x10000x128xf32, #tpu.memory_space<vmem>>, vector<1x10000x128xf32>
    %get3A_23 = vector.shape_cast %get3A_22 : vector<1x10000x128xf32> to vector<10000x128xf32>
    %add3A_24 = arith.addf %get3A_18, %get3A_23 : vector<10000x128xf32>
    %get3A_25 = arith.constant 0 : index
    %get3A_26 = arith.constant 0 : index
    %get3A_27 = vector.load %arg1[%get3A_25, %get3A_26] : memref<10000x128xf32, #tpu.memory_space<vmem>>, vector<10000x128xf32>
    %add3A_28 = arith.addf %add3A_24, %get3A_27 : vector<10000x128xf32>
    %mul3A = vector.broadcast %div3A_13 : vector<10000x1xf32> to vector<10000x128xf32>
    %mul3A_29 = arith.mulf %mul3A, %add3A_28 : vector<10000x128xf32>
    %get3A_30 = arith.constant 0 : index
    %get3A_31 = arith.constant 0 : index
    %get3A_32 = vector.load %arg3[%get3A_30, %get3A_31] : memref<1x128xf32, #tpu.memory_space<vmem>>, vector<1x128xf32>
    %add3A_33 = vector.broadcast %get3A_32 : vector<1x128xf32> to vector<10000x128xf32>
    %add3A_34 = arith.addf %mul3A_29, %add3A_33 : vector<10000x128xf32>
    %reduce_sum3A = arith.constant dense<0.000000e+00> : vector<10000xf32>
    %reduce_sum3A_35 = vector.multi_reduction <add>, %add3A_34, %reduce_sum3A [1] : vector<10000x128xf32> to vector<10000xf32>
    %broadcast_in_dim3A = vector.shape_cast %reduce_sum3A_35 : vector<10000xf32> to vector<10000x1xf32>
    %div3A_36 = arith.constant 1.280000e+02 : f32
    %div3A_37 = vector.broadcast %div3A_36 : f32 to vector<10000x1xf32>
    %div3A_38 = arith.divf %broadcast_in_dim3A, %div3A_37 : vector<10000x1xf32>
    %sub3A = vector.broadcast %div3A_38 : vector<10000x1xf32> to vector<10000x128xf32>
    %sub3A_39 = arith.subf %add3A_34, %sub3A : vector<10000x128xf32>
    %mul3A_40 = arith.mulf %sub3A_39, %sub3A_39 : vector<10000x128xf32>
    %reduce_sum3A_41 = arith.constant dense<0.000000e+00> : vector<10000xf32>
    %reduce_sum3A_42 = vector.multi_reduction <add>, %mul3A_40, %reduce_sum3A_41 [1] : vector<10000x128xf32> to vector<10000xf32>
    %broadcast_in_dim3A_43 = vector.shape_cast %reduce_sum3A_42 : vector<10000xf32> to vector<10000x1xf32>
    %div3A_44 = arith.constant 1.280000e+02 : f32
    %div3A_45 = vector.broadcast %div3A_44 : f32 to vector<10000x1xf32>
    %div3A_46 = arith.divf %broadcast_in_dim3A_43, %div3A_45 : vector<10000x1xf32>
    %add3A_47 = arith.constant 9.99999974E-6 : f32
    %add3A_48 = vector.broadcast %add3A_47 : f32 to vector<10000x1xf32>
    %add3A_49 = arith.addf %div3A_46, %add3A_48 : vector<10000x1xf32>
    %sqrt3A_50 = math.sqrt %add3A_49 : vector<10000x1xf32>
    %div3A_51 = vector.broadcast %sqrt3A_50 : vector<10000x1xf32> to vector<10000x128xf32>
    %div3A_52 = arith.divf %sub3A_39, %div3A_51 : vector<10000x128xf32>
    %get3A_53 = arith.constant 0 : index
    %get3A_54 = arith.constant 0 : index
    %get3A_55 = vector.load %arg4[%get3A_53, %get3A_54] : memref<1x128xf32, #tpu.memory_space<vmem>>, vector<1x128xf32>
    %mul3A_56 = vector.broadcast %get3A_55 : vector<1x128xf32> to vector<10000x128xf32>
    %mul3A_57 = arith.mulf %div3A_52, %mul3A_56 : vector<10000x128xf32>
    %get3A_58 = arith.constant 0 : index
    %get3A_59 = arith.constant 0 : index
    %get3A_60 = vector.load %arg5[%get3A_58, %get3A_59] : memref<1x128xf32, #tpu.memory_space<vmem>>, vector<1x128xf32>
    %add3A_61 = vector.broadcast %get3A_60 : vector<1x128xf32> to vector<10000x128xf32>
    %add3A_62 = arith.addf %mul3A_57, %add3A_61 : vector<10000x128xf32>
    %mul3A_63 = arith.constant 5.000000e-01 : f32
    %mul3A_64 = vector.broadcast %mul3A_63 : f32 to vector<10000x128xf32>
    %mul3A_65 = arith.mulf %add3A_62, %mul3A_64 : vector<10000x128xf32>
    %mul3A_66 = arith.constant 0.707106769 : f32
    %mul3A_67 = vector.broadcast %mul3A_66 : f32 to vector<10000x128xf32>
    %mul3A_68 = arith.mulf %add3A_62, %mul3A_67 : vector<10000x128xf32>
    %erf3A = math.erf %mul3A_68 : vector<10000x128xf32>
    %add3A_69 = arith.constant 1.000000e+00 : f32
    %add3A_70 = vector.broadcast %add3A_69 : f32 to vector<10000x128xf32>
    %add3A_71 = arith.addf %add3A_70, %erf3A : vector<10000x128xf32>
    %mul3A_72 = arith.mulf %mul3A_65, %add3A_71 : vector<10000x128xf32>
    %get3A_73 = arith.constant 0 : index
    %get3A_74 = arith.constant 0 : index
    %get3A_75 = vector.load %arg6[%get3A_73, %get3A_74] : memref<128x128xf32, #tpu.memory_space<vmem>>, vector<128x128xf32>
    %dot_general3A = arith.constant dense<0.000000e+00> : vector<10000x128xf32>
    %dot_general3A_76 = tpu.matmul %mul3A_72, %get3A_75, %dot_general3A {dimension_numbers = #tpu.dot_dimension_numbers<[1], [1], [0], [0], [0, 0, 1, 0], [], []>, transpose_lhs_hint = false} : vector<10000x128xf32>, vector<128x128xf32>, vector<10000x128xf32> -> vector<10000x128xf32>
    %mul3A_77 = vector.broadcast %div3A_13 : vector<10000x1xf32> to vector<10000x128xf32>
    %mul3A_78 = arith.mulf %mul3A_77, %dot_general3A_76 : vector<10000x128xf32>
    %swap3A = arith.constant 0 : index
    %swap3A_79 = arith.constant 0 : index
    %swap3A_80 = vector.load %arg7[%swap3A, %swap3A_79] : memref<10000x128xf32, #tpu.memory_space<vmem>>, vector<10000x128xf32>
    tpu.vector_store %arg7[%swap3A, %swap3A_79], %mul3A_78 {strides = array<i32>} : memref<10000x128xf32, #tpu.memory_space<vmem>>, vector<10000x128xf32>,
    return
  }
}

module attributes {stable_mosaic.version = 14 : i64} {
  func.func @_tc_out_body(%arg0: memref<2x10000x128xf32, #tpu.memory_space<vmem>>, %arg1: memref<10000x128xf32, #tpu.memory_space<vmem>>, %arg2: memref<2x10000x128xf32, #tpu.memory_space<vmem>>, %arg3: memref<1x128xf32, #tpu.memory_space<vmem>>, %arg4: memref<1x128xf32, #tpu.memory_space<vmem>>, %arg5: memref<1x128xf32, #tpu.memory_space<vmem>>, %arg6: memref<1x128xf32, #tpu.memory_space<vmem>>, %arg7: memref<1x1xf32, #tpu.memory_space<vmem>>, %arg8: memref<10000x1xf32, #tpu.memory_space<vmem>>) attributes {dimension_semantics = [], scalar_prefetch = 0 : i64, scratch_operands = 0 : i64, tpu.core_type = #tpu.core_type<tc>} {
    %get3A = arith.constant 0 : index
    %get3A_0 = arith.constant 0 : index
    %get3A_1 = arith.constant 0 : index
    %get3A_2 = vector.load %arg2[%get3A, %get3A_0, %get3A_1] : memref<2x10000x128xf32, #tpu.memory_space<vmem>>, vector<1x10000x1xf32>
    %get3A_3 = vector.shape_cast %get3A_2 : vector<1x10000x1xf32> to vector<10000x1xf32>
    %get3A_4 = arith.constant 1 : index
    %get3A_5 = arith.constant 0 : index
    %get3A_6 = arith.constant 0 : index
    %get3A_7 = vector.load %arg2[%get3A_4, %get3A_5, %get3A_6] : memref<2x10000x128xf32, #tpu.memory_space<vmem>>, vector<1x10000x1xf32>
    %get3A_8 = vector.shape_cast %get3A_7 : vector<1x10000x1xf32> to vector<10000x1xf32>
    %add3A = arith.addf %get3A_3, %get3A_8 : vector<10000x1xf32>
    %add3A_9 = arith.constant 1.000000e+00 : f32
    %add3A_10 = vector.broadcast %add3A_9 : f32 to vector<10000x1xf32>
    %add3A_11 = arith.addf %add3A, %add3A_10 : vector<10000x1xf32>
    %sqrt3A = math.sqrt %add3A_11 : vector<10000x1xf32>
    %div3A = arith.constant 1.000000e+00 : f32
    %div3A_12 = vector.broadcast %div3A : f32 to vector<10000x1xf32>
    %div3A_13 = arith.divf %div3A_12, %sqrt3A : vector<10000x1xf32>
    %get3A_14 = arith.constant 0 : index
    %get3A_15 = arith.constant 0 : index
    %get3A_16 = arith.constant 0 : index
    %get3A_17 = vector.load %arg0[%get3A_14, %get3A_15, %get3A_16] : memref<2x10000x128xf32, #tpu.memory_space<vmem>>, vector<1x10000x128xf32>
    %get3A_18 = vector.shape_cast %get3A_17 : vector<1x10000x128xf32> to vector<10000x128xf32>
    %get3A_19 = arith.constant 1 : index
    %get3A_20 = arith.constant 0 : index
    %get3A_21 = arith.constant 0 : index
    %get3A_22 = vector.load %arg0[%get3A_19, %get3A_20, %get3A_21] : memref<2x10000x128xf32, #tpu.memory_space<vmem>>, vector<1x10000x128xf32>
    %get3A_23 = vector.shape_cast %get3A_22 : vector<1x10000x128xf32> to vector<10000x128xf32>
    %add3A_24 = arith.addf %get3A_18, %get3A_23 : vector<10000x128xf32>
    %get3A_25 = arith.constant 0 : index
    %get3A_26 = arith.constant 0 : index
    %get3A_27 = vector.load %arg1[%get3A_25, %get3A_26] : memref<10000x128xf32, #tpu.memory_space<vmem>>, vector<10000x128xf32>
    %add3A_28 = arith.addf %add3A_24, %get3A_27 : vector<10000x128xf32>
    %mul3A = vector.broadcast %div3A_13 : vector<10000x1xf32> to vector<10000x128xf32>
    %mul3A_29 = arith.mulf %mul3A, %add3A_28 : vector<10000x128xf32>
    %get3A_30 = arith.constant 0 : index
    %get3A_31 = arith.constant 0 : index
    %get3A_32 = vector.load %arg3[%get3A_30, %get3A_31] : memref<1x128xf32, #tpu.memory_space<vmem>>, vector<1x128xf32>
    %add3A_33 = vector.broadcast %get3A_32 : vector<1x128xf32> to vector<10000x128xf32>
    %add3A_34 = arith.addf %mul3A_29, %add3A_33 : vector<10000x128xf32>
    %reduce_sum3A = arith.constant dense<0.000000e+00> : vector<10000xf32>
    %reduce_sum3A_35 = vector.multi_reduction <add>, %add3A_34, %reduce_sum3A [1] : vector<10000x128xf32> to vector<10000xf32>
    %broadcast_in_dim3A = vector.shape_cast %reduce_sum3A_35 : vector<10000xf32> to vector<10000x1xf32>
    %div3A_36 = arith.constant 1.280000e+02 : f32
    %div3A_37 = vector.broadcast %div3A_36 : f32 to vector<10000x1xf32>
    %div3A_38 = arith.divf %broadcast_in_dim3A, %div3A_37 : vector<10000x1xf32>
    %sub3A = vector.broadcast %div3A_38 : vector<10000x1xf32> to vector<10000x128xf32>
    %sub3A_39 = arith.subf %add3A_34, %sub3A : vector<10000x128xf32>
    %mul3A_40 = arith.mulf %sub3A_39, %sub3A_39 : vector<10000x128xf32>
    %reduce_sum3A_41 = arith.constant dense<0.000000e+00> : vector<10000xf32>
    %reduce_sum3A_42 = vector.multi_reduction <add>, %mul3A_40, %reduce_sum3A_41 [1] : vector<10000x128xf32> to vector<10000xf32>
    %broadcast_in_dim3A_43 = vector.shape_cast %reduce_sum3A_42 : vector<10000xf32> to vector<10000x1xf32>
    %div3A_44 = arith.constant 1.280000e+02 : f32
    %div3A_45 = vector.broadcast %div3A_44 : f32 to vector<10000x1xf32>
    %div3A_46 = arith.divf %broadcast_in_dim3A_43, %div3A_45 : vector<10000x1xf32>
    %add3A_47 = arith.constant 9.99999974E-6 : f32
    %add3A_48 = vector.broadcast %add3A_47 : f32 to vector<10000x1xf32>
    %add3A_49 = arith.addf %div3A_46, %add3A_48 : vector<10000x1xf32>
    %sqrt3A_50 = math.sqrt %add3A_49 : vector<10000x1xf32>
    %div3A_51 = vector.broadcast %sqrt3A_50 : vector<10000x1xf32> to vector<10000x128xf32>
    %div3A_52 = arith.divf %sub3A_39, %div3A_51 : vector<10000x128xf32>
    %get3A_53 = arith.constant 0 : index
    %get3A_54 = arith.constant 0 : index
    %get3A_55 = vector.load %arg4[%get3A_53, %get3A_54] : memref<1x128xf32, #tpu.memory_space<vmem>>, vector<1x128xf32>
    %mul3A_56 = vector.broadcast %get3A_55 : vector<1x128xf32> to vector<10000x128xf32>
    %mul3A_57 = arith.mulf %div3A_52, %mul3A_56 : vector<10000x128xf32>
    %get3A_58 = arith.constant 0 : index
    %get3A_59 = arith.constant 0 : index
    %get3A_60 = vector.load %arg5[%get3A_58, %get3A_59] : memref<1x128xf32, #tpu.memory_space<vmem>>, vector<1x128xf32>
    %add3A_61 = vector.broadcast %get3A_60 : vector<1x128xf32> to vector<10000x128xf32>
    %add3A_62 = arith.addf %mul3A_57, %add3A_61 : vector<10000x128xf32>
    %mul3A_63 = arith.constant 5.000000e-01 : f32
    %mul3A_64 = vector.broadcast %mul3A_63 : f32 to vector<10000x128xf32>
    %mul3A_65 = arith.mulf %add3A_62, %mul3A_64 : vector<10000x128xf32>
    %mul3A_66 = arith.constant 0.707106769 : f32
    %mul3A_67 = vector.broadcast %mul3A_66 : f32 to vector<10000x128xf32>
    %mul3A_68 = arith.mulf %add3A_62, %mul3A_67 : vector<10000x128xf32>
    %erf3A = math.erf %mul3A_68 : vector<10000x128xf32>
    %add3A_69 = arith.constant 1.000000e+00 : f32
    %add3A_70 = vector.broadcast %add3A_69 : f32 to vector<10000x128xf32>
    %add3A_71 = arith.addf %add3A_70, %erf3A : vector<10000x128xf32>
    %mul3A_72 = arith.mulf %mul3A_65, %add3A_71 : vector<10000x128xf32>
    %get3A_73 = arith.constant 0 : index
    %get3A_74 = arith.constant 0 : index
    %get3A_75 = vector.load %arg6[%get3A_73, %get3A_74] : memref<1x128xf32, #tpu.memory_space<vmem>>, vector<1x128xf32>
    %mul3A_76 = vector.broadcast %get3A_75 : vector<1x128xf32> to vector<10000x128xf32>
    %mul3A_77 = arith.mulf %mul3A_72, %mul3A_76 : vector<10000x128xf32>
    %reduce_sum3A_78 = arith.constant dense<0.000000e+00> : vector<10000xf32>
    %reduce_sum3A_79 = vector.multi_reduction <add>, %mul3A_77, %reduce_sum3A_78 [1] : vector<10000x128xf32> to vector<10000xf32>
    %broadcast_in_dim3A_80 = vector.shape_cast %reduce_sum3A_79 : vector<10000xf32> to vector<10000x1xf32>
    %get3A_81 = arith.constant 0 : index
    %get3A_82 = arith.constant 0 : index
    %get3A_83 = vector.load %arg7[%get3A_81, %get3A_82] : memref<1x1xf32, #tpu.memory_space<vmem>>, vector<1x1xf32>
    %add3A_84 = vector.broadcast %get3A_83 : vector<1x1xf32> to vector<10000x1xf32>
    %add3A_85 = arith.addf %broadcast_in_dim3A_80, %add3A_84 : vector<10000x1xf32>
    %swap3A = arith.constant 0 : index
    %swap3A_86 = arith.constant 0 : index
    %swap3A_87 = vector.load %arg8[%swap3A, %swap3A_86] : memref<10000x1xf32, #tpu.memory_space<vmem>>, vector<10000x1xf32>
    tpu.vector_store %arg8[%swap3A, %swap3A_86], %add3A_85 {strides = array<i32>} : memref<10000x1xf32, #tpu.memory_space<vmem>>, vector<10000x1xf32>,
    return
  }
}

</mosaic_0001>

<sc_bundles>
// kernel: kernel.11.cloned.1.call-start
scs
__scs_entry_jumppad:
0x0: {  	(pc) =	sbr.rel $0x88, $3  }
0x1: {  	(tag) =	ssettag $0x0;
	lr =	simm.s32 $0x1  }
0x2: {  	[smem:$0x3F91] =	sst lr;
	_ =	strace $0xD0000000  }
0x3: {  	_ = 	snop  }
0x4: {  	_ = 	snop  }
0x5: {  	_ = 	snop  }
0x6: {  	_ = 	snop  }
0x7: {  	_ = 	snop  }
__scs_overlays_trampoline_lowered:
0x8: {  	[smem:$0x3FA0] =	sst s0  }
0x9: {  	[smem:$0x3FA1] =	sst s1  }
0xa: {  	[smem:$0x3FA2] =	sst s2  }
0xb: {  	[smem:$0x3FA3] =	sst s3  }
0xc: {  	[smem:$0x3FA4] =	sst s4  }
0xd: {  	[smem:$0x3FA5] =	sst s5  }
0xe: {  	[smem:$0x3FA6] =	sst s6  }
0xf: {  	[smem:$0x3FA7] =	sst s7  }
0x10: {  	[smem:$0x3FA8] =	sst s8  }
0x11: {  	[smem:$0x3FA9] =	sst s9;
	s0 =	simm.s32 @!p0 $0x0  }
0x12: {  	s1 =	sld [smem:$0x3F8F];
	s0 =	simm.s32 @p0 $0x1  }
0x13: {  	[smem:$0x3FAA] =	sst s0;
	s0 =	simm.s32 @!p1 $0x0  }
0x14: {  	s2 =	sld [smem:$0x3F8E];
	s0 =	simm.s32 @p1 $0x1  }
0x15: {  	[smem:$0x3FAB] =	sst s0;
	s0 =	simm.s32 @!p2 $0x0  }
0x16: {  	s3 =	sld [smem:$0x3FDB];
	s0 =	simm.s32 @p2 $0x1  }
0x17: {  	s4 =	simm.s32 $0x1BF5;
	[smem:$0x3FAD] =	sst s0  }
0x18: {  	s0 =	sld [smem:$0x3F90];
	_ =	swait.ge [sflag:s4], $0x0  }
0x19: {  	s7 =	sld [smem:$0x3F91]  }
0x1a: {  	s8 =	sadd.s32 $0xFFFFE003, lr  }
0x1b: {  	s9 =	sadd.s32 $0xFFFFFEF7, lr;
	s5 =	simm.s32 $0xFFFFFFFF;
	p2 =	slt.u32 s8, $0xFFFFF086  }
0x1c: {  	p1 =	slt.u32 s9, $0xF7A;
	s5 =	simm.s32 @!p2 $0x0  }
0x1d: {  	s5 =	simm.s32 @p1 $0x1;
	p0 =	seq.s32 s7, s2  }
0x1e: {  	s7 =	smul.u32 @!p0 $0xF7A, s2;
	p2 =	seq.s32 @!p0 s5, $0x0  }
0x1f: {  	s9 =	smul.u32 $0xF7A, s1;
	s8 =	simm.s32 @!p0 $0x1BF5;
	p2 =	por !p2, p0  }
0x20: {  	[sflag:s8] =	ssyncset.s32 @!p0 $0xFFFFF086;
	s6 =	sadd.s32 @!p0 s3, s7;
	s7 =	simm.s32 @!p0 $0x108  }
0x21: {  	s3 =	sadd.s32 s3, s9;
	s6 =	sadd.s32 @!p0 $0x88, s6;
	s7 =	simm.s32 @p2 $0x1082  }
0x22: {  	[simem:s7], [sflag:s8] =	dma.local @!p0 [hbm:s6], $0xF7A  }
0x23: {  	s9 =	sor.u32 $0xD0000000, s2;
	s6 =	simm.s32 $0x108;
	_ =	swait.ge @!p0 [sflag:s8], $0x0  }
0x24: {  	s3 =	sadd.s32 $0x88, s3;
	s6 =	simm.s32 @!p1 $0x1082;
	[sflag:s4] =	ssyncset.s32 $0xFFFFF086  }
0x25: {  	[simem:s6], [sflag:s4] =	dma.local [hbm:s3], $0xF7A  }
0x26: {  	[smem:$0x3F91] =	sst s1;
	(tag) =	ssettag s2;
	_ =	strace s9  }
0x27: {  	s1 =	sld [smem:$0x3FA1]  }
0x28: {  	s2 =	sld [smem:$0x3FA2]  }
0x29: {  	s4 =	sld [smem:$0x3FA4]  }
0x2a: {  	p0 =	seq.s32 s5, $0x0;
	s5 =	sld [smem:$0x3FA5]  }
0x2b: {  	s6 =	sld [smem:$0x3FA6]  }
0x2c: {  	s7 =	sld [smem:$0x3FA7]  }
0x2d: {  	s3 =	simm.s32 $0x108;
	s8 =	sld [smem:$0x3FA8]  }
0x2e: {  	s3 =	simm.s32 @!p0 $0x1082;
	s9 =	sld [smem:$0x3FA9]  }
0x2f: {  	lr =	sadd.s32 s0, s3;
	s0 =	sld [smem:$0x3FA0]  }
0x30: {  	s3 =	sld [smem:$0x3FA3]  }
0x31: {  	[smem:$0x3FAC] =	sst s10  }
0x32: {  	s10 =	sld [smem:$0x3FAA];
	_ =	sdelay $0x3  }
0x33: {  	p0 =	seq.s32 s10, $0x1;
	s10 =	sld [smem:$0x3FAC];
	_ =	sdelay $0x3  }
0x34: {  	[smem:$0x3FAC] =	sst s10  }
0x35: {  	s10 =	sld [smem:$0x3FAB];
	_ =	sdelay $0x3  }
0x36: {  	p1 =	seq.s32 s10, $0x1;
	s10 =	sld [smem:$0x3FAC];
	_ =	sdelay $0x3  }
0x37: {  	[smem:$0x3FAC] =	sst s10  }
0x38: {  	s10 =	sld [smem:$0x3FAD]  }
0x39: {  	_ = 	snop;
	(pc) =	sbr.ind lr, $3  }
0x3a: {  	_ = 	snop  }
0x3b: {  	_ = 	snop  }
0x3c: {  	p2 =	seq.s32 s10, $0x1;
	s10 =	sld [smem:$0x3FAC]  }
0x3d: {  	_ =	shalt  }
0x3e: {  	_ =	shalt  }
0x3f: {  	_ =	shalt  }
0x40: {  	_ =	shalt  }
0x41: {  	_ =	shalt  }
0x42: {  	_ =	shalt  }
0x43: {  	_ =	shalt  }
0x44: {  	_ =	shalt  }
0x45: {  	_ =	shalt  }
0x46: {  	_ =	shalt  }
0x47: {  	_ =	shalt  }
0x48: {  	_ =	shalt  }
0x49: {  	_ =	shalt  }
0x4a: {  	_ =	shalt  }
0x4b: {  	_ =	shalt  }
0x4c: {  	_ =	shalt  }
0x4d: {  	_ =	shalt  }
0x4e: {  	_ =	shalt  }
0x4f: {  	_ =	shalt  }
0x50: {  	_ =	shalt  }
0x51: {  	_ =	shalt  }
0x52: {  	_ =	shalt  }
0x53: {  	_ =	shalt  }
0x54: {  	_ =	shalt  }
0x55: {  	_ =	shalt  }
0x56: {  	_ =	shalt  }
0x57: {  	_ =	shalt  }
0x58: {  	_ =	shalt  }
0x59: {  	_ =	shalt  }
0x5a: {  	_ =	shalt  }
0x5b: {  	_ =	shalt  }
0x5c: {  	_ =	shalt  }
0x5d: {  	_ =	shalt  }
0x5e: {  	_ =	shalt  }
0x5f: {  	_ =	shalt  }
0x60: {  	_ =	shalt  }
0x61: {  	_ =	shalt  }
0x62: {  	_ =	shalt  }
0x63: {  	_ =	shalt  }
0x64: {  	_ =	shalt  }
0x65: {  	_ =	shalt  }
0x66: {  	_ =	shalt  }
0x67: {  	_ =	shalt  }
0x68: {  	_ =	shalt  }
0x69: {  	_ =	shalt  }
0x6a: {  	_ =	shalt  }
0x6b: {  	_ =	shalt  }
0x6c: {  	_ =	shalt  }
0x6d: {  	_ =	shalt  }
0x6e: {  	_ =	shalt  }
0x6f: {  	_ =	shalt  }
0x70: {  	_ =	shalt  }
0x71: {  	_ =	shalt  }
0x72: {  	_ =	shalt  }
0x73: {  	_ =	shalt  }
0x74: {  	_ =	shalt  }
0x75: {  	_ =	shalt  }
0x76: {  	_ =	shalt  }
0x77: {  	_ =	shalt  }
0x78: {  	_ =	shalt  }
0x79: {  	_ =	shalt  }
0x7a: {  	_ =	shalt  }
0x7b: {  	_ =	shalt  }
0x7c: {  	_ =	shalt  }
0x7d: {  	_ =	shalt  }
0x7e: {  	_ =	shalt  }
0x7f: {  	_ =	shalt  }
0x80: {  	_ =	shalt  }
0x81: {  	_ =	shalt  }
0x82: {  	_ =	shalt  }
0x83: {  	_ =	shalt  }
0x84: {  	_ =	shalt  }
0x85: {  	_ =	shalt  }
0x86: {  	_ =	shalt  }
0x87: {  	_ =	shalt  }
.Lfunc_end0:
.L_simem_size_0:
called_computation_lowered:
.L_overlay_start_0:
0x88: {  	s2 =	sld [smem:$0x3FD9]  }
0x89: {  	s3 =	sld [smem:$0x3FFE];
	_ =	sdelay $0x1  }
0x8a: {  	s1 =	srdreg.scid  }
0x8b: {  	s0 =	sand.u32 $0x1, s1  }
0x8c: {  	s16 =	sshll.u32 s0, $0xA;
	s2 =	sadd.s32 s3, s2  }
0x8d: {  	s2 =	sadd.s32 s2, s16  }
0x8e: {  	[smem:$0x3FB8] =	sst s2  }
0x8f: {  	_ = 	snop  }
0x90: {  	(tm) =	ssettm $0x1  }
0x91: {  	s17 =	sld [smem:$0x3FFB];
	_ =	sdelay $0x3  }
0x92: {  	_ =	strace s17  }
0x93: {  	s2 =	sld [smem:$0x3FFC];
	_ =	sdelay $0x3  }
0x94: {  	_ =	strace s2  }
0x95: {  	s2 =	sld [smem:$0x3FFD];
	_ =	sdelay $0x3  }
0x96: {  	_ =	strace s2  }
0x97: {  	_ =	strace $0x8FFFFFFF  }
0x98: {  	s18 =	sld [smem:$0x3FDB];
	_ =	sdelay $0x1  }
0x99: {  	s19 =	simm.s32 $_scs_section_size  }
0x9a: {  	s4 =	simm.s32 $_size__tile_overlayer_lowered;
	s5 =	simm.s32 $_tile_overlayer_lowered  }
0x9b: {  	s22 =	simm.s32 $0x1BFF;
	s21 =	sshll.u32 s5, $0x1;
	s2 =	sadd.s32 s19, s18  }
0x9c: {  	s6 =	simm.s32 $0x0;
	s20 =	sshll.u32 s4, $0x1;
	s4 =	sadd.s32 s21, s2  }
0x9d: {  	[timem:s6], [sflag:s22] =	dma.local [hbm:s4], s20  }
0x9e: {  	_ =	swait.ge [sflag:s22], s20  }
0x9f: {  	s3 =	ssub.s32 $0x0, s20;
	[sflag:s22] =	ssyncset.done $0x0  }
0xa0: {  	[sflag:s22] =	ssyncadd.s32 s3;
	_ =	sdelay $0x1  }
0xa1: {  	s23 =	simm.s32 $0x1B8B  }
0xa2: {  	_ =	swait.ge [sflag:s23], $0x1  }
0xa3: {  	[sflag:s23] =	ssyncset.done $0x0  }
0xa4: {  	s25 =	simm.s32 $0x1B8E;
	s24 =	sld [smem:$0x3FFE];
	[sflag:s23] =	ssyncadd.s32 $0xFFFFFFFF  }
0xa5: {  	s26 =	simm.s32 $execute0_lowered;
	[smem:$0x3FD2] =	sst s25  }
0xa6: {  	s4 =	sshll.u32 s26, $0x1;
	_ =	strace $0x80000046;
	[dreg:$0x1] =	wrdreg $0xFFFFFFFF  }
0xa7: {  	s28 =	simm.s32 $_size_execute0_lowered;
	s2 =	sadd.s32 s2, s4;
	[dreg:$0x0] =	wrdreg $0x0  }
0xa8: {  	s4 =	sshll.u32 s28, $0x1;
	[dreg:$0x2] =	wrdreg s2  }
0xa9: {  	[dreg:$0x3] =	wrdreg s4  }
0xaa: {  	[dreg:$0x4] =	wrdreg $0xC0  }
0xab: {  	_ =	task [dreg:s6], $0x5FFFF  }
0xac: {  	[dreg:$0x1] =	wrdreg $0xFFFFFFFF  }
0xad: {  	[dreg:$0x0] =	wrdreg $0x60  }
0xae: {  	[dreg:$0x2] =	wrdreg s24  }
0xaf: {  	[dreg:$0x3] =	wrdreg $0x68000  }
0xb0: {  	[dreg:$0x4] =	wrdreg $0x9  }
0xb1: {  	_ =	task.clear_ibuf [dreg:s6], $0x5FFFF;
	_ =	strace $0x90000046  }
0xb2: {  	s29 =	simm.s32 $0x9;
	_ =	strace $0x80000048  }
0xb3: {  	_ =	swait.ge [sflag:s29], $0x1  }
0xb4: {  	[sflag:s29] =	ssyncadd.s32 $0xFFFFFFFF  }
0xb5: {  	_ =	strace $0x90000048  }
0xb6: {  	_ =	sfence  }
0xb7: {  	s30 =	sld [smem:$0x0];
	_ =	sdelay $0x2  }
0xb8: {  	s31 =	sshll.u32 s1, $0xD;
	s1 =	sshrl.u32 s1, $0x2  }
0xb9: {  	s3 =	sand.u32 $0x4000, s31;
	s1 =	sadd.s32 s1, s30  }
0xba: {  	s0 =	sor.u32 s3, s0;
	s1 =	sshll.u32 s1, $0x11  }
0xbb: {  	s0 =	sor.u32 s1, s0  }
0xbc: {  	s0 =	sadd.s32 $0x8F2B, s0  }
0xbd: {  	[sflag:s0] =	ssyncadd.remote.s32 $0x1  }
0xbe: {  	_ =	sfence.sel $0xFFFF  }
0xbf: {  	[dreg:$0x0] =	wrdreg $0xFFFFFFFF;
	(pc) =	sbr.abs _section_cstart, $3  }
0xc0: {  	[dreg:$0x1] =	wrdreg $0xFFFFFFFF  }
0xc1: {  	_ =	task.clear_ibuf [dreg:s6], $0x2FFFF;
	_ =	strace $0x9FFFFFFF  }
0xc2: {  	(tm) =	ssettm $0x7FFFFFFF  }
0xc3: {  	_ =	shalt  }
tec
execute0_lowered:
.L_overlay_start_1:
0x0: {  	(tag) =	ssettag $0x1  }
0x1: {  	s1 =	srdreg.scid;
	s7 =	rddreg [dreg:$0x0]  }
0x2: {  	s0 =	stileid.u32;
	s2 =	rddreg [dreg:$0x1]  }
0x3: {  	s3 =	simm.s32 $0x0;
	s17 =	simm.s32 $0x0;
	s6 =	sand.u32 $0x1, s1  }
0x4: {  	s25 =	sshll.u32 s0, $0x1;
	s1 =	rddreg [dreg:$0x2];
	s11 =	smul.u32 $0x4F000, s0  }
0x5: {  	[smem:$0x7FF] =	sst s3;
	s10 =	sadd.s32 $0x1A600, s7;
	s30 =	smul.u32 $0x13C00, s0  }
0x6: {  	s15 =	sadd.s32 $0x128400, s2;
	s14 =	sor.u32 s6, s25;
	_ =	strace $0x80000047  }
0x7: {  	s9 =	ssub.s32 $0x2, s6;
	s28 =	smul.u32 $0x138800, s6;
	s6 =	simm.s32 $0x50  }
0x8: {  	s4 =	smul.u32 $0x13, s14;
	s5 =	smin.u32 s14, $0x11;
	s26 =	sshrl.u32 s9, $0x1  }
0x9: {  	p0 =	slt.u32 s14, $0x11;
	s29 =	sshrl.u32 s11, $0x2;
	p1 =	sgt.u32 s14, $0x10  }
0xa: {  	s14 =	simm.s32 $0x2800;
	s12 =	ssub.s32 s9, s26;
	s6 =	simm.s32 @!p0 $0x4C  }
0xb: {  	s13 =	sadd.s32 s29, s2;
	s31 =	sadd.s32 s30, s28;
	s9 =	sshrl.u32 s28, $0x3  }
0xc: {  	p0 =	seq.s32 s0, $0xF;
	s4 =	sadd.s32 s5, s4;
	s5 =	sadd.s32 $0x17600, s7  }
0xd: {  	s9 =	sadd.s32 s10, s9;
	s16 =	sshll.u32 @!p0 s0, $0x6;
	s4 =	sshll.u32 s4, $0x6  }
0xe: {  	s11 =	sshrl.u32 @p0 s15, $0x3;
	s13 =	sshrl.u32 @!p0 s13, $0x3;
	s8 =	sadd.s32 s4, s7  }
0xf: {  	s4 =	sadd.s32 $0x17E00, s7;
	s7 =	sadd.s32 $0xD840, s8;
	s8 =	sshrl.u32 s31, $0x3  }
0x10: {  	s15 =	simm.s32 $0x1;
	s9 =	sadd.s32 $0x25080, s9;
	s8 =	sadd.s32 s10, s8  }
0x11: {  	s10 =	smax.u32 s12, $0x1;
	s12 =	sor.u32 @!p0 $0x1C01, s16;
	s16 =	simm.s32 $0x80  }
.LBB2_1:
0x12: {  	s20 =	simm.s32 @p0 $0x1FC1;
	s19 =	simm.s32 @p0 $0x1  }
0x13: {  	[spmem:s11], [sflag:s20] =	dma.local @p0 [hbm:s4], $0x2080  }
0x14: {  	_ =	swait.ge @p0 [sflag:s19], $0x2080  }
0x15: {  	[sflag:s19] =	ssyncset.done @p0 $0x0  }
0x16: {  	s18 =	simm.s32 @!p0 $0x1;
	[sflag:s19] =	ssyncadd.s32 @p0 $0xFFFFDF80  }
0x17: {  	[spmem:s13], [sflag:s12] =	dma.local @!p0 [hbm:s4], $0x2780  }
0x18: {  	_ =	swait.ge @!p0 [sflag:s18], $0x2780  }
0x19: {  	[sflag:s18] =	ssyncset.done @!p0 $0x0  }
0x1a: {  	s21 =	simm.s32 @p1 $0x0;
	[sflag:s18] =	ssyncadd.s32 @!p0 $0xFFFFD880  }
0x1b: {  	[tilespmem:s21], [sflag:$0x1] =	stream.linear.gather @p1 [hbm4b:s7+s21], $0x2600, $0x38;
	[tilespmem:$0x1A080] =	vst v63  }
0x1c: {  	s21 =	simm.s32 @p1 $0x1  }
0x1d: {  	_ =	swait.ge @p1 [sflag:s21], $0x2600  }
0x1e: {  	[sflag:s21] =	ssyncset.done @p1 $0x0  }
0x1f: {  	[sflag:s21] =	ssyncadd.s32 @p1 $0xFFFFDA00;
	s21 =	simm.s32 @!p1 $0x0  }
0x20: {  	[tilespmem:s21], [sflag:$0x1] =	stream.linear.gather @!p1 [hbm4b:s7+s21], $0x2800, $0x38;
	[tilespmem:$0x1A080] =	vst v63  }
0x21: {  	s21 =	simm.s32 @!p1 $0x1  }
0x22: {  	_ =	swait.ge @!p1 [sflag:s21], $0x2800  }
0x23: {  	[sflag:s21] =	ssyncset.done @!p1 $0x0  }
0x24: {  	[sflag:s21] =	ssyncadd.s32 @!p1 $0xFFFFD800  }
0x25: {  	[tilespmem:s14], [sflag:$0x1] =	stream.linear.gather [hbm4b:s5+s3], $0x4000, $0x38;
	[tilespmem:$0x1A080] =	vst v63  }
0x26: {  	_ =	swait.ge [sflag:s15], $0x4000  }
0x27: {  	p2 =	sne.s32 s6, $0x1;
	[sflag:s15] =	ssyncset.done $0x0  }
.Ltmp0:
0x28: {  	[sflag:s15] =	ssyncadd.s32 $0xFFFFC000;
	(pc) =	sbr.rel @!p2 .LBB2_3-.Ltmp0, $4  }
0x29: {  	[bflag:$0x0] =	sbarrier.arrive $0xFFFF  }
0x2a: {  	[spmem:s2] =	stream.indirect.scatter.add.f32 [tilespmem:s14], [sflag:$0x1], $0x80, s3, s16, $0xb8;
	[tilespmem:$0x1A080] =	vst v63  }
0x2b: {  	_ =	swait.ge [sflag:s15], $0x4000  }
0x2c: {  	s22 =	simm.s32 $0x0;
	s21 =	simm.s32 $0x1;
	[sflag:s15] =	ssyncset.done $0x0  }
.LBB2_2:
0x2d: {  	s21 =	sadd.s32 $0x1, s21  }
0x2e: {  	[sflag:s15] =	ssyncadd.s32 $0xFFFFC000;
	s22 =	sadd.s32 $0x80, s22;
	p2 =	sne.s32 s6, s21  }
.Ltmp1:
0x2f: {  	(pc) =	sbr.rel @p2 .LBB2_2-.Ltmp1, $4  }
0x30: {  	_ = 	snop  }
0x31: {  	[spmem:s2] =	stream.indirect.scatter.add.f32 [tilespmem:s14], [sflag:$0x1], $0x80, s22, s16, $0xb8;
	[tilespmem:$0x1A080] =	vst v63  }
0x32: {  	_ =	swait.ge [sflag:s15], $0x4000  }
0x33: {  	[sflag:s15] =	ssyncset.done $0x0  }
.LBB2_3:
0x34: {  	[sflag:s15] =	ssyncadd.s32 $0xFFFFC000  }
0x35: {  	[bflag:$0x0] =	sbarrier.arrive $0xFFFF  }
0x36: {  	[hbm:s9], [sflag:s20] =	dma.local @p0 [spmem:s11], $0x2080  }
0x37: {  	s17 =	sadd.s32 $0x1, s17;
	_ =	swait.ge @p0 [sflag:s19], $0x2080  }
0x38: {  	p2 =	sne.s32 s17, s10;
	[sflag:s19] =	ssyncset.done @p0 $0x0  }
.Ltmp2:
0x39: {  	[sflag:s19] =	ssyncadd.s32 @p0 $0xFFFFDF80;
	(pc) =	sbr.rel @p2 .LBB2_1-.Ltmp2, $4  }
0x3a: {  	[hbm:s8], [sflag:s12] =	dma.local @!p0 [spmem:s13], $0x2780  }
0x3b: {  	_ =	swait.ge @!p0 [sflag:s18], $0x2780  }
0x3c: {  	[sflag:s18] =	ssyncset.done @!p0 $0x0  }
0x3d: {  	[sflag:s18] =	ssyncadd.s32 @!p0 $0xFFFFD880  }
0x3e: {  	_ =	sfence.sel $0x180000  }
0x3f: {  	[bflag:$0x0] =	sbarrier.arrive $0xFFFF  }
0x40: {  	p0 =	sne.s32 s0, $0x0;
	_ =	strace $0x90000047  }
0x41: {  	s0 =	sadd.s32 @!p0 $0x100000, s1;
	[bflag:$0x2] =	sbarrier.arrive $0xFFFF  }
0x42: {  	[sflag:s0] =	ssyncadd.tile.s32 @!p0 $0x1;
	_ =	shalt  }
.Lfunc_end2:
_tile_overlayer_lowered:
.L_overlay_start_2:
0x43: {  	(tag) =	ssettag $0x2  }
0x44: {  	s0 =	rddreg [dreg:$0x0];
	s2 =	stileid.u32  }
0x45: {  	s1 =	rddreg [dreg:$0x1];
	p0 =	sne.s32 s2, $0x0  }
0x46: {  	s3 =	rddreg [dreg:$0x2];
	[bflag:$0x3] =	sbarrier.arrive $0xFFFF;
	s2 =	simm.s32 @!p0 $0x1C01  }
0x47: {  	[timem:s3], [sflag:s2] =	dma.local @!p0 [hbm:s0], s1  }
0x48: {  	s0 =	simm.s32 @!p0 $0x1  }
0x49: {  	_ =	swait.ge @!p0 [sflag:s0], s1  }
0x4a: {  	s1 =	ssub.s32 @!p0 $0x0, s1;
	[sflag:s0] =	ssyncset.done @!p0 $0x0  }
0x4b: {  	[sflag:s0] =	ssyncadd.s32 @!p0 s1  }
0x4c: {  	[bflag:$0x3] =	sbarrier.arrive $0xFFFF  }
0x4d: {  	_ =	shalt  }

// kernel: kernel.14.cloned.1.call-start
scs
__scs_entry_jumppad:
0x0: {  	(pc) =	sbr.rel $0x88, $3  }
0x1: {  	(tag) =	ssettag $0x0;
	lr =	simm.s32 $0x1  }
0x2: {  	[smem:$0x3F91] =	sst lr;
	_ =	strace $0xD0000000  }
0x3: {  	_ = 	snop  }
0x4: {  	_ = 	snop  }
0x5: {  	_ = 	snop  }
0x6: {  	_ = 	snop  }
0x7: {  	_ = 	snop  }
__scs_overlays_trampoline_lowered:
0x8: {  	[smem:$0x3FA0] =	sst s0  }
0x9: {  	[smem:$0x3FA1] =	sst s1  }
0xa: {  	[smem:$0x3FA2] =	sst s2  }
0xb: {  	[smem:$0x3FA3] =	sst s3  }
0xc: {  	[smem:$0x3FA4] =	sst s4  }
0xd: {  	[smem:$0x3FA5] =	sst s5  }
0xe: {  	[smem:$0x3FA6] =	sst s6  }
0xf: {  	[smem:$0x3FA7] =	sst s7  }
0x10: {  	[smem:$0x3FA8] =	sst s8  }
0x11: {  	[smem:$0x3FA9] =	sst s9;
	s0 =	simm.s32 @!p0 $0x0  }
0x12: {  	s1 =	sld [smem:$0x3F8F];
	s0 =	simm.s32 @p0 $0x1  }
0x13: {  	[smem:$0x3FAA] =	sst s0;
	s0 =	simm.s32 @!p1 $0x0  }
0x14: {  	s2 =	sld [smem:$0x3F8E];
	s0 =	simm.s32 @p1 $0x1  }
0x15: {  	[smem:$0x3FAB] =	sst s0;
	s0 =	simm.s32 @!p2 $0x0  }
0x16: {  	s3 =	sld [smem:$0x3FDB];
	s0 =	simm.s32 @p2 $0x1  }
0x17: {  	s4 =	simm.s32 $0x1BF5;
	[smem:$0x3FAD] =	sst s0  }
0x18: {  	s0 =	sld [smem:$0x3F90];
	_ =	swait.ge [sflag:s4], $0x0  }
0x19: {  	s7 =	sld [smem:$0x3F91]  }
0x1a: {  	s8 =	sadd.s32 $0xFFFFE003, lr  }
0x1b: {  	s9 =	sadd.s32 $0xFFFFFEF7, lr;
	s5 =	simm.s32 $0xFFFFFFFF;
	p2 =	slt.u32 s8, $0xFFFFF086  }
0x1c: {  	p1 =	slt.u32 s9, $0xF7A;
	s5 =	simm.s32 @!p2 $0x0  }
0x1d: {  	s5 =	simm.s32 @p1 $0x1;
	p0 =	seq.s32 s7, s2  }
0x1e: {  	s7 =	smul.u32 @!p0 $0xF7A, s2;
	p2 =	seq.s32 @!p0 s5, $0x0  }
0x1f: {  	s9 =	smul.u32 $0xF7A, s1;
	s8 =	simm.s32 @!p0 $0x1BF5;
	p2 =	por !p2, p0  }
0x20: {  	[sflag:s8] =	ssyncset.s32 @!p0 $0xFFFFF086;
	s6 =	sadd.s32 @!p0 s3, s7;
	s7 =	simm.s32 @!p0 $0x108  }
0x21: {  	s3 =	sadd.s32 s3, s9;
	s6 =	sadd.s32 @!p0 $0x88, s6;
	s7 =	simm.s32 @p2 $0x1082  }
0x22: {  	[simem:s7], [sflag:s8] =	dma.local @!p0 [hbm:s6], $0xF7A  }
0x23: {  	s9 =	sor.u32 $0xD0000000, s2;
	s6 =	simm.s32 $0x108;
	_ =	swait.ge @!p0 [sflag:s8], $0x0  }
0x24: {  	s3 =	sadd.s32 $0x88, s3;
	s6 =	simm.s32 @!p1 $0x1082;
	[sflag:s4] =	ssyncset.s32 $0xFFFFF086  }
0x25: {  	[simem:s6], [sflag:s4] =	dma.local [hbm:s3], $0xF7A  }
0x26: {  	[smem:$0x3F91] =	sst s1;
	(tag) =	ssettag s2;
	_ =	strace s9  }
0x27: {  	s1 =	sld [smem:$0x3FA1]  }
0x28: {  	s2 =	sld [smem:$0x3FA2]  }
0x29: {  	s4 =	sld [smem:$0x3FA4]  }
0x2a: {  	p0 =	seq.s32 s5, $0x0;
	s5 =	sld [smem:$0x3FA5]  }
0x2b: {  	s6 =	sld [smem:$0x3FA6]  }
0x2c: {  	s7 =	sld [smem:$0x3FA7]  }
0x2d: {  	s3 =	simm.s32 $0x108;
	s8 =	sld [smem:$0x3FA8]  }
0x2e: {  	s3 =	simm.s32 @!p0 $0x1082;
	s9 =	sld [smem:$0x3FA9]  }
0x2f: {  	lr =	sadd.s32 s0, s3;
	s0 =	sld [smem:$0x3FA0]  }
0x30: {  	s3 =	sld [smem:$0x3FA3]  }
0x31: {  	[smem:$0x3FAC] =	sst s10  }
0x32: {  	s10 =	sld [smem:$0x3FAA];
	_ =	sdelay $0x3  }
0x33: {  	p0 =	seq.s32 s10, $0x1;
	s10 =	sld [smem:$0x3FAC];
	_ =	sdelay $0x3  }
0x34: {  	[smem:$0x3FAC] =	sst s10  }
0x35: {  	s10 =	sld [smem:$0x3FAB];
	_ =	sdelay $0x3  }
0x36: {  	p1 =	seq.s32 s10, $0x1;
	s10 =	sld [smem:$0x3FAC];
	_ =	sdelay $0x3  }
0x37: {  	[smem:$0x3FAC] =	sst s10  }
0x38: {  	s10 =	sld [smem:$0x3FAD]  }
0x39: {  	_ = 	snop;
	(pc) =	sbr.ind lr, $3  }
0x3a: {  	_ = 	snop  }
0x3b: {  	_ = 	snop  }
0x3c: {  	p2 =	seq.s32 s10, $0x1;
	s10 =	sld [smem:$0x3FAC]  }
0x3d: {  	_ =	shalt  }
0x3e: {  	_ =	shalt  }
0x3f: {  	_ =	shalt  }
0x40: {  	_ =	shalt  }
0x41: {  	_ =	shalt  }
0x42: {  	_ =	shalt  }
0x43: {  	_ =	shalt  }
0x44: {  	_ =	shalt  }
0x45: {  	_ =	shalt  }
0x46: {  	_ =	shalt  }
0x47: {  	_ =	shalt  }
0x48: {  	_ =	shalt  }
0x49: {  	_ =	shalt  }
0x4a: {  	_ =	shalt  }
0x4b: {  	_ =	shalt  }
0x4c: {  	_ =	shalt  }
0x4d: {  	_ =	shalt  }
0x4e: {  	_ =	shalt  }
0x4f: {  	_ =	shalt  }
0x50: {  	_ =	shalt  }
0x51: {  	_ =	shalt  }
0x52: {  	_ =	shalt  }
0x53: {  	_ =	shalt  }
0x54: {  	_ =	shalt  }
0x55: {  	_ =	shalt  }
0x56: {  	_ =	shalt  }
0x57: {  	_ =	shalt  }
0x58: {  	_ =	shalt  }
0x59: {  	_ =	shalt  }
0x5a: {  	_ =	shalt  }
0x5b: {  	_ =	shalt  }
0x5c: {  	_ =	shalt  }
0x5d: {  	_ =	shalt  }
0x5e: {  	_ =	shalt  }
0x5f: {  	_ =	shalt  }
0x60: {  	_ =	shalt  }
0x61: {  	_ =	shalt  }
0x62: {  	_ =	shalt  }
0x63: {  	_ =	shalt  }
0x64: {  	_ =	shalt  }
0x65: {  	_ =	shalt  }
0x66: {  	_ =	shalt  }
0x67: {  	_ =	shalt  }
0x68: {  	_ =	shalt  }
0x69: {  	_ =	shalt  }
0x6a: {  	_ =	shalt  }
0x6b: {  	_ =	shalt  }
0x6c: {  	_ =	shalt  }
0x6d: {  	_ =	shalt  }
0x6e: {  	_ =	shalt  }
0x6f: {  	_ =	shalt  }
0x70: {  	_ =	shalt  }
0x71: {  	_ =	shalt  }
0x72: {  	_ =	shalt  }
0x73: {  	_ =	shalt  }
0x74: {  	_ =	shalt  }
0x75: {  	_ =	shalt  }
0x76: {  	_ =	shalt  }
0x77: {  	_ =	shalt  }
0x78: {  	_ =	shalt  }
0x79: {  	_ =	shalt  }
0x7a: {  	_ =	shalt  }
0x7b: {  	_ =	shalt  }
0x7c: {  	_ =	shalt  }
0x7d: {  	_ =	shalt  }
0x7e: {  	_ =	shalt  }
0x7f: {  	_ =	shalt  }
0x80: {  	_ =	shalt  }
0x81: {  	_ =	shalt  }
0x82: {  	_ =	shalt  }
0x83: {  	_ =	shalt  }
0x84: {  	_ =	shalt  }
0x85: {  	_ =	shalt  }
0x86: {  	_ =	shalt  }
0x87: {  	_ =	shalt  }
.Lfunc_end0:
.L_simem_size_0:
called_computation.1_lowered:
.L_overlay_start_0:
0x88: {  	s2 =	sld [smem:$0x3FD9]  }
0x89: {  	s3 =	sld [smem:$0x3FFE];
	_ =	sdelay $0x1  }
0x8a: {  	s1 =	srdreg.scid  }
0x8b: {  	s0 =	sand.u32 $0x1, s1  }
0x8c: {  	s16 =	sshll.u32 s0, $0xA;
	s2 =	sadd.s32 s3, s2  }
0x8d: {  	s2 =	sadd.s32 s2, s16  }
0x8e: {  	[smem:$0x3FB8] =	sst s2  }
0x8f: {  	_ = 	snop  }
0x90: {  	(tm) =	ssettm $0x1  }
0x91: {  	s17 =	sld [smem:$0x3FFB];
	_ =	sdelay $0x3  }
0x92: {  	_ =	strace s17  }
0x93: {  	s2 =	sld [smem:$0x3FFC];
	_ =	sdelay $0x3  }
0x94: {  	_ =	strace s2  }
0x95: {  	s2 =	sld [smem:$0x3FFD];
	_ =	sdelay $0x3  }
0x96: {  	_ =	strace s2  }
0x97: {  	_ =	strace $0x8FFFFFFF  }
0x98: {  	s18 =	sld [smem:$0x3FDB];
	_ =	sdelay $0x1  }
0x99: {  	s19 =	simm.s32 $_scs_section_size  }
0x9a: {  	s4 =	simm.s32 $_size__tile_overlayer_lowered;
	s5 =	simm.s32 $_tile_overlayer_lowered  }
0x9b: {  	s22 =	simm.s32 $0x1BFF;
	s21 =	sshll.u32 s5, $0x1;
	s2 =	sadd.s32 s19, s18  }
0x9c: {  	s6 =	simm.s32 $0x0;
	s20 =	sshll.u32 s4, $0x1;
	s4 =	sadd.s32 s21, s2  }
0x9d: {  	[timem:s6], [sflag:s22] =	dma.local [hbm:s4], s20  }
0x9e: {  	_ =	swait.ge [sflag:s22], s20  }
0x9f: {  	s3 =	ssub.s32 $0x0, s20;
	[sflag:s22] =	ssyncset.done $0x0  }
0xa0: {  	[sflag:s22] =	ssyncadd.s32 s3;
	_ =	sdelay $0x1  }
0xa1: {  	s23 =	simm.s32 $0x1B8B  }
0xa2: {  	_ =	swait.ge [sflag:s23], $0x1  }
0xa3: {  	[sflag:s23] =	ssyncset.done $0x0  }
0xa4: {  	s25 =	simm.s32 $0x1B8E;
	s24 =	sld [smem:$0x3FFE];
	[sflag:s23] =	ssyncadd.s32 $0xFFFFFFFF  }
0xa5: {  	s26 =	simm.s32 $execute0_lowered;
	[smem:$0x3FD2] =	sst s25  }
0xa6: {  	s4 =	sshll.u32 s26, $0x1;
	_ =	strace $0x80000049;
	[dreg:$0x1] =	wrdreg $0xFFFFFFFF  }
0xa7: {  	s28 =	simm.s32 $_size_execute0_lowered;
	s2 =	sadd.s32 s2, s4;
	[dreg:$0x0] =	wrdreg $0x0  }
0xa8: {  	s4 =	sshll.u32 s28, $0x1;
	[dreg:$0x2] =	wrdreg s2  }
0xa9: {  	[dreg:$0x3] =	wrdreg s4  }
0xaa: {  	[dreg:$0x4] =	wrdreg $0xC0  }
0xab: {  	_ =	task [dreg:s6], $0x5FFFF  }
0xac: {  	[dreg:$0x1] =	wrdreg $0xFFFFFFFF  }
0xad: {  	[dreg:$0x0] =	wrdreg $0x60  }
0xae: {  	[dreg:$0x2] =	wrdreg s24  }
0xaf: {  	[dreg:$0x3] =	wrdreg $0x90000  }
0xb0: {  	[dreg:$0x4] =	wrdreg $0x9  }
0xb1: {  	_ =	task.clear_ibuf [dreg:s6], $0x5FFFF;
	_ =	strace $0x90000049  }
0xb2: {  	s29 =	simm.s32 $0x9;
	_ =	strace $0x8000004B  }
0xb3: {  	_ =	swait.ge [sflag:s29], $0x1  }
0xb4: {  	[sflag:s29] =	ssyncadd.s32 $0xFFFFFFFF  }
0xb5: {  	_ =	strace $0x9000004B  }
0xb6: {  	_ =	sfence  }
0xb7: {  	s30 =	sld [smem:$0x0];
	_ =	sdelay $0x2  }
0xb8: {  	s31 =	sshll.u32 s1, $0xD;
	s1 =	sshrl.u32 s1, $0x2  }
0xb9: {  	s3 =	sand.u32 $0x4000, s31;
	s1 =	sadd.s32 s1, s30  }
0xba: {  	s0 =	sor.u32 s3, s0;
	s1 =	sshll.u32 s1, $0x11  }
0xbb: {  	s0 =	sor.u32 s1, s0  }
0xbc: {  	s0 =	sadd.s32 $0x8F2B, s0  }
0xbd: {  	[sflag:s0] =	ssyncadd.remote.s32 $0x1  }
0xbe: {  	_ =	sfence.sel $0xFFFF  }
0xbf: {  	[dreg:$0x0] =	wrdreg $0xFFFFFFFF;
	(pc) =	sbr.abs _section_cstart, $3  }
0xc0: {  	[dreg:$0x1] =	wrdreg $0xFFFFFFFF  }
0xc1: {  	_ =	task.clear_ibuf [dreg:s6], $0x2FFFF;
	_ =	strace $0x9FFFFFFF  }
0xc2: {  	(tm) =	ssettm $0x7FFFFFFF  }
0xc3: {  	_ =	shalt  }
tec
execute0_lowered:
.L_overlay_start_1:
0x0: {  	(tag) =	ssettag $0x1  }
0x1: {  	s1 =	srdreg.scid  }
0x2: {  	s0 =	stileid.u32;
	s7 =	rddreg [dreg:$0x0]  }
0x3: {  	s2 =	rddreg [dreg:$0x1];
	s3 =	simm.s32 $0x0;
	s14 =	simm.s32 $0x7000  }
0x4: {  	s18 =	simm.s32 $0x1;
	s19 =	simm.s32 $0x3;
	s20 =	simm.s32 $0x2  }
0x5: {  	s21 =	simm.s32 $0x0;
	s6 =	sand.u32 $0x1, s1;
	s22 =	sshll.u32 s0, $0x1  }
0x6: {  	[smem:$0x7FF] =	sst s3;
	s11 =	sadd.s32 $0x8FA00, s7;
	s12 =	smul.u32 $0x4F000, s0  }
0x7: {  	s26 =	smul.u32 $0x13C00, s0;
	s15 =	sadd.s32 $0x128400, s2;
	p1 =	seq.s32 s0, $0xF  }
0x8: {  	s8 =	sor.u32 s6, s22;
	_ =	strace $0x8000004A;
	s10 =	ssub.s32 $0x2, s6  }
0x9: {  	s24 =	smul.u32 $0x138800, s6;
	s6 =	simm.s32 $0x4B;
	s15 =	sshrl.u32 @p1 s15, $0x3  }
0xa: {  	s16 =	sshll.u32 @!p1 s0, $0x6;
	s4 =	smul.u32 $0x13, s8;
	s5 =	smin.u32 s8, $0x11  }
0xb: {  	s23 =	sshrl.u32 s10, $0x1;
	p0 =	sgt.u32 s8, $0x10;
	s25 =	sshrl.u32 s12, $0x2  }
0xc: {  	s12 =	simm.s32 $0x40;
	s16 =	sor.u32 @!p1 $0x1C03, s16;
	s13 =	ssub.s32 s10, s23  }
0xd: {  	s6 =	simm.s32 @!p0 $0x4F;
	s17 =	sadd.s32 s25, s2;
	s28 =	sadd.s32 s26, s24  }
0xe: {  	s29 =	sshrl.u32 s24, $0x3;
	s5 =	sadd.s32 s5, s4;
	s4 =	sadd.s32 $0x68800, s7  }
0xf: {  	s30 =	sshrl.u32 s28, $0x3;
	s31 =	sadd.s32 s11, s29;
	s5 =	sshll.u32 s5, $0x6  }
0x10: {  	s17 =	sshrl.u32 @!p1 s17, $0x3;
	s10 =	sadd.s32 $0x25080, s31;
	s9 =	sadd.s32 s5, s7  }
0x11: {  	s5 =	sadd.s32 $0x17E00, s7;
	s7 =	sadd.s32 $0x3C00, s9;
	s8 =	sadd.s32 $0xD840, s9  }
0x12: {  	s9 =	sadd.s32 s11, s30;
	s11 =	smax.u32 s13, $0x1;
	s13 =	simm.s32 $0x5000  }
.LBB2_1:
0x13: {  	s25 =	simm.s32 @p0 $0x0;
	s26 =	simm.s32 @p0 $0x3  }
0x14: {  	[tilespmem:s25], [sflag:$0x3] =	stream.linear.gather @p0 [hbm4b:s7+s25], $0x2600, $0x38;
	[tilespmem:$0x1C880] =	vst v63  }
0x15: {  	_ =	swait.ge @p0 [sflag:s26], $0x2600  }
0x16: {  	[sflag:s26] =	ssyncset.done @p0 $0x0  }
0x17: {  	s28 =	simm.s32 @!p0 $0x0;
	s29 =	simm.s32 @!p0 $0x3;
	[sflag:s26] =	ssyncadd.s32 @p0 $0xFFFFDA00  }
0x18: {  	[tilespmem:s28], [sflag:$0x3] =	stream.linear.gather @!p0 [hbm4b:s7+s28], $0x2800, $0x38;
	[tilespmem:$0x1C880] =	vst v63  }
0x19: {  	_ =	swait.ge @!p0 [sflag:s29], $0x2800  }
0x1a: {  	[sflag:s29] =	ssyncset.done @!p0 $0x0  }
0x1b: {  	[sflag:s29] =	ssyncadd.s32 @!p0 $0xFFFFD800  }
0x1c: {  	[tilespmem:s13], [sflag:$0x1] =	stream.indirect.gather [hbm4b:s4+s12], $0x80, s3, s12, $0xb8;
	[tilespmem:$0x1C880] =	vst v63  }
0x1d: {  	s24 =	simm.s32 @p1 $0x1FC3;
	s23 =	simm.s32 @p1 $0x3  }
0x1e: {  	[tilespmem:s14], [sflag:$0x2] =	stream.indirect.gather [hbm4b:s4+s12], $0x80, s12, s12, $0xb8;
	[tilespmem:$0x1C880] =	vst v63  }
0x1f: {  	[spmem:s15], [sflag:s24] =	dma.local @p1 [hbm:s5], $0x2080  }
0x20: {  	_ =	swait.ge @p1 [sflag:s23], $0x2080  }
0x21: {  	[sflag:s23] =	ssyncset.done @p1 $0x0  }
0x22: {  	s22 =	simm.s32 @!p1 $0x3;
	[sflag:s23] =	ssyncadd.s32 @p1 $0xFFFFDF80  }
0x23: {  	[spmem:s17], [sflag:s16] =	dma.local @!p1 [hbm:s5], $0x2780  }
0x24: {  	_ =	swait.ge @!p1 [sflag:s22], $0x2780  }
0x25: {  	[sflag:s22] =	ssyncset.done @!p1 $0x0  }
0x26: {  	s30 =	simm.s32 @p0 $0x2800;
	[sflag:s22] =	ssyncadd.s32 @!p1 $0xFFFFD880  }
0x27: {  	[tilespmem:s30], [sflag:$0x3] =	stream.linear.gather @p0 [hbm4b:s8+s25], $0x2600, $0x38;
	[tilespmem:$0x1C880] =	vst v63  }
0x28: {  	_ =	swait.ge @p0 [sflag:s26], $0x2600  }
0x29: {  	[sflag:s26] =	ssyncset.done @p0 $0x0  }
0x2a: {  	s25 =	simm.s32 @!p0 $0x2800;
	[sflag:s26] =	ssyncadd.s32 @p0 $0xFFFFDA00  }
0x2b: {  	[tilespmem:s25], [sflag:$0x3] =	stream.linear.gather @!p0 [hbm4b:s8+s28], $0x2800, $0x38;
	[tilespmem:$0x1C880] =	vst v63  }
0x2c: {  	_ =	swait.ge @!p0 [sflag:s29], $0x2800  }
0x2d: {  	[sflag:s29] =	ssyncset.done @!p0 $0x0  }
0x2e: {  	[sflag:s29] =	ssyncadd.s32 @!p0 $0xFFFFD800  }
0x2f: {  	[bflag:$0x0] =	sbarrier.arrive $0xFFFF  }
0x30: {  	_ =	swait.ge [sflag:s18], $0x2000  }
0x31: {  	[sflag:s18] =	ssyncset.done $0x0  }
0x32: {  	s1 =	simm.s32 $0x2800;
	[sflag:s18] =	ssyncadd.s32 $0xFFFFE000  }
0x33: {  	[spmem:s2] =	stream.indirect.scatter.add.f32 [tilespmem:s13], [sflag:$0x3], $0x80, s1, s12, $0xb8;
	[tilespmem:$0x1C880] =	vst v63  }
0x34: {  	_ =	swait.ge [sflag:s19], $0x2000  }
0x35: {  	[sflag:s19] =	ssyncset.done $0x0  }
0x36: {  	s26 =	simm.s32 $0x80;
	[sflag:s19] =	ssyncadd.s32 $0xFFFFE000  }
0x37: {  	[tilespmem:s13], [sflag:$0x1] =	stream.indirect.gather [hbm4b:s4+s12], $0x80, s26, s12, $0xb8;
	[tilespmem:$0x1C880] =	vst v63  }
0x38: {  	_ =	swait.ge [sflag:s20], $0x2000  }
0x39: {  	p2 =	sne.s32 s6, $0x1;
	[sflag:s20] =	ssyncset.done $0x0  }
.Ltmp0:
0x3a: {  	s29 =	simm.s32 $0x2840;
	[sflag:s20] =	ssyncadd.s32 $0xFFFFE000;
	(pc) =	sbr.rel @!p2 .LBB2_3-.Ltmp0, $4  }
0x3b: {  	[spmem:s2] =	stream.indirect.scatter.add.f32 [tilespmem:s14], [sflag:$0x3], $0x80, s29, s12, $0xb8;
	[tilespmem:$0x1C880] =	vst v63  }
0x3c: {  	s31 =	simm.s32 $0xC0;
	_ =	swait.ge [sflag:s19], $0x2000  }
0x3d: {  	s30 =	simm.s32 $0xC0;
	s28 =	simm.s32 $0x1;
	[sflag:s19] =	ssyncset.done $0x0  }
0x3e: {  	s25 =	simm.s32 $0x28C0;
	s26 =	simm.s32 $0x140;
	[sflag:s19] =	ssyncadd.s32 $0xFFFFE000  }
.LBB2_2:
0x3f: {  	s29 =	smov.u32 s25;
	s30 =	smov.u32 s26  }
0x40: {  	[tilespmem:s14], [sflag:$0x2] =	stream.indirect.gather [hbm4b:s4+s12], $0x80, s31, s12, $0xb8;
	[tilespmem:$0x1C880] =	vst v63  }
0x41: {  	s28 =	sadd.s32 $0x1, s28;
	s31 =	smov.u32 s26;
	_ =	swait.ge [sflag:s18], $0x2000  }
0x42: {  	p2 =	sne.s32 s6, s28;
	[sflag:s18] =	ssyncset.done $0x0  }
0x43: {  	s1 =	sadd.s32 $0xFFFFFFC0, s25;
	[sflag:s18] =	ssyncadd.s32 $0xFFFFE000  }
0x44: {  	[spmem:s2] =	stream.indirect.scatter.add.f32 [tilespmem:s13], [sflag:$0x3], $0x80, s1, s12, $0xb8;
	[tilespmem:$0x1C880] =	vst v63  }
0x45: {  	_ =	swait.ge [sflag:s19], $0x2000  }
0x46: {  	[sflag:s19] =	ssyncset.done $0x0  }
0x47: {  	s1 =	sadd.s32 $0xFFFFFFC0, s26;
	[sflag:s19] =	ssyncadd.s32 $0xFFFFE000  }
0x48: {  	[tilespmem:s13], [sflag:$0x1] =	stream.indirect.gather [hbm4b:s4+s12], $0x80, s1, s12, $0xb8;
	[tilespmem:$0x1C880] =	vst v63  }
0x49: {  	_ =	swait.ge [sflag:s20], $0x2000  }
0x4a: {  	[sflag:s20] =	ssyncset.done $0x0  }
.Ltmp1:
0x4b: {  	[sflag:s20] =	ssyncadd.s32 $0xFFFFE000;
	(pc) =	sbr.rel @p2 .LBB2_2-.Ltmp1, $4  }
0x4c: {  	[spmem:s2] =	stream.indirect.scatter.add.f32 [tilespmem:s14], [sflag:$0x3], $0x80, s25, s12, $0xb8;
	[tilespmem:$0x1C880] =	vst v63  }
0x4d: {  	_ =	swait.ge [sflag:s19], $0x2000  }
0x4e: {  	[sflag:s19] =	ssyncset.done $0x0  }
0x4f: {  	s26 =	sadd.s32 $0x80, s26;
	s25 =	sadd.s32 $0x80, s25;
	[sflag:s19] =	ssyncadd.s32 $0xFFFFE000  }
.LBB2_3:
0x50: {  	[tilespmem:s14], [sflag:$0x2] =	stream.indirect.gather [hbm4b:s4+s12], $0x80, s31, s12, $0xb8;
	[tilespmem:$0x1C880] =	vst v63  }
0x51: {  	_ =	swait.ge [sflag:s18], $0x2000  }
0x52: {  	[sflag:s18] =	ssyncset.done $0x0  }
0x53: {  	s1 =	sadd.s32 $0x40, s29;
	[sflag:s18] =	ssyncadd.s32 $0xFFFFE000  }
0x54: {  	[spmem:s2] =	stream.indirect.scatter.add.f32 [tilespmem:s13], [sflag:$0x3], $0x80, s1, s12, $0xb8;
	[tilespmem:$0x1C880] =	vst v63  }
0x55: {  	p2 =	slt.u32 s28, s6;
	_ =	swait.ge [sflag:s19], $0x2000  }
0x56: {  	s28 =	simm.s32 @p2 $0x40;
	[sflag:s19] =	ssyncset.done $0x0  }
0x57: {  	s29 =	simm.s32 @p2 $0x5000;
	s1 =	sadd.s32 @p2 $0x40, s30;
	[sflag:s19] =	ssyncadd.s32 $0xFFFFE000  }
0x58: {  	[tilespmem:s29], [sflag:$0x1] =	stream.indirect.gather @p2 [hbm4b:s4+s28], $0x80, s1, s28, $0xb8;
	[tilespmem:$0x1C880] =	vst v63  }
0x59: {  	s1 =	simm.s32 @p2 $0x2  }
0x5a: {  	_ =	swait.ge @p2 [sflag:s1], $0x2000  }
0x5b: {  	[sflag:s1] =	ssyncset.done @p2 $0x0  }
0x5c: {  	s29 =	simm.s32 @p2 $0x3;
	[sflag:s1] =	ssyncadd.s32 @p2 $0xFFFFE000;
	s1 =	simm.s32 @p2 $0x7000  }
0x5d: {  	[spmem:s2] =	stream.indirect.scatter.add.f32 @p2 [tilespmem:s1], [sflag:$0x3], $0x80, s25, s28, $0xb8;
	[tilespmem:$0x1C880] =	vst v63  }
0x5e: {  	_ =	swait.ge @p2 [sflag:s29], $0x2000  }
0x5f: {  	[sflag:s29] =	ssyncset.done @p2 $0x0  }
0x60: {  	[sflag:s29] =	ssyncadd.s32 @p2 $0xFFFFE000  }
0x61: {  	[tilespmem:s1], [sflag:$0x2] =	stream.indirect.gather @p2 [hbm4b:s4+s28], $0x80, s26, s28, $0xb8;
	[tilespmem:$0x1C880] =	vst v63  }
0x62: {  	s1 =	simm.s32 @!p2 $0x2  }
0x63: {  	_ =	swait.ge @!p2 [sflag:s1], $0x2000  }
0x64: {  	[sflag:s1] =	ssyncset.done @!p2 $0x0  }
0x65: {  	s26 =	simm.s32 @!p2 $0x7000;
	[sflag:s1] =	ssyncadd.s32 @!p2 $0xFFFFE000;
	s1 =	simm.s32 @!p2 $0x40  }
0x66: {  	[spmem:s2] =	stream.indirect.scatter.add.f32 @!p2 [tilespmem:s26], [sflag:$0x3], $0x80, s25, s1, $0xb8;
	[tilespmem:$0x1C880] =	vst v63  }
0x67: {  	s1 =	simm.s32 @!p2 $0x3  }
0x68: {  	_ =	swait.ge @!p2 [sflag:s1], $0x2000  }
0x69: {  	[sflag:s1] =	ssyncset.done @!p2 $0x0  }
0x6a: {  	[sflag:s1] =	ssyncadd.s32 @!p2 $0xFFFFE000  }
0x6b: {  	[bflag:$0x0] =	sbarrier.arrive $0xFFFF  }
0x6c: {  	[hbm:s10], [sflag:s24] =	dma.local @p1 [spmem:s15], $0x2080  }
0x6d: {  	s21 =	sadd.s32 $0x1, s21;
	_ =	swait.ge @p1 [sflag:s23], $0x2080  }
0x6e: {  	p2 =	sne.s32 s21, s11;
	[sflag:s23] =	ssyncset.done @p1 $0x0  }
.Ltmp2:
0x6f: {  	[sflag:s23] =	ssyncadd.s32 @p1 $0xFFFFDF80;
	(pc) =	sbr.rel @p2 .LBB2_1-.Ltmp2, $4  }
0x70: {  	[hbm:s9], [sflag:s16] =	dma.local @!p1 [spmem:s17], $0x2780  }
0x71: {  	_ =	swait.ge @!p1 [sflag:s22], $0x2780  }
0x72: {  	[sflag:s22] =	ssyncset.done @!p1 $0x0  }
0x73: {  	[sflag:s22] =	ssyncadd.s32 @!p1 $0xFFFFD880  }
0x74: {  	_ =	sfence.sel $0x180000  }
0x75: {  	[bflag:$0x0] =	sbarrier.arrive $0xFFFF  }
0x76: {  	_ =	strace $0x9000004A  }
0x77: {  	[bflag:$0x2] =	sbarrier.arrive $0xFFFF  }
0x78: {  	p0 =	sne.s32 s0, $0x0;
	s0 =	rddreg [dreg:$0x2]  }
0x79: {  	s0 =	sadd.s32 @!p0 $0x100000, s0  }
0x7a: {  	[sflag:s0] =	ssyncadd.tile.s32 @!p0 $0x1;
	_ =	shalt  }
.Lfunc_end2:
_tile_overlayer_lowered:
.L_overlay_start_2:
0x7b: {  	(tag) =	ssettag $0x2  }
0x7c: {  	s0 =	rddreg [dreg:$0x0];
	s2 =	stileid.u32  }
0x7d: {  	s1 =	rddreg [dreg:$0x1];
	p0 =	sne.s32 s2, $0x0  }
0x7e: {  	s3 =	rddreg [dreg:$0x2];
	[bflag:$0x3] =	sbarrier.arrive $0xFFFF;
	s2 =	simm.s32 @!p0 $0x1C03  }
0x7f: {  	[timem:s3], [sflag:s2] =	dma.local @!p0 [hbm:s0], s1  }
0x80: {  	s0 =	simm.s32 @!p0 $0x3  }
0x81: {  	_ =	swait.ge @!p0 [sflag:s0], s1  }
0x82: {  	s1 =	ssub.s32 @!p0 $0x0, s1;
	[sflag:s0] =	ssyncset.done @!p0 $0x0  }
0x83: {  	[sflag:s0] =	ssyncadd.s32 @!p0 s1  }
0x84: {  	[bflag:$0x3] =	sbarrier.arrive $0xFFFF  }
0x85: {  	_ =	shalt  }

// kernel: kernel.17.cloned.1.call-start
scs
__scs_entry_jumppad:
0x0: {  	(pc) =	sbr.rel $0x88, $3  }
0x1: {  	(tag) =	ssettag $0x0;
	lr =	simm.s32 $0x1  }
0x2: {  	[smem:$0x3F91] =	sst lr;
	_ =	strace $0xD0000000  }
0x3: {  	_ = 	snop  }
0x4: {  	_ = 	snop  }
0x5: {  	_ = 	snop  }
0x6: {  	_ = 	snop  }
0x7: {  	_ = 	snop  }
__scs_overlays_trampoline_lowered:
0x8: {  	[smem:$0x3FA0] =	sst s0  }
0x9: {  	[smem:$0x3FA1] =	sst s1  }
0xa: {  	[smem:$0x3FA2] =	sst s2  }
0xb: {  	[smem:$0x3FA3] =	sst s3  }
0xc: {  	[smem:$0x3FA4] =	sst s4  }
0xd: {  	[smem:$0x3FA5] =	sst s5  }
0xe: {  	[smem:$0x3FA6] =	sst s6  }
0xf: {  	[smem:$0x3FA7] =	sst s7  }
0x10: {  	[smem:$0x3FA8] =	sst s8  }
0x11: {  	[smem:$0x3FA9] =	sst s9;
	s0 =	simm.s32 @!p0 $0x0  }
0x12: {  	s1 =	sld [smem:$0x3F8F];
	s0 =	simm.s32 @p0 $0x1  }
0x13: {  	[smem:$0x3FAA] =	sst s0;
	s0 =	simm.s32 @!p1 $0x0  }
0x14: {  	s2 =	sld [smem:$0x3F8E];
	s0 =	simm.s32 @p1 $0x1  }
0x15: {  	[smem:$0x3FAB] =	sst s0;
	s0 =	simm.s32 @!p2 $0x0  }
0x16: {  	s3 =	sld [smem:$0x3FDB];
	s0 =	simm.s32 @p2 $0x1  }
0x17: {  	s4 =	simm.s32 $0x1BF5;
	[smem:$0x3FAD] =	sst s0  }
0x18: {  	s0 =	sld [smem:$0x3F90];
	_ =	swait.ge [sflag:s4], $0x0  }
0x19: {  	s7 =	sld [smem:$0x3F91]  }
0x1a: {  	s8 =	sadd.s32 $0xFFFFE003, lr  }
0x1b: {  	s9 =	sadd.s32 $0xFFFFFEF7, lr;
	s5 =	simm.s32 $0xFFFFFFFF;
	p2 =	slt.u32 s8, $0xFFFFF086  }
0x1c: {  	p1 =	slt.u32 s9, $0xF7A;
	s5 =	simm.s32 @!p2 $0x0  }
0x1d: {  	s5 =	simm.s32 @p1 $0x1;
	p0 =	seq.s32 s7, s2  }
0x1e: {  	s7 =	smul.u32 @!p0 $0xF7A, s2;
	p2 =	seq.s32 @!p0 s5, $0x0  }
0x1f: {  	s9 =	smul.u32 $0xF7A, s1;
	s8 =	simm.s32 @!p0 $0x1BF5;
	p2 =	por !p2, p0  }
0x20: {  	[sflag:s8] =	ssyncset.s32 @!p0 $0xFFFFF086;
	s6 =	sadd.s32 @!p0 s3, s7;
	s7 =	simm.s32 @!p0 $0x108  }
0x21: {  	s3 =	sadd.s32 s3, s9;
	s6 =	sadd.s32 @!p0 $0x88, s6;
	s7 =	simm.s32 @p2 $0x1082  }
0x22: {  	[simem:s7], [sflag:s8] =	dma.local @!p0 [hbm:s6], $0xF7A  }
0x23: {  	s9 =	sor.u32 $0xD0000000, s2;
	s6 =	simm.s32 $0x108;
	_ =	swait.ge @!p0 [sflag:s8], $0x0  }
0x24: {  	s3 =	sadd.s32 $0x88, s3;
	s6 =	simm.s32 @!p1 $0x1082;
	[sflag:s4] =	ssyncset.s32 $0xFFFFF086  }
0x25: {  	[simem:s6], [sflag:s4] =	dma.local [hbm:s3], $0xF7A  }
0x26: {  	[smem:$0x3F91] =	sst s1;
	(tag) =	ssettag s2;
	_ =	strace s9  }
0x27: {  	s1 =	sld [smem:$0x3FA1]  }
0x28: {  	s2 =	sld [smem:$0x3FA2]  }
0x29: {  	s4 =	sld [smem:$0x3FA4]  }
0x2a: {  	p0 =	seq.s32 s5, $0x0;
	s5 =	sld [smem:$0x3FA5]  }
0x2b: {  	s6 =	sld [smem:$0x3FA6]  }
0x2c: {  	s7 =	sld [smem:$0x3FA7]  }
0x2d: {  	s3 =	simm.s32 $0x108;
	s8 =	sld [smem:$0x3FA8]  }
0x2e: {  	s3 =	simm.s32 @!p0 $0x1082;
	s9 =	sld [smem:$0x3FA9]  }
0x2f: {  	lr =	sadd.s32 s0, s3;
	s0 =	sld [smem:$0x3FA0]  }
0x30: {  	s3 =	sld [smem:$0x3FA3]  }
0x31: {  	[smem:$0x3FAC] =	sst s10  }
0x32: {  	s10 =	sld [smem:$0x3FAA];
	_ =	sdelay $0x3  }
0x33: {  	p0 =	seq.s32 s10, $0x1;
	s10 =	sld [smem:$0x3FAC];
	_ =	sdelay $0x3  }
0x34: {  	[smem:$0x3FAC] =	sst s10  }
0x35: {  	s10 =	sld [smem:$0x3FAB];
	_ =	sdelay $0x3  }
0x36: {  	p1 =	seq.s32 s10, $0x1;
	s10 =	sld [smem:$0x3FAC];
	_ =	sdelay $0x3  }
0x37: {  	[smem:$0x3FAC] =	sst s10  }
0x38: {  	s10 =	sld [smem:$0x3FAD]  }
0x39: {  	_ = 	snop;
	(pc) =	sbr.ind lr, $3  }
0x3a: {  	_ = 	snop  }
0x3b: {  	_ = 	snop  }
0x3c: {  	p2 =	seq.s32 s10, $0x1;
	s10 =	sld [smem:$0x3FAC]  }
0x3d: {  	_ =	shalt  }
0x3e: {  	_ =	shalt  }
0x3f: {  	_ =	shalt  }
0x40: {  	_ =	shalt  }
0x41: {  	_ =	shalt  }
0x42: {  	_ =	shalt  }
0x43: {  	_ =	shalt  }
0x44: {  	_ =	shalt  }
0x45: {  	_ =	shalt  }
0x46: {  	_ =	shalt  }
0x47: {  	_ =	shalt  }
0x48: {  	_ =	shalt  }
0x49: {  	_ =	shalt  }
0x4a: {  	_ =	shalt  }
0x4b: {  	_ =	shalt  }
0x4c: {  	_ =	shalt  }
0x4d: {  	_ =	shalt  }
0x4e: {  	_ =	shalt  }
0x4f: {  	_ =	shalt  }
0x50: {  	_ =	shalt  }
0x51: {  	_ =	shalt  }
0x52: {  	_ =	shalt  }
0x53: {  	_ =	shalt  }
0x54: {  	_ =	shalt  }
0x55: {  	_ =	shalt  }
0x56: {  	_ =	shalt  }
0x57: {  	_ =	shalt  }
0x58: {  	_ =	shalt  }
0x59: {  	_ =	shalt  }
0x5a: {  	_ =	shalt  }
0x5b: {  	_ =	shalt  }
0x5c: {  	_ =	shalt  }
0x5d: {  	_ =	shalt  }
0x5e: {  	_ =	shalt  }
0x5f: {  	_ =	shalt  }
0x60: {  	_ =	shalt  }
0x61: {  	_ =	shalt  }
0x62: {  	_ =	shalt  }
0x63: {  	_ =	shalt  }
0x64: {  	_ =	shalt  }
0x65: {  	_ =	shalt  }
0x66: {  	_ =	shalt  }
0x67: {  	_ =	shalt  }
0x68: {  	_ =	shalt  }
0x69: {  	_ =	shalt  }
0x6a: {  	_ =	shalt  }
0x6b: {  	_ =	shalt  }
0x6c: {  	_ =	shalt  }
0x6d: {  	_ =	shalt  }
0x6e: {  	_ =	shalt  }
0x6f: {  	_ =	shalt  }
0x70: {  	_ =	shalt  }
0x71: {  	_ =	shalt  }
0x72: {  	_ =	shalt  }
0x73: {  	_ =	shalt  }
0x74: {  	_ =	shalt  }
0x75: {  	_ =	shalt  }
0x76: {  	_ =	shalt  }
0x77: {  	_ =	shalt  }
0x78: {  	_ =	shalt  }
0x79: {  	_ =	shalt  }
0x7a: {  	_ =	shalt  }
0x7b: {  	_ =	shalt  }
0x7c: {  	_ =	shalt  }
0x7d: {  	_ =	shalt  }
0x7e: {  	_ =	shalt  }
0x7f: {  	_ =	shalt  }
0x80: {  	_ =	shalt  }
0x81: {  	_ =	shalt  }
0x82: {  	_ =	shalt  }
0x83: {  	_ =	shalt  }
0x84: {  	_ =	shalt  }
0x85: {  	_ =	shalt  }
0x86: {  	_ =	shalt  }
0x87: {  	_ =	shalt  }
.Lfunc_end0:
.L_simem_size_0:
called_computation.2_lowered:
.L_overlay_start_0:
0x88: {  	s2 =	sld [smem:$0x3FD9]  }
0x89: {  	s3 =	sld [smem:$0x3FFE];
	_ =	sdelay $0x1  }
0x8a: {  	s1 =	srdreg.scid  }
0x8b: {  	s0 =	sand.u32 $0x1, s1  }
0x8c: {  	s16 =	sshll.u32 s0, $0xA;
	s2 =	sadd.s32 s3, s2  }
0x8d: {  	s2 =	sadd.s32 s2, s16  }
0x8e: {  	[smem:$0x3FB8] =	sst s2  }
0x8f: {  	_ = 	snop  }
0x90: {  	(tm) =	ssettm $0x1  }
0x91: {  	s17 =	sld [smem:$0x3FFB];
	_ =	sdelay $0x3  }
0x92: {  	_ =	strace s17  }
0x93: {  	s2 =	sld [smem:$0x3FFC];
	_ =	sdelay $0x3  }
0x94: {  	_ =	strace s2  }
0x95: {  	s2 =	sld [smem:$0x3FFD];
	_ =	sdelay $0x3  }
0x96: {  	_ =	strace s2  }
0x97: {  	_ =	strace $0x8FFFFFFF  }
0x98: {  	s18 =	sld [smem:$0x3FDB];
	_ =	sdelay $0x1  }
0x99: {  	s19 =	simm.s32 $_scs_section_size  }
0x9a: {  	s4 =	simm.s32 $_size__tile_overlayer_lowered;
	s5 =	simm.s32 $_tile_overlayer_lowered  }
0x9b: {  	s22 =	simm.s32 $0x1BFF;
	s21 =	sshll.u32 s5, $0x1;
	s2 =	sadd.s32 s19, s18  }
0x9c: {  	s6 =	simm.s32 $0x0;
	s20 =	sshll.u32 s4, $0x1;
	s4 =	sadd.s32 s21, s2  }
0x9d: {  	[timem:s6], [sflag:s22] =	dma.local [hbm:s4], s20  }
0x9e: {  	_ =	swait.ge [sflag:s22], s20  }
0x9f: {  	s3 =	ssub.s32 $0x0, s20;
	[sflag:s22] =	ssyncset.done $0x0  }
0xa0: {  	[sflag:s22] =	ssyncadd.s32 s3;
	_ =	sdelay $0x1  }
0xa1: {  	s23 =	simm.s32 $0x1B8B  }
0xa2: {  	_ =	swait.ge [sflag:s23], $0x1  }
0xa3: {  	[sflag:s23] =	ssyncset.done $0x0  }
0xa4: {  	s25 =	simm.s32 $0x1B8E;
	s24 =	sld [smem:$0x3FFE];
	[sflag:s23] =	ssyncadd.s32 $0xFFFFFFFF  }
0xa5: {  	s26 =	simm.s32 $execute0_lowered;
	[smem:$0x3FD2] =	sst s25  }
0xa6: {  	s4 =	sshll.u32 s26, $0x1;
	_ =	strace $0x8000004C;
	[dreg:$0x1] =	wrdreg $0xFFFFFFFF  }
0xa7: {  	s28 =	simm.s32 $_size_execute0_lowered;
	s2 =	sadd.s32 s2, s4;
	[dreg:$0x0] =	wrdreg $0x0  }
0xa8: {  	s4 =	sshll.u32 s28, $0x1;
	[dreg:$0x2] =	wrdreg s2  }
0xa9: {  	[dreg:$0x3] =	wrdreg s4  }
0xaa: {  	[dreg:$0x4] =	wrdreg $0xC0  }
0xab: {  	_ =	task [dreg:s6], $0x5FFFF  }
0xac: {  	[dreg:$0x1] =	wrdreg $0xFFFFFFFF  }
0xad: {  	[dreg:$0x0] =	wrdreg $0x60  }
0xae: {  	[dreg:$0x2] =	wrdreg s24  }
0xaf: {  	[dreg:$0x3] =	wrdreg $0x90000  }
0xb0: {  	[dreg:$0x4] =	wrdreg $0x9  }
0xb1: {  	_ =	task.clear_ibuf [dreg:s6], $0x5FFFF;
	_ =	strace $0x9000004C  }
0xb2: {  	s29 =	simm.s32 $0x9;
	_ =	strace $0x8000004E  }
0xb3: {  	_ =	swait.ge [sflag:s29], $0x1  }
0xb4: {  	[sflag:s29] =	ssyncadd.s32 $0xFFFFFFFF  }
0xb5: {  	_ =	strace $0x9000004E  }
0xb6: {  	_ =	sfence  }
0xb7: {  	s30 =	sld [smem:$0x0];
	_ =	sdelay $0x2  }
0xb8: {  	s31 =	sshll.u32 s1, $0xD;
	s1 =	sshrl.u32 s1, $0x2  }
0xb9: {  	s3 =	sand.u32 $0x4000, s31;
	s1 =	sadd.s32 s1, s30  }
0xba: {  	s0 =	sor.u32 s3, s0;
	s1 =	sshll.u32 s1, $0x11  }
0xbb: {  	s0 =	sor.u32 s1, s0  }
0xbc: {  	s0 =	sadd.s32 $0x8F2B, s0  }
0xbd: {  	[sflag:s0] =	ssyncadd.remote.s32 $0x1  }
0xbe: {  	_ =	sfence.sel $0xFFFF  }
0xbf: {  	[dreg:$0x0] =	wrdreg $0xFFFFFFFF;
	(pc) =	sbr.abs _section_cstart, $3  }
0xc0: {  	[dreg:$0x1] =	wrdreg $0xFFFFFFFF  }
0xc1: {  	_ =	task.clear_ibuf [dreg:s6], $0x2FFFF;
	_ =	strace $0x9FFFFFFF  }
0xc2: {  	(tm) =	ssettm $0x7FFFFFFF  }
0xc3: {  	_ =	shalt  }
tec
execute0_lowered:
.L_overlay_start_1:
0x0: {  	(tag) =	ssettag $0x1  }
0x1: {  	s1 =	srdreg.scid  }
0x2: {  	s0 =	stileid.u32;
	s7 =	rddreg [dreg:$0x0]  }
0x3: {  	s2 =	rddreg [dreg:$0x1];
	s3 =	simm.s32 $0x0;
	s14 =	simm.s32 $0x7000  }
0x4: {  	s18 =	simm.s32 $0x1;
	s19 =	simm.s32 $0x3;
	s20 =	simm.s32 $0x2  }
0x5: {  	s21 =	simm.s32 $0x0;
	s6 =	sand.u32 $0x1, s1;
	s22 =	sshll.u32 s0, $0x1  }
0x6: {  	[smem:$0x7FF] =	sst s3;
	s11 =	sadd.s32 $0x8FA00, s7;
	s12 =	smul.u32 $0x4F000, s0  }
0x7: {  	s26 =	smul.u32 $0x13C00, s0;
	s15 =	sadd.s32 $0x128400, s2;
	p1 =	seq.s32 s0, $0xF  }
0x8: {  	s8 =	sor.u32 s6, s22;
	_ =	strace $0x8000004D;
	s10 =	ssub.s32 $0x2, s6  }
0x9: {  	s24 =	smul.u32 $0x138800, s6;
	s6 =	simm.s32 $0x4B;
	s15 =	sshrl.u32 @p1 s15, $0x3  }
0xa: {  	s16 =	sshll.u32 @!p1 s0, $0x6;
	s4 =	smul.u32 $0x13, s8;
	s5 =	smin.u32 s8, $0x11  }
0xb: {  	s23 =	sshrl.u32 s10, $0x1;
	p0 =	sgt.u32 s8, $0x10;
	s25 =	sshrl.u32 s12, $0x2  }
0xc: {  	s12 =	simm.s32 $0x40;
	s16 =	sor.u32 @!p1 $0x1C03, s16;
	s13 =	ssub.s32 s10, s23  }
0xd: {  	s6 =	simm.s32 @!p0 $0x4F;
	s17 =	sadd.s32 s25, s2;
	s28 =	sadd.s32 s26, s24  }
0xe: {  	s29 =	sshrl.u32 s24, $0x3;
	s5 =	sadd.s32 s5, s4;
	s4 =	sadd.s32 $0x68800, s7  }
0xf: {  	s30 =	sshrl.u32 s28, $0x3;
	s31 =	sadd.s32 s11, s29;
	s5 =	sshll.u32 s5, $0x6  }
0x10: {  	s17 =	sshrl.u32 @!p1 s17, $0x3;
	s10 =	sadd.s32 $0x25080, s31;
	s9 =	sadd.s32 s5, s7  }
0x11: {  	s5 =	sadd.s32 $0x17E00, s7;
	s7 =	sadd.s32 $0x3C00, s9;
	s8 =	sadd.s32 $0xD840, s9  }
0x12: {  	s9 =	sadd.s32 s11, s30;
	s11 =	smax.u32 s13, $0x1;
	s13 =	simm.s32 $0x5000  }
.LBB2_1:
0x13: {  	s25 =	simm.s32 @p0 $0x0;
	s26 =	simm.s32 @p0 $0x3  }
0x14: {  	[tilespmem:s25], [sflag:$0x3] =	stream.linear.gather @p0 [hbm4b:s7+s25], $0x2600, $0x38;
	[tilespmem:$0x1C880] =	vst v63  }
0x15: {  	_ =	swait.ge @p0 [sflag:s26], $0x2600  }
0x16: {  	[sflag:s26] =	ssyncset.done @p0 $0x0  }
0x17: {  	s28 =	simm.s32 @!p0 $0x0;
	s29 =	simm.s32 @!p0 $0x3;
	[sflag:s26] =	ssyncadd.s32 @p0 $0xFFFFDA00  }
0x18: {  	[tilespmem:s28], [sflag:$0x3] =	stream.linear.gather @!p0 [hbm4b:s7+s28], $0x2800, $0x38;
	[tilespmem:$0x1C880] =	vst v63  }
0x19: {  	_ =	swait.ge @!p0 [sflag:s29], $0x2800  }
0x1a: {  	[sflag:s29] =	ssyncset.done @!p0 $0x0  }
0x1b: {  	[sflag:s29] =	ssyncadd.s32 @!p0 $0xFFFFD800  }
0x1c: {  	[tilespmem:s13], [sflag:$0x1] =	stream.indirect.gather [hbm4b:s4+s12], $0x80, s3, s12, $0xb8;
	[tilespmem:$0x1C880] =	vst v63  }
0x1d: {  	s24 =	simm.s32 @p1 $0x1FC3;
	s23 =	simm.s32 @p1 $0x3  }
0x1e: {  	[tilespmem:s14], [sflag:$0x2] =	stream.indirect.gather [hbm4b:s4+s12], $0x80, s12, s12, $0xb8;
	[tilespmem:$0x1C880] =	vst v63  }
0x1f: {  	[spmem:s15], [sflag:s24] =	dma.local @p1 [hbm:s5], $0x2080  }
0x20: {  	_ =	swait.ge @p1 [sflag:s23], $0x2080  }
0x21: {  	[sflag:s23] =	ssyncset.done @p1 $0x0  }
0x22: {  	s22 =	simm.s32 @!p1 $0x3;
	[sflag:s23] =	ssyncadd.s32 @p1 $0xFFFFDF80  }
0x23: {  	[spmem:s17], [sflag:s16] =	dma.local @!p1 [hbm:s5], $0x2780  }
0x24: {  	_ =	swait.ge @!p1 [sflag:s22], $0x2780  }
0x25: {  	[sflag:s22] =	ssyncset.done @!p1 $0x0  }
0x26: {  	s30 =	simm.s32 @p0 $0x2800;
	[sflag:s22] =	ssyncadd.s32 @!p1 $0xFFFFD880  }
0x27: {  	[tilespmem:s30], [sflag:$0x3] =	stream.linear.gather @p0 [hbm4b:s8+s25], $0x2600, $0x38;
	[tilespmem:$0x1C880] =	vst v63  }
0x28: {  	_ =	swait.ge @p0 [sflag:s26], $0x2600  }
0x29: {  	[sflag:s26] =	ssyncset.done @p0 $0x0  }
0x2a: {  	s25 =	simm.s32 @!p0 $0x2800;
	[sflag:s26] =	ssyncadd.s32 @p0 $0xFFFFDA00  }
0x2b: {  	[tilespmem:s25], [sflag:$0x3] =	stream.linear.gather @!p0 [hbm4b:s8+s28], $0x2800, $0x38;
	[tilespmem:$0x1C880] =	vst v63  }
0x2c: {  	_ =	swait.ge @!p0 [sflag:s29], $0x2800  }
0x2d: {  	[sflag:s29] =	ssyncset.done @!p0 $0x0  }
0x2e: {  	[sflag:s29] =	ssyncadd.s32 @!p0 $0xFFFFD800  }
0x2f: {  	[bflag:$0x0] =	sbarrier.arrive $0xFFFF  }
0x30: {  	_ =	swait.ge [sflag:s18], $0x2000  }
0x31: {  	[sflag:s18] =	ssyncset.done $0x0  }
0x32: {  	s1 =	simm.s32 $0x2800;
	[sflag:s18] =	ssyncadd.s32 $0xFFFFE000  }
0x33: {  	[spmem:s2] =	stream.indirect.scatter.add.f32 [tilespmem:s13], [sflag:$0x3], $0x80, s1, s12, $0xb8;
	[tilespmem:$0x1C880] =	vst v63  }
0x34: {  	_ =	swait.ge [sflag:s19], $0x2000  }
0x35: {  	[sflag:s19] =	ssyncset.done $0x0  }
0x36: {  	s26 =	simm.s32 $0x80;
	[sflag:s19] =	ssyncadd.s32 $0xFFFFE000  }
0x37: {  	[tilespmem:s13], [sflag:$0x1] =	stream.indirect.gather [hbm4b:s4+s12], $0x80, s26, s12, $0xb8;
	[tilespmem:$0x1C880] =	vst v63  }
0x38: {  	_ =	swait.ge [sflag:s20], $0x2000  }
0x39: {  	p2 =	sne.s32 s6, $0x1;
	[sflag:s20] =	ssyncset.done $0x0  }
.Ltmp0:
0x3a: {  	s29 =	simm.s32 $0x2840;
	[sflag:s20] =	ssyncadd.s32 $0xFFFFE000;
	(pc) =	sbr.rel @!p2 .LBB2_3-.Ltmp0, $4  }
0x3b: {  	[spmem:s2] =	stream.indirect.scatter.add.f32 [tilespmem:s14], [sflag:$0x3], $0x80, s29, s12, $0xb8;
	[tilespmem:$0x1C880] =	vst v63  }
0x3c: {  	s31 =	simm.s32 $0xC0;
	_ =	swait.ge [sflag:s19], $0x2000  }
0x3d: {  	s30 =	simm.s32 $0xC0;
	s28 =	simm.s32 $0x1;
	[sflag:s19] =	ssyncset.done $0x0  }
0x3e: {  	s25 =	simm.s32 $0x28C0;
	s26 =	simm.s32 $0x140;
	[sflag:s19] =	ssyncadd.s32 $0xFFFFE000  }
.LBB2_2:
0x3f: {  	s29 =	smov.u32 s25;
	s30 =	smov.u32 s26  }
0x40: {  	[tilespmem:s14], [sflag:$0x2] =	stream.indirect.gather [hbm4b:s4+s12], $0x80, s31, s12, $0xb8;
	[tilespmem:$0x1C880] =	vst v63  }
0x41: {  	s28 =	sadd.s32 $0x1, s28;
	s31 =	smov.u32 s26;
	_ =	swait.ge [sflag:s18], $0x2000  }
0x42: {  	p2 =	sne.s32 s6, s28;
	[sflag:s18] =	ssyncset.done $0x0  }
0x43: {  	s1 =	sadd.s32 $0xFFFFFFC0, s25;
	[sflag:s18] =	ssyncadd.s32 $0xFFFFE000  }
0x44: {  	[spmem:s2] =	stream.indirect.scatter.add.f32 [tilespmem:s13], [sflag:$0x3], $0x80, s1, s12, $0xb8;
	[tilespmem:$0x1C880] =	vst v63  }
0x45: {  	_ =	swait.ge [sflag:s19], $0x2000  }
0x46: {  	[sflag:s19] =	ssyncset.done $0x0  }
0x47: {  	s1 =	sadd.s32 $0xFFFFFFC0, s26;
	[sflag:s19] =	ssyncadd.s32 $0xFFFFE000  }
0x48: {  	[tilespmem:s13], [sflag:$0x1] =	stream.indirect.gather [hbm4b:s4+s12], $0x80, s1, s12, $0xb8;
	[tilespmem:$0x1C880] =	vst v63  }
0x49: {  	_ =	swait.ge [sflag:s20], $0x2000  }
0x4a: {  	[sflag:s20] =	ssyncset.done $0x0  }
.Ltmp1:
0x4b: {  	[sflag:s20] =	ssyncadd.s32 $0xFFFFE000;
	(pc) =	sbr.rel @p2 .LBB2_2-.Ltmp1, $4  }
0x4c: {  	[spmem:s2] =	stream.indirect.scatter.add.f32 [tilespmem:s14], [sflag:$0x3], $0x80, s25, s12, $0xb8;
	[tilespmem:$0x1C880] =	vst v63  }
0x4d: {  	_ =	swait.ge [sflag:s19], $0x2000  }
0x4e: {  	[sflag:s19] =	ssyncset.done $0x0  }
0x4f: {  	s26 =	sadd.s32 $0x80, s26;
	s25 =	sadd.s32 $0x80, s25;
	[sflag:s19] =	ssyncadd.s32 $0xFFFFE000  }
.LBB2_3:
0x50: {  	[tilespmem:s14], [sflag:$0x2] =	stream.indirect.gather [hbm4b:s4+s12], $0x80, s31, s12, $0xb8;
	[tilespmem:$0x1C880] =	vst v63  }
0x51: {  	_ =	swait.ge [sflag:s18], $0x2000  }
0x52: {  	[sflag:s18] =	ssyncset.done $0x0  }
0x53: {  	s1 =	sadd.s32 $0x40, s29;
	[sflag:s18] =	ssyncadd.s32 $0xFFFFE000  }
0x54: {  	[spmem:s2] =	stream.indirect.scatter.add.f32 [tilespmem:s13], [sflag:$0x3], $0x80, s1, s12, $0xb8;
	[tilespmem:$0x1C880] =	vst v63  }
0x55: {  	p2 =	slt.u32 s28, s6;
	_ =	swait.ge [sflag:s19], $0x2000  }
0x56: {  	s28 =	simm.s32 @p2 $0x40;
	[sflag:s19] =	ssyncset.done $0x0  }
0x57: {  	s29 =	simm.s32 @p2 $0x5000;
	s1 =	sadd.s32 @p2 $0x40, s30;
	[sflag:s19] =	ssyncadd.s32 $0xFFFFE000  }
0x58: {  	[tilespmem:s29], [sflag:$0x1] =	stream.indirect.gather @p2 [hbm4b:s4+s28], $0x80, s1, s28, $0xb8;
	[tilespmem:$0x1C880] =	vst v63  }
0x59: {  	s1 =	simm.s32 @p2 $0x2  }
0x5a: {  	_ =	swait.ge @p2 [sflag:s1], $0x2000  }
0x5b: {  	[sflag:s1] =	ssyncset.done @p2 $0x0  }
0x5c: {  	s29 =	simm.s32 @p2 $0x3;
	[sflag:s1] =	ssyncadd.s32 @p2 $0xFFFFE000;
	s1 =	simm.s32 @p2 $0x7000  }
0x5d: {  	[spmem:s2] =	stream.indirect.scatter.add.f32 @p2 [tilespmem:s1], [sflag:$0x3], $0x80, s25, s28, $0xb8;
	[tilespmem:$0x1C880] =	vst v63  }
0x5e: {  	_ =	swait.ge @p2 [sflag:s29], $0x2000  }
0x5f: {  	[sflag:s29] =	ssyncset.done @p2 $0x0  }
0x60: {  	[sflag:s29] =	ssyncadd.s32 @p2 $0xFFFFE000  }
0x61: {  	[tilespmem:s1], [sflag:$0x2] =	stream.indirect.gather @p2 [hbm4b:s4+s28], $0x80, s26, s28, $0xb8;
	[tilespmem:$0x1C880] =	vst v63  }
0x62: {  	s1 =	simm.s32 @!p2 $0x2  }
0x63: {  	_ =	swait.ge @!p2 [sflag:s1], $0x2000  }
0x64: {  	[sflag:s1] =	ssyncset.done @!p2 $0x0  }
0x65: {  	s26 =	simm.s32 @!p2 $0x7000;
	[sflag:s1] =	ssyncadd.s32 @!p2 $0xFFFFE000;
	s1 =	simm.s32 @!p2 $0x40  }
0x66: {  	[spmem:s2] =	stream.indirect.scatter.add.f32 @!p2 [tilespmem:s26], [sflag:$0x3], $0x80, s25, s1, $0xb8;
	[tilespmem:$0x1C880] =	vst v63  }
0x67: {  	s1 =	simm.s32 @!p2 $0x3  }
0x68: {  	_ =	swait.ge @!p2 [sflag:s1], $0x2000  }
0x69: {  	[sflag:s1] =	ssyncset.done @!p2 $0x0  }
0x6a: {  	[sflag:s1] =	ssyncadd.s32 @!p2 $0xFFFFE000  }
0x6b: {  	[bflag:$0x0] =	sbarrier.arrive $0xFFFF  }
0x6c: {  	[hbm:s10], [sflag:s24] =	dma.local @p1 [spmem:s15], $0x2080  }
0x6d: {  	s21 =	sadd.s32 $0x1, s21;
	_ =	swait.ge @p1 [sflag:s23], $0x2080  }
0x6e: {  	p2 =	sne.s32 s21, s11;
	[sflag:s23] =	ssyncset.done @p1 $0x0  }
.Ltmp2:
0x6f: {  	[sflag:s23] =	ssyncadd.s32 @p1 $0xFFFFDF80;
	(pc) =	sbr.rel @p2 .LBB2_1-.Ltmp2, $4  }
0x70: {  	[hbm:s9], [sflag:s16] =	dma.local @!p1 [spmem:s17], $0x2780  }
0x71: {  	_ =	swait.ge @!p1 [sflag:s22], $0x2780  }
0x72: {  	[sflag:s22] =	ssyncset.done @!p1 $0x0  }
0x73: {  	[sflag:s22] =	ssyncadd.s32 @!p1 $0xFFFFD880  }
0x74: {  	_ =	sfence.sel $0x180000  }
0x75: {  	[bflag:$0x0] =	sbarrier.arrive $0xFFFF  }
0x76: {  	_ =	strace $0x9000004D  }
0x77: {  	[bflag:$0x2] =	sbarrier.arrive $0xFFFF  }
0x78: {  	p0 =	sne.s32 s0, $0x0;
	s0 =	rddreg [dreg:$0x2]  }
0x79: {  	s0 =	sadd.s32 @!p0 $0x100000, s0  }
0x7a: {  	[sflag:s0] =	ssyncadd.tile.s32 @!p0 $0x1;
	_ =	shalt  }
.Lfunc_end2:
_tile_overlayer_lowered:
.L_overlay_start_2:
0x7b: {  	(tag) =	ssettag $0x2  }
0x7c: {  	s0 =	rddreg [dreg:$0x0];
	s2 =	stileid.u32  }
0x7d: {  	s1 =	rddreg [dreg:$0x1];
	p0 =	sne.s32 s2, $0x0  }
0x7e: {  	s3 =	rddreg [dreg:$0x2];
	[bflag:$0x3] =	sbarrier.arrive $0xFFFF;
	s2 =	simm.s32 @!p0 $0x1C03  }
0x7f: {  	[timem:s3], [sflag:s2] =	dma.local @!p0 [hbm:s0], s1  }
0x80: {  	s0 =	simm.s32 @!p0 $0x3  }
0x81: {  	_ =	swait.ge @!p0 [sflag:s0], s1  }
0x82: {  	s1 =	ssub.s32 @!p0 $0x0, s1;
	[sflag:s0] =	ssyncset.done @!p0 $0x0  }
0x83: {  	[sflag:s0] =	ssyncadd.s32 @!p0 s1  }
0x84: {  	[bflag:$0x3] =	sbarrier.arrive $0xFFFF  }
0x85: {  	_ =	shalt  }

// kernel: kernel.20.cloned.1.call-start
scs
__scs_entry_jumppad:
0x0: {  	(pc) =	sbr.rel $0x88, $3  }
0x1: {  	(tag) =	ssettag $0x0;
	lr =	simm.s32 $0x1  }
0x2: {  	[smem:$0x3F91] =	sst lr;
	_ =	strace $0xD0000000  }
0x3: {  	_ = 	snop  }
0x4: {  	_ = 	snop  }
0x5: {  	_ = 	snop  }
0x6: {  	_ = 	snop  }
0x7: {  	_ = 	snop  }
__scs_overlays_trampoline_lowered:
0x8: {  	[smem:$0x3FA0] =	sst s0  }
0x9: {  	[smem:$0x3FA1] =	sst s1  }
0xa: {  	[smem:$0x3FA2] =	sst s2  }
0xb: {  	[smem:$0x3FA3] =	sst s3  }
0xc: {  	[smem:$0x3FA4] =	sst s4  }
0xd: {  	[smem:$0x3FA5] =	sst s5  }
0xe: {  	[smem:$0x3FA6] =	sst s6  }
0xf: {  	[smem:$0x3FA7] =	sst s7  }
0x10: {  	[smem:$0x3FA8] =	sst s8  }
0x11: {  	[smem:$0x3FA9] =	sst s9;
	s0 =	simm.s32 @!p0 $0x0  }
0x12: {  	s1 =	sld [smem:$0x3F8F];
	s0 =	simm.s32 @p0 $0x1  }
0x13: {  	[smem:$0x3FAA] =	sst s0;
	s0 =	simm.s32 @!p1 $0x0  }
0x14: {  	s2 =	sld [smem:$0x3F8E];
	s0 =	simm.s32 @p1 $0x1  }
0x15: {  	[smem:$0x3FAB] =	sst s0;
	s0 =	simm.s32 @!p2 $0x0  }
0x16: {  	s3 =	sld [smem:$0x3FDB];
	s0 =	simm.s32 @p2 $0x1  }
0x17: {  	s4 =	simm.s32 $0x1BF5;
	[smem:$0x3FAD] =	sst s0  }
0x18: {  	s0 =	sld [smem:$0x3F90];
	_ =	swait.ge [sflag:s4], $0x0  }
0x19: {  	s7 =	sld [smem:$0x3F91]  }
0x1a: {  	s8 =	sadd.s32 $0xFFFFE003, lr  }
0x1b: {  	s9 =	sadd.s32 $0xFFFFFEF7, lr;
	s5 =	simm.s32 $0xFFFFFFFF;
	p2 =	slt.u32 s8, $0xFFFFF086  }
0x1c: {  	p1 =	slt.u32 s9, $0xF7A;
	s5 =	simm.s32 @!p2 $0x0  }
0x1d: {  	s5 =	simm.s32 @p1 $0x1;
	p0 =	seq.s32 s7, s2  }
0x1e: {  	s7 =	smul.u32 @!p0 $0xF7A, s2;
	p2 =	seq.s32 @!p0 s5, $0x0  }
0x1f: {  	s9 =	smul.u32 $0xF7A, s1;
	s8 =	simm.s32 @!p0 $0x1BF5;
	p2 =	por !p2, p0  }
0x20: {  	[sflag:s8] =	ssyncset.s32 @!p0 $0xFFFFF086;
	s6 =	sadd.s32 @!p0 s3, s7;
	s7 =	simm.s32 @!p0 $0x108  }
0x21: {  	s3 =	sadd.s32 s3, s9;
	s6 =	sadd.s32 @!p0 $0x88, s6;
	s7 =	simm.s32 @p2 $0x1082  }
0x22: {  	[simem:s7], [sflag:s8] =	dma.local @!p0 [hbm:s6], $0xF7A  }
0x23: {  	s9 =	sor.u32 $0xD0000000, s2;
	s6 =	simm.s32 $0x108;
	_ =	swait.ge @!p0 [sflag:s8], $0x0  }
0x24: {  	s3 =	sadd.s32 $0x88, s3;
	s6 =	simm.s32 @!p1 $0x1082;
	[sflag:s4] =	ssyncset.s32 $0xFFFFF086  }
0x25: {  	[simem:s6], [sflag:s4] =	dma.local [hbm:s3], $0xF7A  }
0x26: {  	[smem:$0x3F91] =	sst s1;
	(tag) =	ssettag s2;
	_ =	strace s9  }
0x27: {  	s1 =	sld [smem:$0x3FA1]  }
0x28: {  	s2 =	sld [smem:$0x3FA2]  }
0x29: {  	s4 =	sld [smem:$0x3FA4]  }
0x2a: {  	p0 =	seq.s32 s5, $0x0;
	s5 =	sld [smem:$0x3FA5]  }
0x2b: {  	s6 =	sld [smem:$0x3FA6]  }
0x2c: {  	s7 =	sld [smem:$0x3FA7]  }
0x2d: {  	s3 =	simm.s32 $0x108;
	s8 =	sld [smem:$0x3FA8]  }
0x2e: {  	s3 =	simm.s32 @!p0 $0x1082;
	s9 =	sld [smem:$0x3FA9]  }
0x2f: {  	lr =	sadd.s32 s0, s3;
	s0 =	sld [smem:$0x3FA0]  }
0x30: {  	s3 =	sld [smem:$0x3FA3]  }
0x31: {  	[smem:$0x3FAC] =	sst s10  }
0x32: {  	s10 =	sld [smem:$0x3FAA];
	_ =	sdelay $0x3  }
0x33: {  	p0 =	seq.s32 s10, $0x1;
	s10 =	sld [smem:$0x3FAC];
	_ =	sdelay $0x3  }
0x34: {  	[smem:$0x3FAC] =	sst s10  }
0x35: {  	s10 =	sld [smem:$0x3FAB];
	_ =	sdelay $0x3  }
0x36: {  	p1 =	seq.s32 s10, $0x1;
	s10 =	sld [smem:$0x3FAC];
	_ =	sdelay $0x3  }
0x37: {  	[smem:$0x3FAC] =	sst s10  }
0x38: {  	s10 =	sld [smem:$0x3FAD]  }
0x39: {  	_ = 	snop;
	(pc) =	sbr.ind lr, $3  }
0x3a: {  	_ = 	snop  }
0x3b: {  	_ = 	snop  }
0x3c: {  	p2 =	seq.s32 s10, $0x1;
	s10 =	sld [smem:$0x3FAC]  }
0x3d: {  	_ =	shalt  }
0x3e: {  	_ =	shalt  }
0x3f: {  	_ =	shalt  }
0x40: {  	_ =	shalt  }
0x41: {  	_ =	shalt  }
0x42: {  	_ =	shalt  }
0x43: {  	_ =	shalt  }
0x44: {  	_ =	shalt  }
0x45: {  	_ =	shalt  }
0x46: {  	_ =	shalt  }
0x47: {  	_ =	shalt  }
0x48: {  	_ =	shalt  }
0x49: {  	_ =	shalt  }
0x4a: {  	_ =	shalt  }
0x4b: {  	_ =	shalt  }
0x4c: {  	_ =	shalt  }
0x4d: {  	_ =	shalt  }
0x4e: {  	_ =	shalt  }
0x4f: {  	_ =	shalt  }
0x50: {  	_ =	shalt  }
0x51: {  	_ =	shalt  }
0x52: {  	_ =	shalt  }
0x53: {  	_ =	shalt  }
0x54: {  	_ =	shalt  }
0x55: {  	_ =	shalt  }
0x56: {  	_ =	shalt  }
0x57: {  	_ =	shalt  }
0x58: {  	_ =	shalt  }
0x59: {  	_ =	shalt  }
0x5a: {  	_ =	shalt  }
0x5b: {  	_ =	shalt  }
0x5c: {  	_ =	shalt  }
0x5d: {  	_ =	shalt  }
0x5e: {  	_ =	shalt  }
0x5f: {  	_ =	shalt  }
0x60: {  	_ =	shalt  }
0x61: {  	_ =	shalt  }
0x62: {  	_ =	shalt  }
0x63: {  	_ =	shalt  }
0x64: {  	_ =	shalt  }
0x65: {  	_ =	shalt  }
0x66: {  	_ =	shalt  }
0x67: {  	_ =	shalt  }
0x68: {  	_ =	shalt  }
0x69: {  	_ =	shalt  }
0x6a: {  	_ =	shalt  }
0x6b: {  	_ =	shalt  }
0x6c: {  	_ =	shalt  }
0x6d: {  	_ =	shalt  }
0x6e: {  	_ =	shalt  }
0x6f: {  	_ =	shalt  }
0x70: {  	_ =	shalt  }
0x71: {  	_ =	shalt  }
0x72: {  	_ =	shalt  }
0x73: {  	_ =	shalt  }
0x74: {  	_ =	shalt  }
0x75: {  	_ =	shalt  }
0x76: {  	_ =	shalt  }
0x77: {  	_ =	shalt  }
0x78: {  	_ =	shalt  }
0x79: {  	_ =	shalt  }
0x7a: {  	_ =	shalt  }
0x7b: {  	_ =	shalt  }
0x7c: {  	_ =	shalt  }
0x7d: {  	_ =	shalt  }
0x7e: {  	_ =	shalt  }
0x7f: {  	_ =	shalt  }
0x80: {  	_ =	shalt  }
0x81: {  	_ =	shalt  }
0x82: {  	_ =	shalt  }
0x83: {  	_ =	shalt  }
0x84: {  	_ =	shalt  }
0x85: {  	_ =	shalt  }
0x86: {  	_ =	shalt  }
0x87: {  	_ =	shalt  }
.Lfunc_end0:
.L_simem_size_0:
called_computation.3_lowered:
.L_overlay_start_0:
0x88: {  	s2 =	sld [smem:$0x3FD9]  }
0x89: {  	s3 =	sld [smem:$0x3FFE];
	_ =	sdelay $0x1  }
0x8a: {  	s1 =	srdreg.scid  }
0x8b: {  	s0 =	sand.u32 $0x1, s1  }
0x8c: {  	s16 =	sshll.u32 s0, $0xA;
	s2 =	sadd.s32 s3, s2  }
0x8d: {  	s2 =	sadd.s32 s2, s16  }
0x8e: {  	[smem:$0x3FB8] =	sst s2  }
0x8f: {  	_ = 	snop  }
0x90: {  	(tm) =	ssettm $0x1  }
0x91: {  	s17 =	sld [smem:$0x3FFB];
	_ =	sdelay $0x3  }
0x92: {  	_ =	strace s17  }
0x93: {  	s2 =	sld [smem:$0x3FFC];
	_ =	sdelay $0x3  }
0x94: {  	_ =	strace s2  }
0x95: {  	s2 =	sld [smem:$0x3FFD];
	_ =	sdelay $0x3  }
0x96: {  	_ =	strace s2  }
0x97: {  	_ =	strace $0x8FFFFFFF  }
0x98: {  	s18 =	sld [smem:$0x3FDB];
	_ =	sdelay $0x1  }
0x99: {  	s19 =	simm.s32 $_scs_section_size  }
0x9a: {  	s4 =	simm.s32 $_size__tile_overlayer_lowered;
	s5 =	simm.s32 $_tile_overlayer_lowered  }
0x9b: {  	s22 =	simm.s32 $0x1BFF;
	s21 =	sshll.u32 s5, $0x1;
	s2 =	sadd.s32 s19, s18  }
0x9c: {  	s6 =	simm.s32 $0x0;
	s20 =	sshll.u32 s4, $0x1;
	s4 =	sadd.s32 s21, s2  }
0x9d: {  	[timem:s6], [sflag:s22] =	dma.local [hbm:s4], s20  }
0x9e: {  	_ =	swait.ge [sflag:s22], s20  }
0x9f: {  	s3 =	ssub.s32 $0x0, s20;
	[sflag:s22] =	ssyncset.done $0x0  }
0xa0: {  	[sflag:s22] =	ssyncadd.s32 s3;
	_ =	sdelay $0x1  }
0xa1: {  	s23 =	simm.s32 $0x1B8B  }
0xa2: {  	_ =	swait.ge [sflag:s23], $0x1  }
0xa3: {  	[sflag:s23] =	ssyncset.done $0x0  }
0xa4: {  	s25 =	simm.s32 $0x1B8E;
	s24 =	sld [smem:$0x3FFE];
	[sflag:s23] =	ssyncadd.s32 $0xFFFFFFFF  }
0xa5: {  	s26 =	simm.s32 $execute0_lowered;
	[smem:$0x3FD2] =	sst s25  }
0xa6: {  	s4 =	sshll.u32 s26, $0x1;
	_ =	strace $0x8000004F;
	[dreg:$0x1] =	wrdreg $0xFFFFFFFF  }
0xa7: {  	s28 =	simm.s32 $_size_execute0_lowered;
	s2 =	sadd.s32 s2, s4;
	[dreg:$0x0] =	wrdreg $0x0  }
0xa8: {  	s4 =	sshll.u32 s28, $0x1;
	[dreg:$0x2] =	wrdreg s2  }
0xa9: {  	[dreg:$0x3] =	wrdreg s4  }
0xaa: {  	[dreg:$0x4] =	wrdreg $0xC0  }
0xab: {  	_ =	task [dreg:s6], $0x5FFFF  }
0xac: {  	[dreg:$0x1] =	wrdreg $0xFFFFFFFF  }
0xad: {  	[dreg:$0x0] =	wrdreg $0x60  }
0xae: {  	[dreg:$0x2] =	wrdreg s24  }
0xaf: {  	[dreg:$0x3] =	wrdreg $0x90000  }
0xb0: {  	[dreg:$0x4] =	wrdreg $0x9  }
0xb1: {  	_ =	task.clear_ibuf [dreg:s6], $0x5FFFF;
	_ =	strace $0x9000004F  }
0xb2: {  	s29 =	simm.s32 $0x9;
	_ =	strace $0x80000051  }
0xb3: {  	_ =	swait.ge [sflag:s29], $0x1  }
0xb4: {  	[sflag:s29] =	ssyncadd.s32 $0xFFFFFFFF  }
0xb5: {  	_ =	strace $0x90000051  }
0xb6: {  	_ =	sfence  }
0xb7: {  	s30 =	sld [smem:$0x0];
	_ =	sdelay $0x2  }
0xb8: {  	s31 =	sshll.u32 s1, $0xD;
	s1 =	sshrl.u32 s1, $0x2  }
0xb9: {  	s3 =	sand.u32 $0x4000, s31;
	s1 =	sadd.s32 s1, s30  }
0xba: {  	s0 =	sor.u32 s3, s0;
	s1 =	sshll.u32 s1, $0x11  }
0xbb: {  	s0 =	sor.u32 s1, s0  }
0xbc: {  	s0 =	sadd.s32 $0x8F2B, s0  }
0xbd: {  	[sflag:s0] =	ssyncadd.remote.s32 $0x1  }
0xbe: {  	_ =	sfence.sel $0xFFFF  }
0xbf: {  	[dreg:$0x0] =	wrdreg $0xFFFFFFFF;
	(pc) =	sbr.abs _section_cstart, $3  }
0xc0: {  	[dreg:$0x1] =	wrdreg $0xFFFFFFFF  }
0xc1: {  	_ =	task.clear_ibuf [dreg:s6], $0x2FFFF;
	_ =	strace $0x9FFFFFFF  }
0xc2: {  	(tm) =	ssettm $0x7FFFFFFF  }
0xc3: {  	_ =	shalt  }
tec
execute0_lowered:
.L_overlay_start_1:
0x0: {  	(tag) =	ssettag $0x1  }
0x1: {  	s1 =	srdreg.scid  }
0x2: {  	s0 =	stileid.u32;
	s7 =	rddreg [dreg:$0x0]  }
0x3: {  	s2 =	rddreg [dreg:$0x1];
	s3 =	simm.s32 $0x0;
	s14 =	simm.s32 $0x7000  }
0x4: {  	s18 =	simm.s32 $0x1;
	s19 =	simm.s32 $0x3;
	s20 =	simm.s32 $0x2  }
0x5: {  	s21 =	simm.s32 $0x0;
	s6 =	sand.u32 $0x1, s1;
	s22 =	sshll.u32 s0, $0x1  }
0x6: {  	[smem:$0x7FF] =	sst s3;
	s11 =	sadd.s32 $0x8FA00, s7;
	s12 =	smul.u32 $0x4F000, s0  }
0x7: {  	s26 =	smul.u32 $0x13C00, s0;
	s15 =	sadd.s32 $0x128400, s2;
	p1 =	seq.s32 s0, $0xF  }
0x8: {  	s8 =	sor.u32 s6, s22;
	_ =	strace $0x80000050;
	s10 =	ssub.s32 $0x2, s6  }
0x9: {  	s24 =	smul.u32 $0x138800, s6;
	s6 =	simm.s32 $0x4B;
	s15 =	sshrl.u32 @p1 s15, $0x3  }
0xa: {  	s16 =	sshll.u32 @!p1 s0, $0x6;
	s4 =	smul.u32 $0x13, s8;
	s5 =	smin.u32 s8, $0x11  }
0xb: {  	s23 =	sshrl.u32 s10, $0x1;
	p0 =	sgt.u32 s8, $0x10;
	s25 =	sshrl.u32 s12, $0x2  }
0xc: {  	s12 =	simm.s32 $0x40;
	s16 =	sor.u32 @!p1 $0x1C03, s16;
	s13 =	ssub.s32 s10, s23  }
0xd: {  	s6 =	simm.s32 @!p0 $0x4F;
	s17 =	sadd.s32 s25, s2;
	s28 =	sadd.s32 s26, s24  }
0xe: {  	s29 =	sshrl.u32 s24, $0x3;
	s5 =	sadd.s32 s5, s4;
	s4 =	sadd.s32 $0x68800, s7  }
0xf: {  	s30 =	sshrl.u32 s28, $0x3;
	s31 =	sadd.s32 s11, s29;
	s5 =	sshll.u32 s5, $0x6  }
0x10: {  	s17 =	sshrl.u32 @!p1 s17, $0x3;
	s10 =	sadd.s32 $0x25080, s31;
	s9 =	sadd.s32 s5, s7  }
0x11: {  	s5 =	sadd.s32 $0x17E00, s7;
	s7 =	sadd.s32 $0x3C00, s9;
	s8 =	sadd.s32 $0xD840, s9  }
0x12: {  	s9 =	sadd.s32 s11, s30;
	s11 =	smax.u32 s13, $0x1;
	s13 =	simm.s32 $0x5000  }
.LBB2_1:
0x13: {  	s25 =	simm.s32 @p0 $0x0;
	s26 =	simm.s32 @p0 $0x3  }
0x14: {  	[tilespmem:s25], [sflag:$0x3] =	stream.linear.gather @p0 [hbm4b:s7+s25], $0x2600, $0x38;
	[tilespmem:$0x1C880] =	vst v63  }
0x15: {  	_ =	swait.ge @p0 [sflag:s26], $0x2600  }
0x16: {  	[sflag:s26] =	ssyncset.done @p0 $0x0  }
0x17: {  	s28 =	simm.s32 @!p0 $0x0;
	s29 =	simm.s32 @!p0 $0x3;
	[sflag:s26] =	ssyncadd.s32 @p0 $0xFFFFDA00  }
0x18: {  	[tilespmem:s28], [sflag:$0x3] =	stream.linear.gather @!p0 [hbm4b:s7+s28], $0x2800, $0x38;
	[tilespmem:$0x1C880] =	vst v63  }
0x19: {  	_ =	swait.ge @!p0 [sflag:s29], $0x2800  }
0x1a: {  	[sflag:s29] =	ssyncset.done @!p0 $0x0  }
0x1b: {  	[sflag:s29] =	ssyncadd.s32 @!p0 $0xFFFFD800  }
0x1c: {  	[tilespmem:s13], [sflag:$0x1] =	stream.indirect.gather [hbm4b:s4+s12], $0x80, s3, s12, $0xb8;
	[tilespmem:$0x1C880] =	vst v63  }
0x1d: {  	s24 =	simm.s32 @p1 $0x1FC3;
	s23 =	simm.s32 @p1 $0x3  }
0x1e: {  	[tilespmem:s14], [sflag:$0x2] =	stream.indirect.gather [hbm4b:s4+s12], $0x80, s12, s12, $0xb8;
	[tilespmem:$0x1C880] =	vst v63  }
0x1f: {  	[spmem:s15], [sflag:s24] =	dma.local @p1 [hbm:s5], $0x2080  }
0x20: {  	_ =	swait.ge @p1 [sflag:s23], $0x2080  }
0x21: {  	[sflag:s23] =	ssyncset.done @p1 $0x0  }
0x22: {  	s22 =	simm.s32 @!p1 $0x3;
	[sflag:s23] =	ssyncadd.s32 @p1 $0xFFFFDF80  }
0x23: {  	[spmem:s17], [sflag:s16] =	dma.local @!p1 [hbm:s5], $0x2780  }
0x24: {  	_ =	swait.ge @!p1 [sflag:s22], $0x2780  }
0x25: {  	[sflag:s22] =	ssyncset.done @!p1 $0x0  }
0x26: {  	s30 =	simm.s32 @p0 $0x2800;
	[sflag:s22] =	ssyncadd.s32 @!p1 $0xFFFFD880  }
0x27: {  	[tilespmem:s30], [sflag:$0x3] =	stream.linear.gather @p0 [hbm4b:s8+s25], $0x2600, $0x38;
	[tilespmem:$0x1C880] =	vst v63  }
0x28: {  	_ =	swait.ge @p0 [sflag:s26], $0x2600  }
0x29: {  	[sflag:s26] =	ssyncset.done @p0 $0x0  }
0x2a: {  	s25 =	simm.s32 @!p0 $0x2800;
	[sflag:s26] =	ssyncadd.s32 @p0 $0xFFFFDA00  }
0x2b: {  	[tilespmem:s25], [sflag:$0x3] =	stream.linear.gather @!p0 [hbm4b:s8+s28], $0x2800, $0x38;
	[tilespmem:$0x1C880] =	vst v63  }
0x2c: {  	_ =	swait.ge @!p0 [sflag:s29], $0x2800  }
0x2d: {  	[sflag:s29] =	ssyncset.done @!p0 $0x0  }
0x2e: {  	[sflag:s29] =	ssyncadd.s32 @!p0 $0xFFFFD800  }
0x2f: {  	[bflag:$0x0] =	sbarrier.arrive $0xFFFF  }
0x30: {  	_ =	swait.ge [sflag:s18], $0x2000  }
0x31: {  	[sflag:s18] =	ssyncset.done $0x0  }
0x32: {  	s1 =	simm.s32 $0x2800;
	[sflag:s18] =	ssyncadd.s32 $0xFFFFE000  }
0x33: {  	[spmem:s2] =	stream.indirect.scatter.add.f32 [tilespmem:s13], [sflag:$0x3], $0x80, s1, s12, $0xb8;
	[tilespmem:$0x1C880] =	vst v63  }
0x34: {  	_ =	swait.ge [sflag:s19], $0x2000  }
0x35: {  	[sflag:s19] =	ssyncset.done $0x0  }
0x36: {  	s26 =	simm.s32 $0x80;
	[sflag:s19] =	ssyncadd.s32 $0xFFFFE000  }
0x37: {  	[tilespmem:s13], [sflag:$0x1] =	stream.indirect.gather [hbm4b:s4+s12], $0x80, s26, s12, $0xb8;
	[tilespmem:$0x1C880] =	vst v63  }
0x38: {  	_ =	swait.ge [sflag:s20], $0x2000  }
0x39: {  	p2 =	sne.s32 s6, $0x1;
	[sflag:s20] =	ssyncset.done $0x0  }
.Ltmp0:
0x3a: {  	s29 =	simm.s32 $0x2840;
	[sflag:s20] =	ssyncadd.s32 $0xFFFFE000;
	(pc) =	sbr.rel @!p2 .LBB2_3-.Ltmp0, $4  }
0x3b: {  	[spmem:s2] =	stream.indirect.scatter.add.f32 [tilespmem:s14], [sflag:$0x3], $0x80, s29, s12, $0xb8;
	[tilespmem:$0x1C880] =	vst v63  }
0x3c: {  	s31 =	simm.s32 $0xC0;
	_ =	swait.ge [sflag:s19], $0x2000  }
0x3d: {  	s30 =	simm.s32 $0xC0;
	s28 =	simm.s32 $0x1;
	[sflag:s19] =	ssyncset.done $0x0  }
0x3e: {  	s25 =	simm.s32 $0x28C0;
	s26 =	simm.s32 $0x140;
	[sflag:s19] =	ssyncadd.s32 $0xFFFFE000  }
.LBB2_2:
0x3f: {  	s29 =	smov.u32 s25;
	s30 =	smov.u32 s26  }
0x40: {  	[tilespmem:s14], [sflag:$0x2] =	stream.indirect.gather [hbm4b:s4+s12], $0x80, s31, s12, $0xb8;
	[tilespmem:$0x1C880] =	vst v63  }
0x41: {  	s28 =	sadd.s32 $0x1, s28;
	s31 =	smov.u32 s26;
	_ =	swait.ge [sflag:s18], $0x2000  }
0x42: {  	p2 =	sne.s32 s6, s28;
	[sflag:s18] =	ssyncset.done $0x0  }
0x43: {  	s1 =	sadd.s32 $0xFFFFFFC0, s25;
	[sflag:s18] =	ssyncadd.s32 $0xFFFFE000  }
0x44: {  	[spmem:s2] =	stream.indirect.scatter.add.f32 [tilespmem:s13], [sflag:$0x3], $0x80, s1, s12, $0xb8;
	[tilespmem:$0x1C880] =	vst v63  }
0x45: {  	_ =	swait.ge [sflag:s19], $0x2000  }
0x46: {  	[sflag:s19] =	ssyncset.done $0x0  }
0x47: {  	s1 =	sadd.s32 $0xFFFFFFC0, s26;
	[sflag:s19] =	ssyncadd.s32 $0xFFFFE000  }
0x48: {  	[tilespmem:s13], [sflag:$0x1] =	stream.indirect.gather [hbm4b:s4+s12], $0x80, s1, s12, $0xb8;
	[tilespmem:$0x1C880] =	vst v63  }
0x49: {  	_ =	swait.ge [sflag:s20], $0x2000  }
0x4a: {  	[sflag:s20] =	ssyncset.done $0x0  }
.Ltmp1:
0x4b: {  	[sflag:s20] =	ssyncadd.s32 $0xFFFFE000;
	(pc) =	sbr.rel @p2 .LBB2_2-.Ltmp1, $4  }
0x4c: {  	[spmem:s2] =	stream.indirect.scatter.add.f32 [tilespmem:s14], [sflag:$0x3], $0x80, s25, s12, $0xb8;
	[tilespmem:$0x1C880] =	vst v63  }
0x4d: {  	_ =	swait.ge [sflag:s19], $0x2000  }
0x4e: {  	[sflag:s19] =	ssyncset.done $0x0  }
0x4f: {  	s26 =	sadd.s32 $0x80, s26;
	s25 =	sadd.s32 $0x80, s25;
	[sflag:s19] =	ssyncadd.s32 $0xFFFFE000  }
.LBB2_3:
0x50: {  	[tilespmem:s14], [sflag:$0x2] =	stream.indirect.gather [hbm4b:s4+s12], $0x80, s31, s12, $0xb8;
	[tilespmem:$0x1C880] =	vst v63  }
0x51: {  	_ =	swait.ge [sflag:s18], $0x2000  }
0x52: {  	[sflag:s18] =	ssyncset.done $0x0  }
0x53: {  	s1 =	sadd.s32 $0x40, s29;
	[sflag:s18] =	ssyncadd.s32 $0xFFFFE000  }
0x54: {  	[spmem:s2] =	stream.indirect.scatter.add.f32 [tilespmem:s13], [sflag:$0x3], $0x80, s1, s12, $0xb8;
	[tilespmem:$0x1C880] =	vst v63  }
0x55: {  	p2 =	slt.u32 s28, s6;
	_ =	swait.ge [sflag:s19], $0x2000  }
0x56: {  	s28 =	simm.s32 @p2 $0x40;
	[sflag:s19] =	ssyncset.done $0x0  }
0x57: {  	s29 =	simm.s32 @p2 $0x5000;
	s1 =	sadd.s32 @p2 $0x40, s30;
	[sflag:s19] =	ssyncadd.s32 $0xFFFFE000  }
0x58: {  	[tilespmem:s29], [sflag:$0x1] =	stream.indirect.gather @p2 [hbm4b:s4+s28], $0x80, s1, s28, $0xb8;
	[tilespmem:$0x1C880] =	vst v63  }
0x59: {  	s1 =	simm.s32 @p2 $0x2  }
0x5a: {  	_ =	swait.ge @p2 [sflag:s1], $0x2000  }
0x5b: {  	[sflag:s1] =	ssyncset.done @p2 $0x0  }
0x5c: {  	s29 =	simm.s32 @p2 $0x3;
	[sflag:s1] =	ssyncadd.s32 @p2 $0xFFFFE000;
	s1 =	simm.s32 @p2 $0x7000  }
0x5d: {  	[spmem:s2] =	stream.indirect.scatter.add.f32 @p2 [tilespmem:s1], [sflag:$0x3], $0x80, s25, s28, $0xb8;
	[tilespmem:$0x1C880] =	vst v63  }
0x5e: {  	_ =	swait.ge @p2 [sflag:s29], $0x2000  }
0x5f: {  	[sflag:s29] =	ssyncset.done @p2 $0x0  }
0x60: {  	[sflag:s29] =	ssyncadd.s32 @p2 $0xFFFFE000  }
0x61: {  	[tilespmem:s1], [sflag:$0x2] =	stream.indirect.gather @p2 [hbm4b:s4+s28], $0x80, s26, s28, $0xb8;
	[tilespmem:$0x1C880] =	vst v63  }
0x62: {  	s1 =	simm.s32 @!p2 $0x2  }
0x63: {  	_ =	swait.ge @!p2 [sflag:s1], $0x2000  }
0x64: {  	[sflag:s1] =	ssyncset.done @!p2 $0x0  }
0x65: {  	s26 =	simm.s32 @!p2 $0x7000;
	[sflag:s1] =	ssyncadd.s32 @!p2 $0xFFFFE000;
	s1 =	simm.s32 @!p2 $0x40  }
0x66: {  	[spmem:s2] =	stream.indirect.scatter.add.f32 @!p2 [tilespmem:s26], [sflag:$0x3], $0x80, s25, s1, $0xb8;
	[tilespmem:$0x1C880] =	vst v63  }
0x67: {  	s1 =	simm.s32 @!p2 $0x3  }
0x68: {  	_ =	swait.ge @!p2 [sflag:s1], $0x2000  }
0x69: {  	[sflag:s1] =	ssyncset.done @!p2 $0x0  }
0x6a: {  	[sflag:s1] =	ssyncadd.s32 @!p2 $0xFFFFE000  }
0x6b: {  	[bflag:$0x0] =	sbarrier.arrive $0xFFFF  }
0x6c: {  	[hbm:s10], [sflag:s24] =	dma.local @p1 [spmem:s15], $0x2080  }
0x6d: {  	s21 =	sadd.s32 $0x1, s21;
	_ =	swait.ge @p1 [sflag:s23], $0x2080  }
0x6e: {  	p2 =	sne.s32 s21, s11;
	[sflag:s23] =	ssyncset.done @p1 $0x0  }
.Ltmp2:
0x6f: {  	[sflag:s23] =	ssyncadd.s32 @p1 $0xFFFFDF80;
	(pc) =	sbr.rel @p2 .LBB2_1-.Ltmp2, $4  }
0x70: {  	[hbm:s9], [sflag:s16] =	dma.local @!p1 [spmem:s17], $0x2780  }
0x71: {  	_ =	swait.ge @!p1 [sflag:s22], $0x2780  }
0x72: {  	[sflag:s22] =	ssyncset.done @!p1 $0x0  }
0x73: {  	[sflag:s22] =	ssyncadd.s32 @!p1 $0xFFFFD880  }
0x74: {  	_ =	sfence.sel $0x180000  }
0x75: {  	[bflag:$0x0] =	sbarrier.arrive $0xFFFF  }
0x76: {  	_ =	strace $0x90000050  }
0x77: {  	[bflag:$0x2] =	sbarrier.arrive $0xFFFF  }
0x78: {  	p0 =	sne.s32 s0, $0x0;
	s0 =	rddreg [dreg:$0x2]  }
0x79: {  	s0 =	sadd.s32 @!p0 $0x100000, s0  }
0x7a: {  	[sflag:s0] =	ssyncadd.tile.s32 @!p0 $0x1;
	_ =	shalt  }
.Lfunc_end2:
_tile_overlayer_lowered:
.L_overlay_start_2:
0x7b: {  	(tag) =	ssettag $0x2  }
0x7c: {  	s0 =	rddreg [dreg:$0x0];
	s2 =	stileid.u32  }
0x7d: {  	s1 =	rddreg [dreg:$0x1];
	p0 =	sne.s32 s2, $0x0  }
0x7e: {  	s3 =	rddreg [dreg:$0x2];
	[bflag:$0x3] =	sbarrier.arrive $0xFFFF;
	s2 =	simm.s32 @!p0 $0x1C03  }
0x7f: {  	[timem:s3], [sflag:s2] =	dma.local @!p0 [hbm:s0], s1  }
0x80: {  	s0 =	simm.s32 @!p0 $0x3  }
0x81: {  	_ =	swait.ge @!p0 [sflag:s0], s1  }
0x82: {  	s1 =	ssub.s32 @!p0 $0x0, s1;
	[sflag:s0] =	ssyncset.done @!p0 $0x0  }
0x83: {  	[sflag:s0] =	ssyncadd.s32 @!p0 s1  }
0x84: {  	[bflag:$0x3] =	sbarrier.arrive $0xFFFF  }
0x85: {  	_ =	shalt  }

</sc_bundles>
